<compile_context>
chip_gen: v7x
topology: tpu7x:2x2x1
jax: 0.10.2.dev20260603
libtpu: 0.0.44.dev20260713+nightly
codegen_flags: <defaults>
</compile_context>

<pallas_src>
import functools

import jax
import jax.numpy as jnp
from jax import lax
from jax.experimental import pallas as pl
from jax.experimental.pallas import tpu as pltpu
from jax.experimental.pallas import tpu_sc as plsc

LAT_R = 256
LAT_C = 256
HALF = LAT_C // 2
TILE_R = 8
TILE_C = 128


@functools.lru_cache(maxsize=None)
def _make_sc_split(num_rows: int):
    info = plsc.get_sparse_core_info()
    NC, NS, L = info.num_cores, info.num_subcores, info.num_lanes
    NW = NC * NS
    rows_per_w = num_rows // NW
    R = 32
    NBUF = 4
    n_chunks = rows_per_w // R
    n_vregs = HALF // L

    mesh = plsc.VectorSubcoreMesh(core_axis_name="c", subcore_axis_name="s")

    @functools.partial(
        pl.kernel,
        mesh=mesh,
        out_type=(
            jax.ShapeDtypeStruct((num_rows * HALF,), jnp.float32),
            jax.ShapeDtypeStruct((num_rows * HALF,), jnp.float32),
        ),
        scratch_types=(
            [pltpu.VMEM((R * LAT_C,), jnp.float32)] * NBUF
            + [pltpu.VMEM((R * HALF,), jnp.float32)] * (2 * NBUF)
            + [pltpu.SemaphoreType.DMA] * (3 * NBUF)
        ),
        compiler_params=pltpu.CompilerParams(needs_layout_passes=False),
    )
    def sc_split(x_hbm, even_hbm, odd_hbm, *bufs):
        in_v = bufs[:NBUF]
        ev_v = bufs[NBUF : 2 * NBUF]
        od_v = bufs[2 * NBUF : 3 * NBUF]
        in_s = bufs[3 * NBUF : 4 * NBUF]
        ev_s = bufs[4 * NBUF : 5 * NBUF]
        od_s = bufs[5 * NBUF : 6 * NBUF]

        wid = lax.axis_index("s") * NC + lax.axis_index("c")
        base_row = wid * rows_per_w

        two_iota = lax.iota(jnp.int32, L) * 2

        def colmap(c):
            return c + (TILE_R - 1) * TILE_C * (c >> 7)

        ce_c = [colmap(two_iota + 2 * L * kk) for kk in range(n_vregs)]
        cr3_c = colmap(two_iota + 2 * L * 3 + 2)
        cr7_c = colmap(jnp.bitwise_and(two_iota + 2 * L * 7 + 2, LAT_C - 1))

        def in_slice(c):
            return x_hbm.at[pl.ds((base_row + c * R) * LAT_C, R * LAT_C)]

        def out_slice(hbm, c):
            return hbm.at[pl.ds((base_row + c * R) * HALF, R * HALF)]

        def compute_chunk(in_ref, ev_ref, od_ref):
            @plsc.parallel_loop(0, R // 2, 1, unroll=1)
            def _(rp):
                base_e = (rp >> 2) * 2048 + (rp & 3) * 256
                base_o = base_e + TILE_C
                out_e = rp * (2 * HALF)
                out_o = out_e + HALF
                for kk in range(n_vregs):
                    idx_e = ce_c[kk] + base_e
                    if kk == 3:
                        idx_r = cr3_c + base_o
                    elif kk == 7:
                        idx_r = cr7_c + base_o
                    else:
                        idx_r = idx_e + (TILE_C + 2)
                    ve = plsc.load_gather(in_ref, [idx_e])
                    vo = plsc.load_gather(in_ref, [idx_e + 1])
                    ev_ref[pl.ds(out_e + kk * L, L)] = ve
                    od_ref[pl.ds(out_e + kk * L, L)] = vo
                    ve2 = plsc.load_gather(in_ref, [idx_e + (TILE_C + 1)])
                    vo2 = plsc.load_gather(in_ref, [idx_r])
                    ev_ref[pl.ds(out_o + kk * L, L)] = ve2
                    od_ref[pl.ds(out_o + kk * L, L)] = vo2

        def step(c, b):
            pltpu.make_async_copy(in_slice(c), in_v[b], in_s[b]).wait()

            @pl.when(c >= NBUF)
            def _():
                pltpu.make_async_copy(ev_v[b], out_slice(even_hbm, c), ev_s[b]).wait()
                pltpu.make_async_copy(od_v[b], out_slice(odd_hbm, c), od_s[b]).wait()

            compute_chunk(in_v[b], ev_v[b], od_v[b])

            @pl.when(c + NBUF < n_chunks)
            def _():
                pltpu.async_copy(in_slice(c + NBUF), in_v[b], in_s[b])

            pltpu.async_copy(ev_v[b], out_slice(even_hbm, c), ev_s[b])
            pltpu.async_copy(od_v[b], out_slice(odd_hbm, c), od_s[b])

        for b in range(NBUF):
            pltpu.async_copy(in_slice(b), in_v[b], in_s[b])

        def g_body(g, carry):
            for b in range(NBUF):
                step(g * NBUF + b, b)
            return carry

        lax.fori_loop(0, n_chunks // NBUF, g_body, 0)

        for b in range(NBUF):
            pltpu.make_async_copy(ev_v[b], out_slice(even_hbm, 0), ev_s[b]).wait()
            pltpu.make_async_copy(od_v[b], out_slice(odd_hbm, 0), od_s[b]).wait()

    return sc_split


def kernel(x):
    num_samples = x.shape[0]
    num_rows = num_samples * LAT_R
    x_view = (
        x.reshape(num_rows // TILE_R, TILE_R, 2, TILE_C)
        .transpose(0, 2, 1, 3)
        .reshape(num_rows * LAT_C)
    )
    even, odd = _make_sc_split(num_rows)(x_view)
    shape = (num_samples, LAT_R, HALF)
    return (even.reshape(shape), odd.reshape(shape))

# --- scband reference (transcript-rebuilt; emitter-appended) ---
"""Pipeline reference for scband-checker-split-57775900066329 (READ-ONLY COPY).

The authoritative reference and input builder live on the scoring server;
editing this copy changes nothing except your own understanding.
"""

import jax, jax.numpy as jnp
import numpy as np

LATENT_SHAPE = (256, 256)
NUM_SAMPLES = 1024


def _permute_idx(latent_shape):
    idx = np.arange(int(np.prod(latent_shape))).reshape(latent_shape)
    checker_idx = idx.copy()
    checker_idx[1::2] = np.roll(idx[1::2], -1, axis=-1)
    even_idx = checker_idx[..., ::2].ravel()
    odd_idx = checker_idx[..., 1::2].ravel()
    return np.concatenate((even_idx, odd_idx))


def setup_inputs(seed: int = 0) -> dict:
    key = jax.random.key(seed)
    x = jax.random.normal(key, (NUM_SAMPLES,) + LATENT_SHAPE, dtype=jnp.float32)
    return {"x": x}


def reference(x):
    perm = jnp.asarray(_permute_idx(LATENT_SHAPE), dtype=jnp.int32)
    num_samples = x.shape[0]
    flat = x.reshape(num_samples, -1)
    permuted = jnp.take(flat, perm, axis=-1)
    even, odd = jnp.split(permuted, 2, axis=-1)
    half_lattice = (LATENT_SHAPE[0], LATENT_SHAPE[1] // 2)
    shape = (num_samples,) + half_lattice
    return (even.reshape(shape), odd.reshape(shape))

if __name__ == "__main__":
    import jax
    _d = setup_inputs()
    print(jax.jit(kernel)(*tuple(_d.values())))

</pallas_src>

<mosaic_0001>
#map = affine_map<(d0, d1) -> (0)>
module attributes {stable_mosaic.version = 14 : i64} {
  func.func @sc_split(%arg0: i32, %arg1: i32, %arg2: memref<67108864xf32, #tpu.memory_space<hbm>>, %arg3: memref<33554432xf32, #tpu.memory_space<hbm>>, %arg4: memref<33554432xf32, #tpu.memory_space<hbm>>, %arg5: memref<8192xf32, #tpu.memory_space<vmem>>, %arg6: memref<8192xf32, #tpu.memory_space<vmem>>, %arg7: memref<8192xf32, #tpu.memory_space<vmem>>, %arg8: memref<8192xf32, #tpu.memory_space<vmem>>, %arg9: memref<4096xf32, #tpu.memory_space<vmem>>, %arg10: memref<4096xf32, #tpu.memory_space<vmem>>, %arg11: memref<4096xf32, #tpu.memory_space<vmem>>, %arg12: memref<4096xf32, #tpu.memory_space<vmem>>, %arg13: memref<4096xf32, #tpu.memory_space<vmem>>, %arg14: memref<4096xf32, #tpu.memory_space<vmem>>, %arg15: memref<4096xf32, #tpu.memory_space<vmem>>, %arg16: memref<4096xf32, #tpu.memory_space<vmem>>, %arg17: memref<!tpu.dma_semaphore, #tpu.memory_space<semaphore_mem>>, %arg18: memref<!tpu.dma_semaphore, #tpu.memory_space<semaphore_mem>>, %arg19: memref<!tpu.dma_semaphore, #tpu.memory_space<semaphore_mem>>, %arg20: memref<!tpu.dma_semaphore, #tpu.memory_space<semaphore_mem>>, %arg21: memref<!tpu.dma_semaphore, #tpu.memory_space<semaphore_mem>>, %arg22: memref<!tpu.dma_semaphore, #tpu.memory_space<semaphore_mem>>, %arg23: memref<!tpu.dma_semaphore, #tpu.memory_space<semaphore_mem>>, %arg24: memref<!tpu.dma_semaphore, #tpu.memory_space<semaphore_mem>>, %arg25: memref<!tpu.dma_semaphore, #tpu.memory_space<semaphore_mem>>, %arg26: memref<!tpu.dma_semaphore, #tpu.memory_space<semaphore_mem>>, %arg27: memref<!tpu.dma_semaphore, #tpu.memory_space<semaphore_mem>>, %arg28: memref<!tpu.dma_semaphore, #tpu.memory_space<semaphore_mem>>) attributes {dimension_semantics = [#tpu.dimension_semantics<core_parallel>, #tpu.dimension_semantics<subcore_parallel>], iteration_bounds = array<i64: 2, 16>, scalar_prefetch = 0 : i64, scratch_operands = 24 : i64, tpu.core_type = #tpu.core_type<sc_vector_subcore>, window_params = [{transform_indices = #map}, {transform_indices = #map}, {transform_indices = #map}]} {
    %mul3A = arith.constant 2 : i32
    %mul3A_0 = arith.muli %arg1, %mul3A : i32
    %add3A = arith.addi %mul3A_0, %arg0 : i32
    %mul3A_1 = arith.constant 8192 : i32
    %mul3A_2 = arith.muli %add3A, %mul3A_1 : i32
    %iota3A = tpu.iota {dimensions = array<i32: 0>} : vector<16xi32>
    %mul3A_3 = arith.constant 2 : i32
    %mul3A_4 = vector.broadcast %mul3A_3 : i32 to vector<16xi32>
    %mul3A_5 = arith.muli %iota3A, %mul3A_4 : vector<16xi32>
    %add3A_6 = arith.constant 0 : i32
    %add3A_7 = vector.broadcast %add3A_6 : i32 to vector<16xi32>
    %add3A_8 = arith.addi %mul3A_5, %add3A_7 : vector<16xi32>
    %shift_right_arithmetic3A = arith.constant 7 : i32
    %shift_right_arithmetic3A_9 = vector.broadcast %shift_right_arithmetic3A : i32 to vector<16xi32>
    %shift_right_arithmetic3A_10 = arith.shrsi %add3A_8, %shift_right_arithmetic3A_9 : vector<16xi32>
    %mul3A_11 = arith.constant 896 : i32
    %mul3A_12 = vector.broadcast %mul3A_11 : i32 to vector<16xi32>
    %mul3A_13 = arith.muli %mul3A_12, %shift_right_arithmetic3A_10 : vector<16xi32>
    %add3A_14 = arith.addi %add3A_8, %mul3A_13 : vector<16xi32>
    %add3A_15 = arith.constant 32 : i32
    %add3A_16 = vector.broadcast %add3A_15 : i32 to vector<16xi32>
    %add3A_17 = arith.addi %mul3A_5, %add3A_16 : vector<16xi32>
    %shift_right_arithmetic3A_18 = arith.constant 7 : i32
    %shift_right_arithmetic3A_19 = vector.broadcast %shift_right_arithmetic3A_18 : i32 to vector<16xi32>
    %shift_right_arithmetic3A_20 = arith.shrsi %add3A_17, %shift_right_arithmetic3A_19 : vector<16xi32>
    %mul3A_21 = arith.constant 896 : i32
    %mul3A_22 = vector.broadcast %mul3A_21 : i32 to vector<16xi32>
    %mul3A_23 = arith.muli %mul3A_22, %shift_right_arithmetic3A_20 : vector<16xi32>
    %add3A_24 = arith.addi %add3A_17, %mul3A_23 : vector<16xi32>
    %add3A_25 = arith.constant 64 : i32
    %add3A_26 = vector.broadcast %add3A_25 : i32 to vector<16xi32>
    %add3A_27 = arith.addi %mul3A_5, %add3A_26 : vector<16xi32>
    %shift_right_arithmetic3A_28 = arith.constant 7 : i32
    %shift_right_arithmetic3A_29 = vector.broadcast %shift_right_arithmetic3A_28 : i32 to vector<16xi32>
    %shift_right_arithmetic3A_30 = arith.shrsi %add3A_27, %shift_right_arithmetic3A_29 : vector<16xi32>
    %mul3A_31 = arith.constant 896 : i32
    %mul3A_32 = vector.broadcast %mul3A_31 : i32 to vector<16xi32>
    %mul3A_33 = arith.muli %mul3A_32, %shift_right_arithmetic3A_30 : vector<16xi32>
    %add3A_34 = arith.addi %add3A_27, %mul3A_33 : vector<16xi32>
    %add3A_35 = arith.constant 96 : i32
    %add3A_36 = vector.broadcast %add3A_35 : i32 to vector<16xi32>
    %add3A_37 = arith.addi %mul3A_5, %add3A_36 : vector<16xi32>
    %shift_right_arithmetic3A_38 = arith.constant 7 : i32
    %shift_right_arithmetic3A_39 = vector.broadcast %shift_right_arithmetic3A_38 : i32 to vector<16xi32>
    %shift_right_arithmetic3A_40 = arith.shrsi %add3A_37, %shift_right_arithmetic3A_39 : vector<16xi32>
    %mul3A_41 = arith.constant 896 : i32
    %mul3A_42 = vector.broadcast %mul3A_41 : i32 to vector<16xi32>
    %mul3A_43 = arith.muli %mul3A_42, %shift_right_arithmetic3A_40 : vector<16xi32>
    %add3A_44 = arith.addi %add3A_37, %mul3A_43 : vector<16xi32>
    %add3A_45 = arith.constant 128 : i32
    %add3A_46 = vector.broadcast %add3A_45 : i32 to vector<16xi32>
    %add3A_47 = arith.addi %mul3A_5, %add3A_46 : vector<16xi32>
    %shift_right_arithmetic3A_48 = arith.constant 7 : i32
    %shift_right_arithmetic3A_49 = vector.broadcast %shift_right_arithmetic3A_48 : i32 to vector<16xi32>
    %shift_right_arithmetic3A_50 = arith.shrsi %add3A_47, %shift_right_arithmetic3A_49 : vector<16xi32>
    %mul3A_51 = arith.constant 896 : i32
    %mul3A_52 = vector.broadcast %mul3A_51 : i32 to vector<16xi32>
    %mul3A_53 = arith.muli %mul3A_52, %shift_right_arithmetic3A_50 : vector<16xi32>
    %add3A_54 = arith.addi %add3A_47, %mul3A_53 : vector<16xi32>
    %add3A_55 = arith.constant 160 : i32
    %add3A_56 = vector.broadcast %add3A_55 : i32 to vector<16xi32>
    %add3A_57 = arith.addi %mul3A_5, %add3A_56 : vector<16xi32>
    %shift_right_arithmetic3A_58 = arith.constant 7 : i32
    %shift_right_arithmetic3A_59 = vector.broadcast %shift_right_arithmetic3A_58 : i32 to vector<16xi32>
    %shift_right_arithmetic3A_60 = arith.shrsi %add3A_57, %shift_right_arithmetic3A_59 : vector<16xi32>
    %mul3A_61 = arith.constant 896 : i32
    %mul3A_62 = vector.broadcast %mul3A_61 : i32 to vector<16xi32>
    %mul3A_63 = arith.muli %mul3A_62, %shift_right_arithmetic3A_60 : vector<16xi32>
    %add3A_64 = arith.addi %add3A_57, %mul3A_63 : vector<16xi32>
    %add3A_65 = arith.constant 192 : i32
    %add3A_66 = vector.broadcast %add3A_65 : i32 to vector<16xi32>
    %add3A_67 = arith.addi %mul3A_5, %add3A_66 : vector<16xi32>
    %shift_right_arithmetic3A_68 = arith.constant 7 : i32
    %shift_right_arithmetic3A_69 = vector.broadcast %shift_right_arithmetic3A_68 : i32 to vector<16xi32>
    %shift_right_arithmetic3A_70 = arith.shrsi %add3A_67, %shift_right_arithmetic3A_69 : vector<16xi32>
    %mul3A_71 = arith.constant 896 : i32
    %mul3A_72 = vector.broadcast %mul3A_71 : i32 to vector<16xi32>
    %mul3A_73 = arith.muli %mul3A_72, %shift_right_arithmetic3A_70 : vector<16xi32>
    %add3A_74 = arith.addi %add3A_67, %mul3A_73 : vector<16xi32>
    %add3A_75 = arith.constant 224 : i32
    %add3A_76 = vector.broadcast %add3A_75 : i32 to vector<16xi32>
    %add3A_77 = arith.addi %mul3A_5, %add3A_76 : vector<16xi32>
    %shift_right_arithmetic3A_78 = arith.constant 7 : i32
    %shift_right_arithmetic3A_79 = vector.broadcast %shift_right_arithmetic3A_78 : i32 to vector<16xi32>
    %shift_right_arithmetic3A_80 = arith.shrsi %add3A_77, %shift_right_arithmetic3A_79 : vector<16xi32>
    %mul3A_81 = arith.constant 896 : i32
    %mul3A_82 = vector.broadcast %mul3A_81 : i32 to vector<16xi32>
    %mul3A_83 = arith.muli %mul3A_82, %shift_right_arithmetic3A_80 : vector<16xi32>
    %add3A_84 = arith.addi %add3A_77, %mul3A_83 : vector<16xi32>
    %add3A_85 = arith.constant 96 : i32
    %add3A_86 = vector.broadcast %add3A_85 : i32 to vector<16xi32>
    %add3A_87 = arith.addi %mul3A_5, %add3A_86 : vector<16xi32>
    %add3A_88 = arith.constant 2 : i32
    %add3A_89 = vector.broadcast %add3A_88 : i32 to vector<16xi32>
    %add3A_90 = arith.addi %add3A_87, %add3A_89 : vector<16xi32>
    %shift_right_arithmetic3A_91 = arith.constant 7 : i32
    %shift_right_arithmetic3A_92 = vector.broadcast %shift_right_arithmetic3A_91 : i32 to vector<16xi32>
    %shift_right_arithmetic3A_93 = arith.shrsi %add3A_90, %shift_right_arithmetic3A_92 : vector<16xi32>
    %mul3A_94 = arith.constant 896 : i32
    %mul3A_95 = vector.broadcast %mul3A_94 : i32 to vector<16xi32>
    %mul3A_96 = arith.muli %mul3A_95, %shift_right_arithmetic3A_93 : vector<16xi32>
    %add3A_97 = arith.addi %add3A_90, %mul3A_96 : vector<16xi32>
    %add3A_98 = arith.constant 224 : i32
    %add3A_99 = vector.broadcast %add3A_98 : i32 to vector<16xi32>
    %add3A_100 = arith.addi %mul3A_5, %add3A_99 : vector<16xi32>
    %add3A_101 = arith.constant 2 : i32
    %add3A_102 = vector.broadcast %add3A_101 : i32 to vector<16xi32>
    %add3A_103 = arith.addi %add3A_100, %add3A_102 : vector<16xi32>
    %and3A = arith.constant 255 : i32
    %and3A_104 = vector.broadcast %and3A : i32 to vector<16xi32>
    %and3A_105 = arith.andi %add3A_103, %and3A_104 : vector<16xi32>
    %shift_right_arithmetic3A_106 = arith.constant 7 : i32
    %shift_right_arithmetic3A_107 = vector.broadcast %shift_right_arithmetic3A_106 : i32 to vector<16xi32>
    %shift_right_arithmetic3A_108 = arith.shrsi %and3A_105, %shift_right_arithmetic3A_107 : vector<16xi32>
    %mul3A_109 = arith.constant 896 : i32
    %mul3A_110 = vector.broadcast %mul3A_109 : i32 to vector<16xi32>
    %mul3A_111 = arith.muli %mul3A_110, %shift_right_arithmetic3A_108 : vector<16xi32>
    %add3A_112 = arith.addi %and3A_105, %mul3A_111 : vector<16xi32>
    %add3A_113 = arith.constant 0 : i32
    %add3A_114 = arith.addi %mul3A_2, %add3A_113 : i32
    %mul3A_115 = arith.constant 256 : i32
    %mul3A_116 = arith.muli %add3A_114, %mul3A_115 : i32
    %dma_start3A = tpu.memref_slice %arg2[%mul3A_116] : memref<67108864xf32, #tpu.memory_space<hbm>> -> memref<8192xf32, #tpu.memory_space<hbm>>
    %dma_start3A_117 = tpu.memref_slice %arg2[%mul3A_116] : memref<67108864xf32, #tpu.memory_space<hbm>> -> memref<8192xf32, #tpu.memory_space<hbm>>
    tpu.enqueue_dma source(%dma_start3A_117 : memref<8192xf32, #tpu.memory_space<hbm>>) target(%arg5 : memref<8192xf32, #tpu.memory_space<vmem>>) target_semaphore(%arg17 : memref<!tpu.dma_semaphore, #tpu.memory_space<semaphore_mem>>)
    %add3A_118 = arith.constant 32 : i32
    %add3A_119 = arith.addi %mul3A_2, %add3A_118 : i32
    %mul3A_120 = arith.constant 256 : i32
    %mul3A_121 = arith.muli %add3A_119, %mul3A_120 : i32
    %dma_start3A_122 = tpu.memref_slice %arg2[%mul3A_121] : memref<67108864xf32, #tpu.memory_space<hbm>> -> memref<8192xf32, #tpu.memory_space<hbm>>
    %dma_start3A_123 = tpu.memref_slice %arg2[%mul3A_121] : memref<67108864xf32, #tpu.memory_space<hbm>> -> memref<8192xf32, #tpu.memory_space<hbm>>
    tpu.enqueue_dma source(%dma_start3A_123 : memref<8192xf32, #tpu.memory_space<hbm>>) target(%arg6 : memref<8192xf32, #tpu.memory_space<vmem>>) target_semaphore(%arg18 : memref<!tpu.dma_semaphore, #tpu.memory_space<semaphore_mem>>)
    %add3A_124 = arith.constant 64 : i32
    %add3A_125 = arith.addi %mul3A_2, %add3A_124 : i32
    %mul3A_126 = arith.constant 256 : i32
    %mul3A_127 = arith.muli %add3A_125, %mul3A_126 : i32
    %dma_start3A_128 = tpu.memref_slice %arg2[%mul3A_127] : memref<67108864xf32, #tpu.memory_space<hbm>> -> memref<8192xf32, #tpu.memory_space<hbm>>
    %dma_start3A_129 = tpu.memref_slice %arg2[%mul3A_127] : memref<67108864xf32, #tpu.memory_space<hbm>> -> memref<8192xf32, #tpu.memory_space<hbm>>
    tpu.enqueue_dma source(%dma_start3A_129 : memref<8192xf32, #tpu.memory_space<hbm>>) target(%arg7 : memref<8192xf32, #tpu.memory_space<vmem>>) target_semaphore(%arg19 : memref<!tpu.dma_semaphore, #tpu.memory_space<semaphore_mem>>)
    %add3A_130 = arith.constant 96 : i32
    %add3A_131 = arith.addi %mul3A_2, %add3A_130 : i32
    %mul3A_132 = arith.constant 256 : i32
    %mul3A_133 = arith.muli %add3A_131, %mul3A_132 : i32
    %dma_start3A_134 = tpu.memref_slice %arg2[%mul3A_133] : memref<67108864xf32, #tpu.memory_space<hbm>> -> memref<8192xf32, #tpu.memory_space<hbm>>
    %dma_start3A_135 = tpu.memref_slice %arg2[%mul3A_133] : memref<67108864xf32, #tpu.memory_space<hbm>> -> memref<8192xf32, #tpu.memory_space<hbm>>
    tpu.enqueue_dma source(%dma_start3A_135 : memref<8192xf32, #tpu.memory_space<hbm>>) target(%arg8 : memref<8192xf32, #tpu.memory_space<vmem>>) target_semaphore(%arg20 : memref<!tpu.dma_semaphore, #tpu.memory_space<semaphore_mem>>)
    %scan3A = arith.constant 0 : i32
    %scan3A_136 = arith.constant 0 : i32
    %scan3A_137 = arith.constant 64 : i32
    %scan3A_138 = arith.addi %scan3A_136, %scan3A_137 : i32
    %scan3A_139 = arith.constant 1 : i32
    scf.for %scan3A_188 = %scan3A_136 to %scan3A_138 step %scan3A_139  : i32 {
      %mul3A_189 = arith.constant 4 : i32
      %mul3A_190 = arith.muli %scan3A_188, %mul3A_189 : i32
      %add3A_191 = arith.constant 0 : i32
      %add3A_192 = arith.addi %mul3A_190, %add3A_191 : i32
      %mul3A_193 = arith.constant 32 : i32
      %mul3A_194 = arith.muli %add3A_192, %mul3A_193 : i32
      %add3A_195 = arith.addi %mul3A_2, %mul3A_194 : i32
      %mul3A_196 = arith.constant 256 : i32
      %mul3A_197 = arith.muli %add3A_195, %mul3A_196 : i32
      %dma_wait3A_198 = tpu.memref_slice %arg2[%mul3A_197] : memref<67108864xf32, #tpu.memory_space<hbm>> -> memref<8192xf32, #tpu.memory_space<hbm>>
      %dma_wait3A_199 = tpu.memref_slice %arg2[%mul3A_197] : memref<67108864xf32, #tpu.memory_space<hbm>> -> memref<8192xf32, #tpu.memory_space<hbm>>
      tpu.wait_dma2 semaphore(%arg17 : memref<!tpu.dma_semaphore, #tpu.memory_space<semaphore_mem>>) src(%dma_wait3A_199 : memref<8192xf32, #tpu.memory_space<hbm>>) dst(%arg5 : memref<8192xf32, #tpu.memory_space<vmem>>)
      %ge3A = arith.constant 4 : i32
      %ge3A_200 = arith.cmpi sge, %add3A_192, %ge3A : i32
      %convert_element_type3A = arith.extui %ge3A_200 : i1 to i32
      %cond3A = arith.constant 0 : i32
      %cond3A_201 = arith.cmpi ne, %convert_element_type3A, %cond3A : i32
      scf.if %cond3A_201 {
        %mul3A_344 = arith.constant 32 : i32
        %mul3A_345 = arith.muli %add3A_192, %mul3A_344 : i32
        %add3A_346 = arith.addi %mul3A_2, %mul3A_345 : i32
        %mul3A_347 = arith.constant 128 : i32
        %mul3A_348 = arith.muli %add3A_346, %mul3A_347 : i32
        %dma_wait3A_349 = tpu.memref_slice %arg3[%mul3A_348] : memref<33554432xf32, #tpu.memory_space<hbm>> -> memref<4096xf32, #tpu.memory_space<hbm>>
        %dma_wait3A_350 = tpu.memref_slice %arg3[%mul3A_348] : memref<33554432xf32, #tpu.memory_space<hbm>> -> memref<4096xf32, #tpu.memory_space<hbm>>
        tpu.wait_dma2 semaphore(%arg21 : memref<!tpu.dma_semaphore, #tpu.memory_space<semaphore_mem>>) src(%arg9 : memref<4096xf32, #tpu.memory_space<vmem>>) dst(%dma_wait3A_350 : memref<4096xf32, #tpu.memory_space<hbm>>)
        %mul3A_351 = arith.constant 32 : i32
        %mul3A_352 = arith.muli %add3A_192, %mul3A_351 : i32
        %add3A_353 = arith.addi %mul3A_2, %mul3A_352 : i32
        %mul3A_354 = arith.constant 128 : i32
        %mul3A_355 = arith.muli %add3A_353, %mul3A_354 : i32
        %dma_wait3A_356 = tpu.memref_slice %arg4[%mul3A_355] : memref<33554432xf32, #tpu.memory_space<hbm>> -> memref<4096xf32, #tpu.memory_space<hbm>>
        %dma_wait3A_357 = tpu.memref_slice %arg4[%mul3A_355] : memref<33554432xf32, #tpu.memory_space<hbm>> -> memref<4096xf32, #tpu.memory_space<hbm>>
        tpu.wait_dma2 semaphore(%arg25 : memref<!tpu.dma_semaphore, #tpu.memory_space<semaphore_mem>>) src(%arg13 : memref<4096xf32, #tpu.memory_space<vmem>>) dst(%dma_wait3A_357 : memref<4096xf32, #tpu.memory_space<hbm>>)
      } else {
      }
      %parallel_loop3A = arith.constant 0 : i32
      %parallel_loop3A_202 = arith.constant 16 : i32
      %parallel_loop3A_203 = arith.constant 1 : i32
      scf.for %parallel_loop3A_344 = %parallel_loop3A to %parallel_loop3A_202 step %parallel_loop3A_203  : i32 {
        %parallel_loop3A_345 = arith.constant 2 : i32
        %parallel_loop3A_346 = arith.shrsi %parallel_loop3A_344, %parallel_loop3A_345 : i32
        %parallel_loop3A_347 = arith.constant 2048 : i32
        %parallel_loop3A_348 = arith.muli %parallel_loop3A_346, %parallel_loop3A_347 : i32
        %parallel_loop3A_349 = arith.constant 3 : i32
        %parallel_loop3A_350 = arith.andi %parallel_loop3A_344, %parallel_loop3A_349 : i32
        %parallel_loop3A_351 = arith.constant 256 : i32
        %parallel_loop3A_352 = arith.muli %parallel_loop3A_350, %parallel_loop3A_351 : i32
        %parallel_loop3A_353 = arith.addi %parallel_loop3A_348, %parallel_loop3A_352 : i32
        %parallel_loop3A_354 = arith.constant 128 : i32
        %parallel_loop3A_355 = arith.addi %parallel_loop3A_353, %parallel_loop3A_354 : i32
        %parallel_loop3A_356 = arith.constant 256 : i32
        %parallel_loop3A_357 = arith.muli %parallel_loop3A_344, %parallel_loop3A_356 : i32
        %parallel_loop3A_358 = arith.constant 128 : i32
        %parallel_loop3A_359 = arith.addi %parallel_loop3A_357, %parallel_loop3A_358 : i32
        %parallel_loop3A_360 = vector.broadcast %parallel_loop3A_353 : i32 to vector<16xi32>
        %parallel_loop3A_361 = arith.addi %add3A_14, %parallel_loop3A_360 : vector<16xi32>
        %parallel_loop3A_362 = arith.constant 130 : i32
        %parallel_loop3A_363 = vector.broadcast %parallel_loop3A_362 : i32 to vector<16xi32>
        %parallel_loop3A_364 = arith.addi %parallel_loop3A_361, %parallel_loop3A_363 : vector<16xi32>
        %parallel_loop3A_365 = tpu.vector_load_idx %arg5[%parallel_loop3A_361] : memref<8192xf32, #tpu.memory_space<vmem>>[vector<16xi32>], vector<16xf32>,
        %parallel_loop3A_366 = arith.constant 1 : i32
        %parallel_loop3A_367 = vector.broadcast %parallel_loop3A_366 : i32 to vector<16xi32>
        %parallel_loop3A_368 = arith.addi %parallel_loop3A_361, %parallel_loop3A_367 : vector<16xi32>
        %parallel_loop3A_369 = tpu.vector_load_idx %arg5[%parallel_loop3A_368] : memref<8192xf32, #tpu.memory_space<vmem>>[vector<16xi32>], vector<16xf32>,
        %parallel_loop3A_370 = arith.constant 0 : i32
        %parallel_loop3A_371 = arith.addi %parallel_loop3A_357, %parallel_loop3A_370 : i32
        %parallel_loop3A_372 = arith.index_cast %parallel_loop3A_371 : i32 to index
        %parallel_loop3A_373 = tpu.vector_load %arg9[%parallel_loop3A_372] {strides = array<i32>} : memref<4096xf32, #tpu.memory_space<vmem>>, vector<16xf32>,
        tpu.vector_store %arg9[%parallel_loop3A_372], %parallel_loop3A_365 {strides = array<i32>} : memref<4096xf32, #tpu.memory_space<vmem>>, vector<16xf32>,
        %parallel_loop3A_374 = arith.constant 0 : i32
        %parallel_loop3A_375 = arith.addi %parallel_loop3A_357, %parallel_loop3A_374 : i32
        %parallel_loop3A_376 = arith.index_cast %parallel_loop3A_375 : i32 to index
        %parallel_loop3A_377 = tpu.vector_load %arg13[%parallel_loop3A_376] {strides = array<i32>} : memref<4096xf32, #tpu.memory_space<vmem>>, vector<16xf32>,
        tpu.vector_store %arg13[%parallel_loop3A_376], %parallel_loop3A_369 {strides = array<i32>} : memref<4096xf32, #tpu.memory_space<vmem>>, vector<16xf32>,
        %parallel_loop3A_378 = arith.constant 129 : i32
        %parallel_loop3A_379 = vector.broadcast %parallel_loop3A_378 : i32 to vector<16xi32>
        %parallel_loop3A_380 = arith.addi %parallel_loop3A_361, %parallel_loop3A_379 : vector<16xi32>
        %parallel_loop3A_381 = tpu.vector_load_idx %arg5[%parallel_loop3A_380] : memref<8192xf32, #tpu.memory_space<vmem>>[vector<16xi32>], vector<16xf32>,
        %parallel_loop3A_382 = tpu.vector_load_idx %arg5[%parallel_loop3A_364] : memref<8192xf32, #tpu.memory_space<vmem>>[vector<16xi32>], vector<16xf32>,
        %parallel_loop3A_383 = arith.constant 0 : i32
        %parallel_loop3A_384 = arith.addi %parallel_loop3A_359, %parallel_loop3A_383 : i32
        %parallel_loop3A_385 = arith.index_cast %parallel_loop3A_384 : i32 to index
        %parallel_loop3A_386 = tpu.vector_load %arg9[%parallel_loop3A_385] {strides = array<i32>} : memref<4096xf32, #tpu.memory_space<vmem>>, vector<16xf32>,
        tpu.vector_store %arg9[%parallel_loop3A_385], %parallel_loop3A_381 {strides = array<i32>} : memref<4096xf32, #tpu.memory_space<vmem>>, vector<16xf32>,
        %parallel_loop3A_387 = arith.constant 0 : i32
        %parallel_loop3A_388 = arith.addi %parallel_loop3A_359, %parallel_loop3A_387 : i32
        %parallel_loop3A_389 = arith.index_cast %parallel_loop3A_388 : i32 to index
        %parallel_loop3A_390 = tpu.vector_load %arg13[%parallel_loop3A_389] {strides = array<i32>} : memref<4096xf32, #tpu.memory_space<vmem>>, vector<16xf32>,
        tpu.vector_store %arg13[%parallel_loop3A_389], %parallel_loop3A_382 {strides = array<i32>} : memref<4096xf32, #tpu.memory_space<vmem>>, vector<16xf32>,
        %parallel_loop3A_391 = vector.broadcast %parallel_loop3A_353 : i32 to vector<16xi32>
        %parallel_loop3A_392 = arith.addi %add3A_24, %parallel_loop3A_391 : vector<16xi32>
        %parallel_loop3A_393 = arith.constant 130 : i32
        %parallel_loop3A_394 = vector.broadcast %parallel_loop3A_393 : i32 to vector<16xi32>
        %parallel_loop3A_395 = arith.addi %parallel_loop3A_392, %parallel_loop3A_394 : vector<16xi32>
        %parallel_loop3A_396 = tpu.vector_load_idx %arg5[%parallel_loop3A_392] : memref<8192xf32, #tpu.memory_space<vmem>>[vector<16xi32>], vector<16xf32>,
        %parallel_loop3A_397 = arith.constant 1 : i32
        %parallel_loop3A_398 = vector.broadcast %parallel_loop3A_397 : i32 to vector<16xi32>
        %parallel_loop3A_399 = arith.addi %parallel_loop3A_392, %parallel_loop3A_398 : vector<16xi32>
        %parallel_loop3A_400 = tpu.vector_load_idx %arg5[%parallel_loop3A_399] : memref<8192xf32, #tpu.memory_space<vmem>>[vector<16xi32>], vector<16xf32>,
        %parallel_loop3A_401 = arith.constant 16 : i32
        %parallel_loop3A_402 = arith.addi %parallel_loop3A_357, %parallel_loop3A_401 : i32
        %parallel_loop3A_403 = arith.index_cast %parallel_loop3A_402 : i32 to index
        %parallel_loop3A_404 = tpu.vector_load %arg9[%parallel_loop3A_403] {strides = array<i32>} : memref<4096xf32, #tpu.memory_space<vmem>>, vector<16xf32>,
        tpu.vector_store %arg9[%parallel_loop3A_403], %parallel_loop3A_396 {strides = array<i32>} : memref<4096xf32, #tpu.memory_space<vmem>>, vector<16xf32>,
        %parallel_loop3A_405 = arith.constant 16 : i32
        %parallel_loop3A_406 = arith.addi %parallel_loop3A_357, %parallel_loop3A_405 : i32
        %parallel_loop3A_407 = arith.index_cast %parallel_loop3A_406 : i32 to index
        %parallel_loop3A_408 = tpu.vector_load %arg13[%parallel_loop3A_407] {strides = array<i32>} : memref<4096xf32, #tpu.memory_space<vmem>>, vector<16xf32>,
        tpu.vector_store %arg13[%parallel_loop3A_407], %parallel_loop3A_400 {strides = array<i32>} : memref<4096xf32, #tpu.memory_space<vmem>>, vector<16xf32>,
        %parallel_loop3A_409 = arith.constant 129 : i32
        %parallel_loop3A_410 = vector.broadcast %parallel_loop3A_409 : i32 to vector<16xi32>
        %parallel_loop3A_411 = arith.addi %parallel_loop3A_392, %parallel_loop3A_410 : vector<16xi32>
        %parallel_loop3A_412 = tpu.vector_load_idx %arg5[%parallel_loop3A_411] : memref<8192xf32, #tpu.memory_space<vmem>>[vector<16xi32>], vector<16xf32>,
        %parallel_loop3A_413 = tpu.vector_load_idx %arg5[%parallel_loop3A_395] : memref<8192xf32, #tpu.memory_space<vmem>>[vector<16xi32>], vector<16xf32>,
        %parallel_loop3A_414 = arith.constant 16 : i32
        %parallel_loop3A_415 = arith.addi %parallel_loop3A_359, %parallel_loop3A_414 : i32
        %parallel_loop3A_416 = arith.index_cast %parallel_loop3A_415 : i32 to index
        %parallel_loop3A_417 = tpu.vector_load %arg9[%parallel_loop3A_416] {strides = array<i32>} : memref<4096xf32, #tpu.memory_space<vmem>>, vector<16xf32>,
        tpu.vector_store %arg9[%parallel_loop3A_416], %parallel_loop3A_412 {strides = array<i32>} : memref<4096xf32, #tpu.memory_space<vmem>>, vector<16xf32>,
        %parallel_loop3A_418 = arith.constant 16 : i32
        %parallel_loop3A_419 = arith.addi %parallel_loop3A_359, %parallel_loop3A_418 : i32
        %parallel_loop3A_420 = arith.index_cast %parallel_loop3A_419 : i32 to index
        %parallel_loop3A_421 = tpu.vector_load %arg13[%parallel_loop3A_420] {strides = array<i32>} : memref<4096xf32, #tpu.memory_space<vmem>>, vector<16xf32>,
        tpu.vector_store %arg13[%parallel_loop3A_420], %parallel_loop3A_413 {strides = array<i32>} : memref<4096xf32, #tpu.memory_space<vmem>>, vector<16xf32>,
        %parallel_loop3A_422 = vector.broadcast %parallel_loop3A_353 : i32 to vector<16xi32>
        %parallel_loop3A_423 = arith.addi %add3A_34, %parallel_loop3A_422 : vector<16xi32>
        %parallel_loop3A_424 = arith.constant 130 : i32
        %parallel_loop3A_425 = vector.broadcast %parallel_loop3A_424 : i32 to vector<16xi32>
        %parallel_loop3A_426 = arith.addi %parallel_loop3A_423, %parallel_loop3A_425 : vector<16xi32>
        %parallel_loop3A_427 = tpu.vector_load_idx %arg5[%parallel_loop3A_423] : memref<8192xf32, #tpu.memory_space<vmem>>[vector<16xi32>], vector<16xf32>,
        %parallel_loop3A_428 = arith.constant 1 : i32
        %parallel_loop3A_429 = vector.broadcast %parallel_loop3A_428 : i32 to vector<16xi32>
        %parallel_loop3A_430 = arith.addi %parallel_loop3A_423, %parallel_loop3A_429 : vector<16xi32>
        %parallel_loop3A_431 = tpu.vector_load_idx %arg5[%parallel_loop3A_430] : memref<8192xf32, #tpu.memory_space<vmem>>[vector<16xi32>], vector<16xf32>,
        %parallel_loop3A_432 = arith.constant 32 : i32
        %parallel_loop3A_433 = arith.addi %parallel_loop3A_357, %parallel_loop3A_432 : i32
        %parallel_loop3A_434 = arith.index_cast %parallel_loop3A_433 : i32 to index
        %parallel_loop3A_435 = tpu.vector_load %arg9[%parallel_loop3A_434] {strides = array<i32>} : memref<4096xf32, #tpu.memory_space<vmem>>, vector<16xf32>,
        tpu.vector_store %arg9[%parallel_loop3A_434], %parallel_loop3A_427 {strides = array<i32>} : memref<4096xf32, #tpu.memory_space<vmem>>, vector<16xf32>,
        %parallel_loop3A_436 = arith.constant 32 : i32
        %parallel_loop3A_437 = arith.addi %parallel_loop3A_357, %parallel_loop3A_436 : i32
        %parallel_loop3A_438 = arith.index_cast %parallel_loop3A_437 : i32 to index
        %parallel_loop3A_439 = tpu.vector_load %arg13[%parallel_loop3A_438] {strides = array<i32>} : memref<4096xf32, #tpu.memory_space<vmem>>, vector<16xf32>,
        tpu.vector_store %arg13[%parallel_loop3A_438], %parallel_loop3A_431 {strides = array<i32>} : memref<4096xf32, #tpu.memory_space<vmem>>, vector<16xf32>,
        %parallel_loop3A_440 = arith.constant 129 : i32
        %parallel_loop3A_441 = vector.broadcast %parallel_loop3A_440 : i32 to vector<16xi32>
        %parallel_loop3A_442 = arith.addi %parallel_loop3A_423, %parallel_loop3A_441 : vector<16xi32>
        %parallel_loop3A_443 = tpu.vector_load_idx %arg5[%parallel_loop3A_442] : memref<8192xf32, #tpu.memory_space<vmem>>[vector<16xi32>], vector<16xf32>,
        %parallel_loop3A_444 = tpu.vector_load_idx %arg5[%parallel_loop3A_426] : memref<8192xf32, #tpu.memory_space<vmem>>[vector<16xi32>], vector<16xf32>,
        %parallel_loop3A_445 = arith.constant 32 : i32
        %parallel_loop3A_446 = arith.addi %parallel_loop3A_359, %parallel_loop3A_445 : i32
        %parallel_loop3A_447 = arith.index_cast %parallel_loop3A_446 : i32 to index
        %parallel_loop3A_448 = tpu.vector_load %arg9[%parallel_loop3A_447] {strides = array<i32>} : memref<4096xf32, #tpu.memory_space<vmem>>, vector<16xf32>,
        tpu.vector_store %arg9[%parallel_loop3A_447], %parallel_loop3A_443 {strides = array<i32>} : memref<4096xf32, #tpu.memory_space<vmem>>, vector<16xf32>,
        %parallel_loop3A_449 = arith.constant 32 : i32
        %parallel_loop3A_450 = arith.addi %parallel_loop3A_359, %parallel_loop3A_449 : i32
        %parallel_loop3A_451 = arith.index_cast %parallel_loop3A_450 : i32 to index
        %parallel_loop3A_452 = tpu.vector_load %arg13[%parallel_loop3A_451] {strides = array<i32>} : memref<4096xf32, #tpu.memory_space<vmem>>, vector<16xf32>,
        tpu.vector_store %arg13[%parallel_loop3A_451], %parallel_loop3A_444 {strides = array<i32>} : memref<4096xf32, #tpu.memory_space<vmem>>, vector<16xf32>,
        %parallel_loop3A_453 = vector.broadcast %parallel_loop3A_353 : i32 to vector<16xi32>
        %parallel_loop3A_454 = arith.addi %add3A_44, %parallel_loop3A_453 : vector<16xi32>
        %parallel_loop3A_455 = vector.broadcast %parallel_loop3A_355 : i32 to vector<16xi32>
        %parallel_loop3A_456 = arith.addi %add3A_97, %parallel_loop3A_455 : vector<16xi32>
        %parallel_loop3A_457 = tpu.vector_load_idx %arg5[%parallel_loop3A_454] : memref<8192xf32, #tpu.memory_space<vmem>>[vector<16xi32>], vector<16xf32>,
        %parallel_loop3A_458 = arith.constant 1 : i32
        %parallel_loop3A_459 = vector.broadcast %parallel_loop3A_458 : i32 to vector<16xi32>
        %parallel_loop3A_460 = arith.addi %parallel_loop3A_454, %parallel_loop3A_459 : vector<16xi32>
        %parallel_loop3A_461 = tpu.vector_load_idx %arg5[%parallel_loop3A_460] : memref<8192xf32, #tpu.memory_space<vmem>>[vector<16xi32>], vector<16xf32>,
        %parallel_loop3A_462 = arith.constant 48 : i32
        %parallel_loop3A_463 = arith.addi %parallel_loop3A_357, %parallel_loop3A_462 : i32
        %parallel_loop3A_464 = arith.index_cast %parallel_loop3A_463 : i32 to index
        %parallel_loop3A_465 = tpu.vector_load %arg9[%parallel_loop3A_464] {strides = array<i32>} : memref<4096xf32, #tpu.memory_space<vmem>>, vector<16xf32>,
        tpu.vector_store %arg9[%parallel_loop3A_464], %parallel_loop3A_457 {strides = array<i32>} : memref<4096xf32, #tpu.memory_space<vmem>>, vector<16xf32>,
        %parallel_loop3A_466 = arith.constant 48 : i32
        %parallel_loop3A_467 = arith.addi %parallel_loop3A_357, %parallel_loop3A_466 : i32
        %parallel_loop3A_468 = arith.index_cast %parallel_loop3A_467 : i32 to index
        %parallel_loop3A_469 = tpu.vector_load %arg13[%parallel_loop3A_468] {strides = array<i32>} : memref<4096xf32, #tpu.memory_space<vmem>>, vector<16xf32>,
        tpu.vector_store %arg13[%parallel_loop3A_468], %parallel_loop3A_461 {strides = array<i32>} : memref<4096xf32, #tpu.memory_space<vmem>>, vector<16xf32>,
        %parallel_loop3A_470 = arith.constant 129 : i32
        %parallel_loop3A_471 = vector.broadcast %parallel_loop3A_470 : i32 to vector<16xi32>
        %parallel_loop3A_472 = arith.addi %parallel_loop3A_454, %parallel_loop3A_471 : vector<16xi32>
        %parallel_loop3A_473 = tpu.vector_load_idx %arg5[%parallel_loop3A_472] : memref<8192xf32, #tpu.memory_space<vmem>>[vector<16xi32>], vector<16xf32>,
        %parallel_loop3A_474 = tpu.vector_load_idx %arg5[%parallel_loop3A_456] : memref<8192xf32, #tpu.memory_space<vmem>>[vector<16xi32>], vector<16xf32>,
        %parallel_loop3A_475 = arith.constant 48 : i32
        %parallel_loop3A_476 = arith.addi %parallel_loop3A_359, %parallel_loop3A_475 : i32
        %parallel_loop3A_477 = arith.index_cast %parallel_loop3A_476 : i32 to index
        %parallel_loop3A_478 = tpu.vector_load %arg9[%parallel_loop3A_477] {strides = array<i32>} : memref<4096xf32, #tpu.memory_space<vmem>>, vector<16xf32>,
        tpu.vector_store %arg9[%parallel_loop3A_477], %parallel_loop3A_473 {strides = array<i32>} : memref<4096xf32, #tpu.memory_space<vmem>>, vector<16xf32>,
        %parallel_loop3A_479 = arith.constant 48 : i32
        %parallel_loop3A_480 = arith.addi %parallel_loop3A_359, %parallel_loop3A_479 : i32
        %parallel_loop3A_481 = arith.index_cast %parallel_loop3A_480 : i32 to index
        %parallel_loop3A_482 = tpu.vector_load %arg13[%parallel_loop3A_481] {strides = array<i32>} : memref<4096xf32, #tpu.memory_space<vmem>>, vector<16xf32>,
        tpu.vector_store %arg13[%parallel_loop3A_481], %parallel_loop3A_474 {strides = array<i32>} : memref<4096xf32, #tpu.memory_space<vmem>>, vector<16xf32>,
        %parallel_loop3A_483 = vector.broadcast %parallel_loop3A_353 : i32 to vector<16xi32>
        %parallel_loop3A_484 = arith.addi %add3A_54, %parallel_loop3A_483 : vector<16xi32>
        %parallel_loop3A_485 = arith.constant 130 : i32
        %parallel_loop3A_486 = vector.broadcast %parallel_loop3A_485 : i32 to vector<16xi32>
        %parallel_loop3A_487 = arith.addi %parallel_loop3A_484, %parallel_loop3A_486 : vector<16xi32>
        %parallel_loop3A_488 = tpu.vector_load_idx %arg5[%parallel_loop3A_484] : memref<8192xf32, #tpu.memory_space<vmem>>[vector<16xi32>], vector<16xf32>,
        %parallel_loop3A_489 = arith.constant 1 : i32
        %parallel_loop3A_490 = vector.broadcast %parallel_loop3A_489 : i32 to vector<16xi32>
        %parallel_loop3A_491 = arith.addi %parallel_loop3A_484, %parallel_loop3A_490 : vector<16xi32>
        %parallel_loop3A_492 = tpu.vector_load_idx %arg5[%parallel_loop3A_491] : memref<8192xf32, #tpu.memory_space<vmem>>[vector<16xi32>], vector<16xf32>,
        %parallel_loop3A_493 = arith.constant 64 : i32
        %parallel_loop3A_494 = arith.addi %parallel_loop3A_357, %parallel_loop3A_493 : i32
        %parallel_loop3A_495 = arith.index_cast %parallel_loop3A_494 : i32 to index
        %parallel_loop3A_496 = tpu.vector_load %arg9[%parallel_loop3A_495] {strides = array<i32>} : memref<4096xf32, #tpu.memory_space<vmem>>, vector<16xf32>,
        tpu.vector_store %arg9[%parallel_loop3A_495], %parallel_loop3A_488 {strides = array<i32>} : memref<4096xf32, #tpu.memory_space<vmem>>, vector<16xf32>,
        %parallel_loop3A_497 = arith.constant 64 : i32
        %parallel_loop3A_498 = arith.addi %parallel_loop3A_357, %parallel_loop3A_497 : i32
        %parallel_loop3A_499 = arith.index_cast %parallel_loop3A_498 : i32 to index
        %parallel_loop3A_500 = tpu.vector_load %arg13[%parallel_loop3A_499] {strides = array<i32>} : memref<4096xf32, #tpu.memory_space<vmem>>, vector<16xf32>,
        tpu.vector_store %arg13[%parallel_loop3A_499], %parallel_loop3A_492 {strides = array<i32>} : memref<4096xf32, #tpu.memory_space<vmem>>, vector<16xf32>,
        %parallel_loop3A_501 = arith.constant 129 : i32
        %parallel_loop3A_502 = vector.broadcast %parallel_loop3A_501 : i32 to vector<16xi32>
        %parallel_loop3A_503 = arith.addi %parallel_loop3A_484, %parallel_loop3A_502 : vector<16xi32>
        %parallel_loop3A_504 = tpu.vector_load_idx %arg5[%parallel_loop3A_503] : memref<8192xf32, #tpu.memory_space<vmem>>[vector<16xi32>], vector<16xf32>,
        %parallel_loop3A_505 = tpu.vector_load_idx %arg5[%parallel_loop3A_487] : memref<8192xf32, #tpu.memory_space<vmem>>[vector<16xi32>], vector<16xf32>,
        %parallel_loop3A_506 = arith.constant 64 : i32
        %parallel_loop3A_507 = arith.addi %parallel_loop3A_359, %parallel_loop3A_506 : i32
        %parallel_loop3A_508 = arith.index_cast %parallel_loop3A_507 : i32 to index
        %parallel_loop3A_509 = tpu.vector_load %arg9[%parallel_loop3A_508] {strides = array<i32>} : memref<4096xf32, #tpu.memory_space<vmem>>, vector<16xf32>,
        tpu.vector_store %arg9[%parallel_loop3A_508], %parallel_loop3A_504 {strides = array<i32>} : memref<4096xf32, #tpu.memory_space<vmem>>, vector<16xf32>,
        %parallel_loop3A_510 = arith.constant 64 : i32
        %parallel_loop3A_511 = arith.addi %parallel_loop3A_359, %parallel_loop3A_510 : i32
        %parallel_loop3A_512 = arith.index_cast %parallel_loop3A_511 : i32 to index
        %parallel_loop3A_513 = tpu.vector_load %arg13[%parallel_loop3A_512] {strides = array<i32>} : memref<4096xf32, #tpu.memory_space<vmem>>, vector<16xf32>,
        tpu.vector_store %arg13[%parallel_loop3A_512], %parallel_loop3A_505 {strides = array<i32>} : memref<4096xf32, #tpu.memory_space<vmem>>, vector<16xf32>,
        %parallel_loop3A_514 = vector.broadcast %parallel_loop3A_353 : i32 to vector<16xi32>
        %parallel_loop3A_515 = arith.addi %add3A_64, %parallel_loop3A_514 : vector<16xi32>
        %parallel_loop3A_516 = arith.constant 130 : i32
        %parallel_loop3A_517 = vector.broadcast %parallel_loop3A_516 : i32 to vector<16xi32>
        %parallel_loop3A_518 = arith.addi %parallel_loop3A_515, %parallel_loop3A_517 : vector<16xi32>
        %parallel_loop3A_519 = tpu.vector_load_idx %arg5[%parallel_loop3A_515] : memref<8192xf32, #tpu.memory_space<vmem>>[vector<16xi32>], vector<16xf32>,
        %parallel_loop3A_520 = arith.constant 1 : i32
        %parallel_loop3A_521 = vector.broadcast %parallel_loop3A_520 : i32 to vector<16xi32>
        %parallel_loop3A_522 = arith.addi %parallel_loop3A_515, %parallel_loop3A_521 : vector<16xi32>
        %parallel_loop3A_523 = tpu.vector_load_idx %arg5[%parallel_loop3A_522] : memref<8192xf32, #tpu.memory_space<vmem>>[vector<16xi32>], vector<16xf32>,
        %parallel_loop3A_524 = arith.constant 80 : i32
        %parallel_loop3A_525 = arith.addi %parallel_loop3A_357, %parallel_loop3A_524 : i32
        %parallel_loop3A_526 = arith.index_cast %parallel_loop3A_525 : i32 to index
        %parallel_loop3A_527 = tpu.vector_load %arg9[%parallel_loop3A_526] {strides = array<i32>} : memref<4096xf32, #tpu.memory_space<vmem>>, vector<16xf32>,
        tpu.vector_store %arg9[%parallel_loop3A_526], %parallel_loop3A_519 {strides = array<i32>} : memref<4096xf32, #tpu.memory_space<vmem>>, vector<16xf32>,
        %parallel_loop3A_528 = arith.constant 80 : i32
        %parallel_loop3A_529 = arith.addi %parallel_loop3A_357, %parallel_loop3A_528 : i32
        %parallel_loop3A_530 = arith.index_cast %parallel_loop3A_529 : i32 to index
        %parallel_loop3A_531 = tpu.vector_load %arg13[%parallel_loop3A_530] {strides = array<i32>} : memref<4096xf32, #tpu.memory_space<vmem>>, vector<16xf32>,
        tpu.vector_store %arg13[%parallel_loop3A_530], %parallel_loop3A_523 {strides = array<i32>} : memref<4096xf32, #tpu.memory_space<vmem>>, vector<16xf32>,
        %parallel_loop3A_532 = arith.constant 129 : i32
        %parallel_loop3A_533 = vector.broadcast %parallel_loop3A_532 : i32 to vector<16xi32>
        %parallel_loop3A_534 = arith.addi %parallel_loop3A_515, %parallel_loop3A_533 : vector<16xi32>
        %parallel_loop3A_535 = tpu.vector_load_idx %arg5[%parallel_loop3A_534] : memref<8192xf32, #tpu.memory_space<vmem>>[vector<16xi32>], vector<16xf32>,
        %parallel_loop3A_536 = tpu.vector_load_idx %arg5[%parallel_loop3A_518] : memref<8192xf32, #tpu.memory_space<vmem>>[vector<16xi32>], vector<16xf32>,
        %parallel_loop3A_537 = arith.constant 80 : i32
        %parallel_loop3A_538 = arith.addi %parallel_loop3A_359, %parallel_loop3A_537 : i32
        %parallel_loop3A_539 = arith.index_cast %parallel_loop3A_538 : i32 to index
        %parallel_loop3A_540 = tpu.vector_load %arg9[%parallel_loop3A_539] {strides = array<i32>} : memref<4096xf32, #tpu.memory_space<vmem>>, vector<16xf32>,
        tpu.vector_store %arg9[%parallel_loop3A_539], %parallel_loop3A_535 {strides = array<i32>} : memref<4096xf32, #tpu.memory_space<vmem>>, vector<16xf32>,
        %parallel_loop3A_541 = arith.constant 80 : i32
        %parallel_loop3A_542 = arith.addi %parallel_loop3A_359, %parallel_loop3A_541 : i32
        %parallel_loop3A_543 = arith.index_cast %parallel_loop3A_542 : i32 to index
        %parallel_loop3A_544 = tpu.vector_load %arg13[%parallel_loop3A_543] {strides = array<i32>} : memref<4096xf32, #tpu.memory_space<vmem>>, vector<16xf32>,
        tpu.vector_store %arg13[%parallel_loop3A_543], %parallel_loop3A_536 {strides = array<i32>} : memref<4096xf32, #tpu.memory_space<vmem>>, vector<16xf32>,
        %parallel_loop3A_545 = vector.broadcast %parallel_loop3A_353 : i32 to vector<16xi32>
        %parallel_loop3A_546 = arith.addi %add3A_74, %parallel_loop3A_545 : vector<16xi32>
        %parallel_loop3A_547 = arith.constant 130 : i32
        %parallel_loop3A_548 = vector.broadcast %parallel_loop3A_547 : i32 to vector<16xi32>
        %parallel_loop3A_549 = arith.addi %parallel_loop3A_546, %parallel_loop3A_548 : vector<16xi32>
        %parallel_loop3A_550 = tpu.vector_load_idx %arg5[%parallel_loop3A_546] : memref<8192xf32, #tpu.memory_space<vmem>>[vector<16xi32>], vector<16xf32>,
        %parallel_loop3A_551 = arith.constant 1 : i32
        %parallel_loop3A_552 = vector.broadcast %parallel_loop3A_551 : i32 to vector<16xi32>
        %parallel_loop3A_553 = arith.addi %parallel_loop3A_546, %parallel_loop3A_552 : vector<16xi32>
        %parallel_loop3A_554 = tpu.vector_load_idx %arg5[%parallel_loop3A_553] : memref<8192xf32, #tpu.memory_space<vmem>>[vector<16xi32>], vector<16xf32>,
        %parallel_loop3A_555 = arith.constant 96 : i32
        %parallel_loop3A_556 = arith.addi %parallel_loop3A_357, %parallel_loop3A_555 : i32
        %parallel_loop3A_557 = arith.index_cast %parallel_loop3A_556 : i32 to index
        %parallel_loop3A_558 = tpu.vector_load %arg9[%parallel_loop3A_557] {strides = array<i32>} : memref<4096xf32, #tpu.memory_space<vmem>>, vector<16xf32>,
        tpu.vector_store %arg9[%parallel_loop3A_557], %parallel_loop3A_550 {strides = array<i32>} : memref<4096xf32, #tpu.memory_space<vmem>>, vector<16xf32>,
        %parallel_loop3A_559 = arith.constant 96 : i32
        %parallel_loop3A_560 = arith.addi %parallel_loop3A_357, %parallel_loop3A_559 : i32
        %parallel_loop3A_561 = arith.index_cast %parallel_loop3A_560 : i32 to index
        %parallel_loop3A_562 = tpu.vector_load %arg13[%parallel_loop3A_561] {strides = array<i32>} : memref<4096xf32, #tpu.memory_space<vmem>>, vector<16xf32>,
        tpu.vector_store %arg13[%parallel_loop3A_561], %parallel_loop3A_554 {strides = array<i32>} : memref<4096xf32, #tpu.memory_space<vmem>>, vector<16xf32>,
        %parallel_loop3A_563 = arith.constant 129 : i32
        %parallel_loop3A_564 = vector.broadcast %parallel_loop3A_563 : i32 to vector<16xi32>
        %parallel_loop3A_565 = arith.addi %parallel_loop3A_546, %parallel_loop3A_564 : vector<16xi32>
        %parallel_loop3A_566 = tpu.vector_load_idx %arg5[%parallel_loop3A_565] : memref<8192xf32, #tpu.memory_space<vmem>>[vector<16xi32>], vector<16xf32>,
        %parallel_loop3A_567 = tpu.vector_load_idx %arg5[%parallel_loop3A_549] : memref<8192xf32, #tpu.memory_space<vmem>>[vector<16xi32>], vector<16xf32>,
        %parallel_loop3A_568 = arith.constant 96 : i32
        %parallel_loop3A_569 = arith.addi %parallel_loop3A_359, %parallel_loop3A_568 : i32
        %parallel_loop3A_570 = arith.index_cast %parallel_loop3A_569 : i32 to index
        %parallel_loop3A_571 = tpu.vector_load %arg9[%parallel_loop3A_570] {strides = array<i32>} : memref<4096xf32, #tpu.memory_space<vmem>>, vector<16xf32>,
        tpu.vector_store %arg9[%parallel_loop3A_570], %parallel_loop3A_566 {strides = array<i32>} : memref<4096xf32, #tpu.memory_space<vmem>>, vector<16xf32>,
        %parallel_loop3A_572 = arith.constant 96 : i32
        %parallel_loop3A_573 = arith.addi %parallel_loop3A_359, %parallel_loop3A_572 : i32
        %parallel_loop3A_574 = arith.index_cast %parallel_loop3A_573 : i32 to index
        %parallel_loop3A_575 = tpu.vector_load %arg13[%parallel_loop3A_574] {strides = array<i32>} : memref<4096xf32, #tpu.memory_space<vmem>>, vector<16xf32>,
        tpu.vector_store %arg13[%parallel_loop3A_574], %parallel_loop3A_567 {strides = array<i32>} : memref<4096xf32, #tpu.memory_space<vmem>>, vector<16xf32>,
        %parallel_loop3A_576 = vector.broadcast %parallel_loop3A_353 : i32 to vector<16xi32>
        %parallel_loop3A_577 = arith.addi %add3A_84, %parallel_loop3A_576 : vector<16xi32>
        %parallel_loop3A_578 = vector.broadcast %parallel_loop3A_355 : i32 to vector<16xi32>
        %parallel_loop3A_579 = arith.addi %add3A_112, %parallel_loop3A_578 : vector<16xi32>
        %parallel_loop3A_580 = tpu.vector_load_idx %arg5[%parallel_loop3A_577] : memref<8192xf32, #tpu.memory_space<vmem>>[vector<16xi32>], vector<16xf32>,
        %parallel_loop3A_581 = arith.constant 1 : i32
        %parallel_loop3A_582 = vector.broadcast %parallel_loop3A_581 : i32 to vector<16xi32>
        %parallel_loop3A_583 = arith.addi %parallel_loop3A_577, %parallel_loop3A_582 : vector<16xi32>
        %parallel_loop3A_584 = tpu.vector_load_idx %arg5[%parallel_loop3A_583] : memref<8192xf32, #tpu.memory_space<vmem>>[vector<16xi32>], vector<16xf32>,
        %parallel_loop3A_585 = arith.constant 112 : i32
        %parallel_loop3A_586 = arith.addi %parallel_loop3A_357, %parallel_loop3A_585 : i32
        %parallel_loop3A_587 = arith.index_cast %parallel_loop3A_586 : i32 to index
        %parallel_loop3A_588 = tpu.vector_load %arg9[%parallel_loop3A_587] {strides = array<i32>} : memref<4096xf32, #tpu.memory_space<vmem>>, vector<16xf32>,
        tpu.vector_store %arg9[%parallel_loop3A_587], %parallel_loop3A_580 {strides = array<i32>} : memref<4096xf32, #tpu.memory_space<vmem>>, vector<16xf32>,
        %parallel_loop3A_589 = arith.constant 112 : i32
        %parallel_loop3A_590 = arith.addi %parallel_loop3A_357, %parallel_loop3A_589 : i32
        %parallel_loop3A_591 = arith.index_cast %parallel_loop3A_590 : i32 to index
        %parallel_loop3A_592 = tpu.vector_load %arg13[%parallel_loop3A_591] {strides = array<i32>} : memref<4096xf32, #tpu.memory_space<vmem>>, vector<16xf32>,
        tpu.vector_store %arg13[%parallel_loop3A_591], %parallel_loop3A_584 {strides = array<i32>} : memref<4096xf32, #tpu.memory_space<vmem>>, vector<16xf32>,
        %parallel_loop3A_593 = arith.constant 129 : i32
        %parallel_loop3A_594 = vector.broadcast %parallel_loop3A_593 : i32 to vector<16xi32>
        %parallel_loop3A_595 = arith.addi %parallel_loop3A_577, %parallel_loop3A_594 : vector<16xi32>
        %parallel_loop3A_596 = tpu.vector_load_idx %arg5[%parallel_loop3A_595] : memref<8192xf32, #tpu.memory_space<vmem>>[vector<16xi32>], vector<16xf32>,
        %parallel_loop3A_597 = tpu.vector_load_idx %arg5[%parallel_loop3A_579] : memref<8192xf32, #tpu.memory_space<vmem>>[vector<16xi32>], vector<16xf32>,
        %parallel_loop3A_598 = arith.constant 112 : i32
        %parallel_loop3A_599 = arith.addi %parallel_loop3A_359, %parallel_loop3A_598 : i32
        %parallel_loop3A_600 = arith.index_cast %parallel_loop3A_599 : i32 to index
        %parallel_loop3A_601 = tpu.vector_load %arg9[%parallel_loop3A_600] {strides = array<i32>} : memref<4096xf32, #tpu.memory_space<vmem>>, vector<16xf32>,
        tpu.vector_store %arg9[%parallel_loop3A_600], %parallel_loop3A_596 {strides = array<i32>} : memref<4096xf32, #tpu.memory_space<vmem>>, vector<16xf32>,
        %parallel_loop3A_602 = arith.constant 112 : i32
        %parallel_loop3A_603 = arith.addi %parallel_loop3A_359, %parallel_loop3A_602 : i32
        %parallel_loop3A_604 = arith.index_cast %parallel_loop3A_603 : i32 to index
        %parallel_loop3A_605 = tpu.vector_load %arg13[%parallel_loop3A_604] {strides = array<i32>} : memref<4096xf32, #tpu.memory_space<vmem>>, vector<16xf32>,
        tpu.vector_store %arg13[%parallel_loop3A_604], %parallel_loop3A_597 {strides = array<i32>} : memref<4096xf32, #tpu.memory_space<vmem>>, vector<16xf32>,
      } {sc.loop_unroll_factor = 1 : i64, sc.parallel_access}
      %add3A_204 = arith.constant 4 : i32
      %add3A_205 = arith.addi %add3A_192, %add3A_204 : i32
      %lt3A = arith.constant 256 : i32
      %lt3A_206 = arith.cmpi slt, %add3A_205, %lt3A : i32
      %convert_element_type3A_207 = arith.extui %lt3A_206 : i1 to i32
      %cond3A_208 = arith.constant 0 : i32
      %cond3A_209 = arith.cmpi ne, %convert_element_type3A_207, %cond3A_208 : i32
      scf.if %cond3A_209 {
        %add3A_344 = arith.constant 4 : i32
        %add3A_345 = arith.addi %add3A_192, %add3A_344 : i32
        %mul3A_346 = arith.constant 32 : i32
        %mul3A_347 = arith.muli %add3A_345, %mul3A_346 : i32
        %add3A_348 = arith.addi %mul3A_2, %mul3A_347 : i32
        %mul3A_349 = arith.constant 256 : i32
        %mul3A_350 = arith.muli %add3A_348, %mul3A_349 : i32
        %dma_start3A_351 = tpu.memref_slice %arg2[%mul3A_350] : memref<67108864xf32, #tpu.memory_space<hbm>> -> memref<8192xf32, #tpu.memory_space<hbm>>
        %dma_start3A_352 = tpu.memref_slice %arg2[%mul3A_350] : memref<67108864xf32, #tpu.memory_space<hbm>> -> memref<8192xf32, #tpu.memory_space<hbm>>
        tpu.enqueue_dma source(%dma_start3A_352 : memref<8192xf32, #tpu.memory_space<hbm>>) target(%arg5 : memref<8192xf32, #tpu.memory_space<vmem>>) target_semaphore(%arg17 : memref<!tpu.dma_semaphore, #tpu.memory_space<semaphore_mem>>)
      } else {
      }
      %mul3A_210 = arith.constant 32 : i32
      %mul3A_211 = arith.muli %add3A_192, %mul3A_210 : i32
      %add3A_212 = arith.addi %mul3A_2, %mul3A_211 : i32
      %mul3A_213 = arith.constant 128 : i32
      %mul3A_214 = arith.muli %add3A_212, %mul3A_213 : i32
      %dma_start3A_215 = tpu.memref_slice %arg3[%mul3A_214] : memref<33554432xf32, #tpu.memory_space<hbm>> -> memref<4096xf32, #tpu.memory_space<hbm>>
      %dma_start3A_216 = tpu.memref_slice %arg3[%mul3A_214] : memref<33554432xf32, #tpu.memory_space<hbm>> -> memref<4096xf32, #tpu.memory_space<hbm>>
      tpu.enqueue_dma source(%arg9 : memref<4096xf32, #tpu.memory_space<vmem>>) target(%dma_start3A_216 : memref<4096xf32, #tpu.memory_space<hbm>>) target_semaphore(%arg21 : memref<!tpu.dma_semaphore, #tpu.memory_space<semaphore_mem>>)
      %mul3A_217 = arith.constant 32 : i32
      %mul3A_218 = arith.muli %add3A_192, %mul3A_217 : i32
      %add3A_219 = arith.addi %mul3A_2, %mul3A_218 : i32
      %mul3A_220 = arith.constant 128 : i32
      %mul3A_221 = arith.muli %add3A_219, %mul3A_220 : i32
      %dma_start3A_222 = tpu.memref_slice %arg4[%mul3A_221] : memref<33554432xf32, #tpu.memory_space<hbm>> -> memref<4096xf32, #tpu.memory_space<hbm>>
      %dma_start3A_223 = tpu.memref_slice %arg4[%mul3A_221] : memref<33554432xf32, #tpu.memory_space<hbm>> -> memref<4096xf32, #tpu.memory_space<hbm>>
      tpu.enqueue_dma source(%arg13 : memref<4096xf32, #tpu.memory_space<vmem>>) target(%dma_start3A_223 : memref<4096xf32, #tpu.memory_space<hbm>>) target_semaphore(%arg25 : memref<!tpu.dma_semaphore, #tpu.memory_space<semaphore_mem>>)
      %mul3A_224 = arith.constant 4 : i32
      %mul3A_225 = arith.muli %scan3A_188, %mul3A_224 : i32
      %add3A_226 = arith.constant 1 : i32
      %add3A_227 = arith.addi %mul3A_225, %add3A_226 : i32
      %mul3A_228 = arith.constant 32 : i32
      %mul3A_229 = arith.muli %add3A_227, %mul3A_228 : i32
      %add3A_230 = arith.addi %mul3A_2, %mul3A_229 : i32
      %mul3A_231 = arith.constant 256 : i32
      %mul3A_232 = arith.muli %add3A_230, %mul3A_231 : i32
      %dma_wait3A_233 = tpu.memref_slice %arg2[%mul3A_232] : memref<67108864xf32, #tpu.memory_space<hbm>> -> memref<8192xf32, #tpu.memory_space<hbm>>
      %dma_wait3A_234 = tpu.memref_slice %arg2[%mul3A_232] : memref<67108864xf32, #tpu.memory_space<hbm>> -> memref<8192xf32, #tpu.memory_space<hbm>>
      tpu.wait_dma2 semaphore(%arg18 : memref<!tpu.dma_semaphore, #tpu.memory_space<semaphore_mem>>) src(%dma_wait3A_234 : memref<8192xf32, #tpu.memory_space<hbm>>) dst(%arg6 : memref<8192xf32, #tpu.memory_space<vmem>>)
      %ge3A_235 = arith.constant 4 : i32
      %ge3A_236 = arith.cmpi sge, %add3A_227, %ge3A_235 : i32
      %convert_element_type3A_237 = arith.extui %ge3A_236 : i1 to i32
      %cond3A_238 = arith.constant 0 : i32
      %cond3A_239 = arith.cmpi ne, %convert_element_type3A_237, %cond3A_238 : i32
      scf.if %cond3A_239 {
        %mul3A_344 = arith.constant 32 : i32
        %mul3A_345 = arith.muli %add3A_227, %mul3A_344 : i32
        %add3A_346 = arith.addi %mul3A_2, %mul3A_345 : i32
        %mul3A_347 = arith.constant 128 : i32
        %mul3A_348 = arith.muli %add3A_346, %mul3A_347 : i32
        %dma_wait3A_349 = tpu.memref_slice %arg3[%mul3A_348] : memref<33554432xf32, #tpu.memory_space<hbm>> -> memref<4096xf32, #tpu.memory_space<hbm>>
        %dma_wait3A_350 = tpu.memref_slice %arg3[%mul3A_348] : memref<33554432xf32, #tpu.memory_space<hbm>> -> memref<4096xf32, #tpu.memory_space<hbm>>
        tpu.wait_dma2 semaphore(%arg22 : memref<!tpu.dma_semaphore, #tpu.memory_space<semaphore_mem>>) src(%arg10 : memref<4096xf32, #tpu.memory_space<vmem>>) dst(%dma_wait3A_350 : memref<4096xf32, #tpu.memory_space<hbm>>)
        %mul3A_351 = arith.constant 32 : i32
        %mul3A_352 = arith.muli %add3A_227, %mul3A_351 : i32
        %add3A_353 = arith.addi %mul3A_2, %mul3A_352 : i32
        %mul3A_354 = arith.constant 128 : i32
        %mul3A_355 = arith.muli %add3A_353, %mul3A_354 : i32
        %dma_wait3A_356 = tpu.memref_slice %arg4[%mul3A_355] : memref<33554432xf32, #tpu.memory_space<hbm>> -> memref<4096xf32, #tpu.memory_space<hbm>>
        %dma_wait3A_357 = tpu.memref_slice %arg4[%mul3A_355] : memref<33554432xf32, #tpu.memory_space<hbm>> -> memref<4096xf32, #tpu.memory_space<hbm>>
        tpu.wait_dma2 semaphore(%arg26 : memref<!tpu.dma_semaphore, #tpu.memory_space<semaphore_mem>>) src(%arg14 : memref<4096xf32, #tpu.memory_space<vmem>>) dst(%dma_wait3A_357 : memref<4096xf32, #tpu.memory_space<hbm>>)
      } else {
      }
      %parallel_loop3A_240 = arith.constant 0 : i32
      %parallel_loop3A_241 = arith.constant 16 : i32
      %parallel_loop3A_242 = arith.constant 1 : i32
      scf.for %parallel_loop3A_344 = %parallel_loop3A_240 to %parallel_loop3A_241 step %parallel_loop3A_242  : i32 {
        %parallel_loop3A_345 = arith.constant 2 : i32
        %parallel_loop3A_346 = arith.shrsi %parallel_loop3A_344, %parallel_loop3A_345 : i32
        %parallel_loop3A_347 = arith.constant 2048 : i32
        %parallel_loop3A_348 = arith.muli %parallel_loop3A_346, %parallel_loop3A_347 : i32
        %parallel_loop3A_349 = arith.constant 3 : i32
        %parallel_loop3A_350 = arith.andi %parallel_loop3A_344, %parallel_loop3A_349 : i32
        %parallel_loop3A_351 = arith.constant 256 : i32
        %parallel_loop3A_352 = arith.muli %parallel_loop3A_350, %parallel_loop3A_351 : i32
        %parallel_loop3A_353 = arith.addi %parallel_loop3A_348, %parallel_loop3A_352 : i32
        %parallel_loop3A_354 = arith.constant 128 : i32
        %parallel_loop3A_355 = arith.addi %parallel_loop3A_353, %parallel_loop3A_354 : i32
        %parallel_loop3A_356 = arith.constant 256 : i32
        %parallel_loop3A_357 = arith.muli %parallel_loop3A_344, %parallel_loop3A_356 : i32
        %parallel_loop3A_358 = arith.constant 128 : i32
        %parallel_loop3A_359 = arith.addi %parallel_loop3A_357, %parallel_loop3A_358 : i32
        %parallel_loop3A_360 = vector.broadcast %parallel_loop3A_353 : i32 to vector<16xi32>
        %parallel_loop3A_361 = arith.addi %add3A_14, %parallel_loop3A_360 : vector<16xi32>
        %parallel_loop3A_362 = arith.constant 130 : i32
        %parallel_loop3A_363 = vector.broadcast %parallel_loop3A_362 : i32 to vector<16xi32>
        %parallel_loop3A_364 = arith.addi %parallel_loop3A_361, %parallel_loop3A_363 : vector<16xi32>
        %parallel_loop3A_365 = tpu.vector_load_idx %arg6[%parallel_loop3A_361] : memref<8192xf32, #tpu.memory_space<vmem>>[vector<16xi32>], vector<16xf32>,
        %parallel_loop3A_366 = arith.constant 1 : i32
        %parallel_loop3A_367 = vector.broadcast %parallel_loop3A_366 : i32 to vector<16xi32>
        %parallel_loop3A_368 = arith.addi %parallel_loop3A_361, %parallel_loop3A_367 : vector<16xi32>
        %parallel_loop3A_369 = tpu.vector_load_idx %arg6[%parallel_loop3A_368] : memref<8192xf32, #tpu.memory_space<vmem>>[vector<16xi32>], vector<16xf32>,
        %parallel_loop3A_370 = arith.constant 0 : i32
        %parallel_loop3A_371 = arith.addi %parallel_loop3A_357, %parallel_loop3A_370 : i32
        %parallel_loop3A_372 = arith.index_cast %parallel_loop3A_371 : i32 to index
        %parallel_loop3A_373 = tpu.vector_load %arg10[%parallel_loop3A_372] {strides = array<i32>} : memref<4096xf32, #tpu.memory_space<vmem>>, vector<16xf32>,
        tpu.vector_store %arg10[%parallel_loop3A_372], %parallel_loop3A_365 {strides = array<i32>} : memref<4096xf32, #tpu.memory_space<vmem>>, vector<16xf32>,
        %parallel_loop3A_374 = arith.constant 0 : i32
        %parallel_loop3A_375 = arith.addi %parallel_loop3A_357, %parallel_loop3A_374 : i32
        %parallel_loop3A_376 = arith.index_cast %parallel_loop3A_375 : i32 to index
        %parallel_loop3A_377 = tpu.vector_load %arg14[%parallel_loop3A_376] {strides = array<i32>} : memref<4096xf32, #tpu.memory_space<vmem>>, vector<16xf32>,
        tpu.vector_store %arg14[%parallel_loop3A_376], %parallel_loop3A_369 {strides = array<i32>} : memref<4096xf32, #tpu.memory_space<vmem>>, vector<16xf32>,
        %parallel_loop3A_378 = arith.constant 129 : i32
        %parallel_loop3A_379 = vector.broadcast %parallel_loop3A_378 : i32 to vector<16xi32>
        %parallel_loop3A_380 = arith.addi %parallel_loop3A_361, %parallel_loop3A_379 : vector<16xi32>
        %parallel_loop3A_381 = tpu.vector_load_idx %arg6[%parallel_loop3A_380] : memref<8192xf32, #tpu.memory_space<vmem>>[vector<16xi32>], vector<16xf32>,
        %parallel_loop3A_382 = tpu.vector_load_idx %arg6[%parallel_loop3A_364] : memref<8192xf32, #tpu.memory_space<vmem>>[vector<16xi32>], vector<16xf32>,
        %parallel_loop3A_383 = arith.constant 0 : i32
        %parallel_loop3A_384 = arith.addi %parallel_loop3A_359, %parallel_loop3A_383 : i32
        %parallel_loop3A_385 = arith.index_cast %parallel_loop3A_384 : i32 to index
        %parallel_loop3A_386 = tpu.vector_load %arg10[%parallel_loop3A_385] {strides = array<i32>} : memref<4096xf32, #tpu.memory_space<vmem>>, vector<16xf32>,
        tpu.vector_store %arg10[%parallel_loop3A_385], %parallel_loop3A_381 {strides = array<i32>} : memref<4096xf32, #tpu.memory_space<vmem>>, vector<16xf32>,
        %parallel_loop3A_387 = arith.constant 0 : i32
        %parallel_loop3A_388 = arith.addi %parallel_loop3A_359, %parallel_loop3A_387 : i32
        %parallel_loop3A_389 = arith.index_cast %parallel_loop3A_388 : i32 to index
        %parallel_loop3A_390 = tpu.vector_load %arg14[%parallel_loop3A_389] {strides = array<i32>} : memref<4096xf32, #tpu.memory_space<vmem>>, vector<16xf32>,
        tpu.vector_store %arg14[%parallel_loop3A_389], %parallel_loop3A_382 {strides = array<i32>} : memref<4096xf32, #tpu.memory_space<vmem>>, vector<16xf32>,
        %parallel_loop3A_391 = vector.broadcast %parallel_loop3A_353 : i32 to vector<16xi32>
        %parallel_loop3A_392 = arith.addi %add3A_24, %parallel_loop3A_391 : vector<16xi32>
        %parallel_loop3A_393 = arith.constant 130 : i32
        %parallel_loop3A_394 = vector.broadcast %parallel_loop3A_393 : i32 to vector<16xi32>
        %parallel_loop3A_395 = arith.addi %parallel_loop3A_392, %parallel_loop3A_394 : vector<16xi32>
        %parallel_loop3A_396 = tpu.vector_load_idx %arg6[%parallel_loop3A_392] : memref<8192xf32, #tpu.memory_space<vmem>>[vector<16xi32>], vector<16xf32>,
        %parallel_loop3A_397 = arith.constant 1 : i32
        %parallel_loop3A_398 = vector.broadcast %parallel_loop3A_397 : i32 to vector<16xi32>
        %parallel_loop3A_399 = arith.addi %parallel_loop3A_392, %parallel_loop3A_398 : vector<16xi32>
        %parallel_loop3A_400 = tpu.vector_load_idx %arg6[%parallel_loop3A_399] : memref<8192xf32, #tpu.memory_space<vmem>>[vector<16xi32>], vector<16xf32>,
        %parallel_loop3A_401 = arith.constant 16 : i32
        %parallel_loop3A_402 = arith.addi %parallel_loop3A_357, %parallel_loop3A_401 : i32
        %parallel_loop3A_403 = arith.index_cast %parallel_loop3A_402 : i32 to index
        %parallel_loop3A_404 = tpu.vector_load %arg10[%parallel_loop3A_403] {strides = array<i32>} : memref<4096xf32, #tpu.memory_space<vmem>>, vector<16xf32>,
        tpu.vector_store %arg10[%parallel_loop3A_403], %parallel_loop3A_396 {strides = array<i32>} : memref<4096xf32, #tpu.memory_space<vmem>>, vector<16xf32>,
        %parallel_loop3A_405 = arith.constant 16 : i32
        %parallel_loop3A_406 = arith.addi %parallel_loop3A_357, %parallel_loop3A_405 : i32
        %parallel_loop3A_407 = arith.index_cast %parallel_loop3A_406 : i32 to index
        %parallel_loop3A_408 = tpu.vector_load %arg14[%parallel_loop3A_407] {strides = array<i32>} : memref<4096xf32, #tpu.memory_space<vmem>>, vector<16xf32>,
        tpu.vector_store %arg14[%parallel_loop3A_407], %parallel_loop3A_400 {strides = array<i32>} : memref<4096xf32, #tpu.memory_space<vmem>>, vector<16xf32>,
        %parallel_loop3A_409 = arith.constant 129 : i32
        %parallel_loop3A_410 = vector.broadcast %parallel_loop3A_409 : i32 to vector<16xi32>
        %parallel_loop3A_411 = arith.addi %parallel_loop3A_392, %parallel_loop3A_410 : vector<16xi32>
        %parallel_loop3A_412 = tpu.vector_load_idx %arg6[%parallel_loop3A_411] : memref<8192xf32, #tpu.memory_space<vmem>>[vector<16xi32>], vector<16xf32>,
        %parallel_loop3A_413 = tpu.vector_load_idx %arg6[%parallel_loop3A_395] : memref<8192xf32, #tpu.memory_space<vmem>>[vector<16xi32>], vector<16xf32>,
        %parallel_loop3A_414 = arith.constant 16 : i32
        %parallel_loop3A_415 = arith.addi %parallel_loop3A_359, %parallel_loop3A_414 : i32
        %parallel_loop3A_416 = arith.index_cast %parallel_loop3A_415 : i32 to index
        %parallel_loop3A_417 = tpu.vector_load %arg10[%parallel_loop3A_416] {strides = array<i32>} : memref<4096xf32, #tpu.memory_space<vmem>>, vector<16xf32>,
        tpu.vector_store %arg10[%parallel_loop3A_416], %parallel_loop3A_412 {strides = array<i32>} : memref<4096xf32, #tpu.memory_space<vmem>>, vector<16xf32>,
        %parallel_loop3A_418 = arith.constant 16 : i32
        %parallel_loop3A_419 = arith.addi %parallel_loop3A_359, %parallel_loop3A_418 : i32
        %parallel_loop3A_420 = arith.index_cast %parallel_loop3A_419 : i32 to index
        %parallel_loop3A_421 = tpu.vector_load %arg14[%parallel_loop3A_420] {strides = array<i32>} : memref<4096xf32, #tpu.memory_space<vmem>>, vector<16xf32>,
        tpu.vector_store %arg14[%parallel_loop3A_420], %parallel_loop3A_413 {strides = array<i32>} : memref<4096xf32, #tpu.memory_space<vmem>>, vector<16xf32>,
        %parallel_loop3A_422 = vector.broadcast %parallel_loop3A_353 : i32 to vector<16xi32>
        %parallel_loop3A_423 = arith.addi %add3A_34, %parallel_loop3A_422 : vector<16xi32>
        %parallel_loop3A_424 = arith.constant 130 : i32
        %parallel_loop3A_425 = vector.broadcast %parallel_loop3A_424 : i32 to vector<16xi32>
        %parallel_loop3A_426 = arith.addi %parallel_loop3A_423, %parallel_loop3A_425 : vector<16xi32>
        %parallel_loop3A_427 = tpu.vector_load_idx %arg6[%parallel_loop3A_423] : memref<8192xf32, #tpu.memory_space<vmem>>[vector<16xi32>], vector<16xf32>,
        %parallel_loop3A_428 = arith.constant 1 : i32
        %parallel_loop3A_429 = vector.broadcast %parallel_loop3A_428 : i32 to vector<16xi32>
        %parallel_loop3A_430 = arith.addi %parallel_loop3A_423, %parallel_loop3A_429 : vector<16xi32>
        %parallel_loop3A_431 = tpu.vector_load_idx %arg6[%parallel_loop3A_430] : memref<8192xf32, #tpu.memory_space<vmem>>[vector<16xi32>], vector<16xf32>,
        %parallel_loop3A_432 = arith.constant 32 : i32
        %parallel_loop3A_433 = arith.addi %parallel_loop3A_357, %parallel_loop3A_432 : i32
        %parallel_loop3A_434 = arith.index_cast %parallel_loop3A_433 : i32 to index
        %parallel_loop3A_435 = tpu.vector_load %arg10[%parallel_loop3A_434] {strides = array<i32>} : memref<4096xf32, #tpu.memory_space<vmem>>, vector<16xf32>,
        tpu.vector_store %arg10[%parallel_loop3A_434], %parallel_loop3A_427 {strides = array<i32>} : memref<4096xf32, #tpu.memory_space<vmem>>, vector<16xf32>,
        %parallel_loop3A_436 = arith.constant 32 : i32
        %parallel_loop3A_437 = arith.addi %parallel_loop3A_357, %parallel_loop3A_436 : i32
        %parallel_loop3A_438 = arith.index_cast %parallel_loop3A_437 : i32 to index
        %parallel_loop3A_439 = tpu.vector_load %arg14[%parallel_loop3A_438] {strides = array<i32>} : memref<4096xf32, #tpu.memory_space<vmem>>, vector<16xf32>,
        tpu.vector_store %arg14[%parallel_loop3A_438], %parallel_loop3A_431 {strides = array<i32>} : memref<4096xf32, #tpu.memory_space<vmem>>, vector<16xf32>,
        %parallel_loop3A_440 = arith.constant 129 : i32
        %parallel_loop3A_441 = vector.broadcast %parallel_loop3A_440 : i32 to vector<16xi32>
        %parallel_loop3A_442 = arith.addi %parallel_loop3A_423, %parallel_loop3A_441 : vector<16xi32>
        %parallel_loop3A_443 = tpu.vector_load_idx %arg6[%parallel_loop3A_442] : memref<8192xf32, #tpu.memory_space<vmem>>[vector<16xi32>], vector<16xf32>,
        %parallel_loop3A_444 = tpu.vector_load_idx %arg6[%parallel_loop3A_426] : memref<8192xf32, #tpu.memory_space<vmem>>[vector<16xi32>], vector<16xf32>,
        %parallel_loop3A_445 = arith.constant 32 : i32
        %parallel_loop3A_446 = arith.addi %parallel_loop3A_359, %parallel_loop3A_445 : i32
        %parallel_loop3A_447 = arith.index_cast %parallel_loop3A_446 : i32 to index
        %parallel_loop3A_448 = tpu.vector_load %arg10[%parallel_loop3A_447] {strides = array<i32>} : memref<4096xf32, #tpu.memory_space<vmem>>, vector<16xf32>,
        tpu.vector_store %arg10[%parallel_loop3A_447], %parallel_loop3A_443 {strides = array<i32>} : memref<4096xf32, #tpu.memory_space<vmem>>, vector<16xf32>,
        %parallel_loop3A_449 = arith.constant 32 : i32
        %parallel_loop3A_450 = arith.addi %parallel_loop3A_359, %parallel_loop3A_449 : i32
        %parallel_loop3A_451 = arith.index_cast %parallel_loop3A_450 : i32 to index
        %parallel_loop3A_452 = tpu.vector_load %arg14[%parallel_loop3A_451] {strides = array<i32>} : memref<4096xf32, #tpu.memory_space<vmem>>, vector<16xf32>,
        tpu.vector_store %arg14[%parallel_loop3A_451], %parallel_loop3A_444 {strides = array<i32>} : memref<4096xf32, #tpu.memory_space<vmem>>, vector<16xf32>,
        %parallel_loop3A_453 = vector.broadcast %parallel_loop3A_353 : i32 to vector<16xi32>
        %parallel_loop3A_454 = arith.addi %add3A_44, %parallel_loop3A_453 : vector<16xi32>
        %parallel_loop3A_455 = vector.broadcast %parallel_loop3A_355 : i32 to vector<16xi32>
        %parallel_loop3A_456 = arith.addi %add3A_97, %parallel_loop3A_455 : vector<16xi32>
        %parallel_loop3A_457 = tpu.vector_load_idx %arg6[%parallel_loop3A_454] : memref<8192xf32, #tpu.memory_space<vmem>>[vector<16xi32>], vector<16xf32>,
        %parallel_loop3A_458 = arith.constant 1 : i32
        %parallel_loop3A_459 = vector.broadcast %parallel_loop3A_458 : i32 to vector<16xi32>
        %parallel_loop3A_460 = arith.addi %parallel_loop3A_454, %parallel_loop3A_459 : vector<16xi32>
        %parallel_loop3A_461 = tpu.vector_load_idx %arg6[%parallel_loop3A_460] : memref<8192xf32, #tpu.memory_space<vmem>>[vector<16xi32>], vector<16xf32>,
        %parallel_loop3A_462 = arith.constant 48 : i32
        %parallel_loop3A_463 = arith.addi %parallel_loop3A_357, %parallel_loop3A_462 : i32
        %parallel_loop3A_464 = arith.index_cast %parallel_loop3A_463 : i32 to index
        %parallel_loop3A_465 = tpu.vector_load %arg10[%parallel_loop3A_464] {strides = array<i32>} : memref<4096xf32, #tpu.memory_space<vmem>>, vector<16xf32>,
        tpu.vector_store %arg10[%parallel_loop3A_464], %parallel_loop3A_457 {strides = array<i32>} : memref<4096xf32, #tpu.memory_space<vmem>>, vector<16xf32>,
        %parallel_loop3A_466 = arith.constant 48 : i32
        %parallel_loop3A_467 = arith.addi %parallel_loop3A_357, %parallel_loop3A_466 : i32
        %parallel_loop3A_468 = arith.index_cast %parallel_loop3A_467 : i32 to index
        %parallel_loop3A_469 = tpu.vector_load %arg14[%parallel_loop3A_468] {strides = array<i32>} : memref<4096xf32, #tpu.memory_space<vmem>>, vector<16xf32>,
        tpu.vector_store %arg14[%parallel_loop3A_468], %parallel_loop3A_461 {strides = array<i32>} : memref<4096xf32, #tpu.memory_space<vmem>>, vector<16xf32>,
        %parallel_loop3A_470 = arith.constant 129 : i32
        %parallel_loop3A_471 = vector.broadcast %parallel_loop3A_470 : i32 to vector<16xi32>
        %parallel_loop3A_472 = arith.addi %parallel_loop3A_454, %parallel_loop3A_471 : vector<16xi32>
        %parallel_loop3A_473 = tpu.vector_load_idx %arg6[%parallel_loop3A_472] : memref<8192xf32, #tpu.memory_space<vmem>>[vector<16xi32>], vector<16xf32>,
        %parallel_loop3A_474 = tpu.vector_load_idx %arg6[%parallel_loop3A_456] : memref<8192xf32, #tpu.memory_space<vmem>>[vector<16xi32>], vector<16xf32>,
        %parallel_loop3A_475 = arith.constant 48 : i32
        %parallel_loop3A_476 = arith.addi %parallel_loop3A_359, %parallel_loop3A_475 : i32
        %parallel_loop3A_477 = arith.index_cast %parallel_loop3A_476 : i32 to index
        %parallel_loop3A_478 = tpu.vector_load %arg10[%parallel_loop3A_477] {strides = array<i32>} : memref<4096xf32, #tpu.memory_space<vmem>>, vector<16xf32>,
        tpu.vector_store %arg10[%parallel_loop3A_477], %parallel_loop3A_473 {strides = array<i32>} : memref<4096xf32, #tpu.memory_space<vmem>>, vector<16xf32>,
        %parallel_loop3A_479 = arith.constant 48 : i32
        %parallel_loop3A_480 = arith.addi %parallel_loop3A_359, %parallel_loop3A_479 : i32
        %parallel_loop3A_481 = arith.index_cast %parallel_loop3A_480 : i32 to index
        %parallel_loop3A_482 = tpu.vector_load %arg14[%parallel_loop3A_481] {strides = array<i32>} : memref<4096xf32, #tpu.memory_space<vmem>>, vector<16xf32>,
        tpu.vector_store %arg14[%parallel_loop3A_481], %parallel_loop3A_474 {strides = array<i32>} : memref<4096xf32, #tpu.memory_space<vmem>>, vector<16xf32>,
        %parallel_loop3A_483 = vector.broadcast %parallel_loop3A_353 : i32 to vector<16xi32>
        %parallel_loop3A_484 = arith.addi %add3A_54, %parallel_loop3A_483 : vector<16xi32>
        %parallel_loop3A_485 = arith.constant 130 : i32
        %parallel_loop3A_486 = vector.broadcast %parallel_loop3A_485 : i32 to vector<16xi32>
        %parallel_loop3A_487 = arith.addi %parallel_loop3A_484, %parallel_loop3A_486 : vector<16xi32>
        %parallel_loop3A_488 = tpu.vector_load_idx %arg6[%parallel_loop3A_484] : memref<8192xf32, #tpu.memory_space<vmem>>[vector<16xi32>], vector<16xf32>,
        %parallel_loop3A_489 = arith.constant 1 : i32
        %parallel_loop3A_490 = vector.broadcast %parallel_loop3A_489 : i32 to vector<16xi32>
        %parallel_loop3A_491 = arith.addi %parallel_loop3A_484, %parallel_loop3A_490 : vector<16xi32>
        %parallel_loop3A_492 = tpu.vector_load_idx %arg6[%parallel_loop3A_491] : memref<8192xf32, #tpu.memory_space<vmem>>[vector<16xi32>], vector<16xf32>,
        %parallel_loop3A_493 = arith.constant 64 : i32
        %parallel_loop3A_494 = arith.addi %parallel_loop3A_357, %parallel_loop3A_493 : i32
        %parallel_loop3A_495 = arith.index_cast %parallel_loop3A_494 : i32 to index
        %parallel_loop3A_496 = tpu.vector_load %arg10[%parallel_loop3A_495] {strides = array<i32>} : memref<4096xf32, #tpu.memory_space<vmem>>, vector<16xf32>,
        tpu.vector_store %arg10[%parallel_loop3A_495], %parallel_loop3A_488 {strides = array<i32>} : memref<4096xf32, #tpu.memory_space<vmem>>, vector<16xf32>,
        %parallel_loop3A_497 = arith.constant 64 : i32
        %parallel_loop3A_498 = arith.addi %parallel_loop3A_357, %parallel_loop3A_497 : i32
        %parallel_loop3A_499 = arith.index_cast %parallel_loop3A_498 : i32 to index
        %parallel_loop3A_500 = tpu.vector_load %arg14[%parallel_loop3A_499] {strides = array<i32>} : memref<4096xf32, #tpu.memory_space<vmem>>, vector<16xf32>,
        tpu.vector_store %arg14[%parallel_loop3A_499], %parallel_loop3A_492 {strides = array<i32>} : memref<4096xf32, #tpu.memory_space<vmem>>, vector<16xf32>,
        %parallel_loop3A_501 = arith.constant 129 : i32
        %parallel_loop3A_502 = vector.broadcast %parallel_loop3A_501 : i32 to vector<16xi32>
        %parallel_loop3A_503 = arith.addi %parallel_loop3A_484, %parallel_loop3A_502 : vector<16xi32>
        %parallel_loop3A_504 = tpu.vector_load_idx %arg6[%parallel_loop3A_503] : memref<8192xf32, #tpu.memory_space<vmem>>[vector<16xi32>], vector<16xf32>,
        %parallel_loop3A_505 = tpu.vector_load_idx %arg6[%parallel_loop3A_487] : memref<8192xf32, #tpu.memory_space<vmem>>[vector<16xi32>], vector<16xf32>,
        %parallel_loop3A_506 = arith.constant 64 : i32
        %parallel_loop3A_507 = arith.addi %parallel_loop3A_359, %parallel_loop3A_506 : i32
        %parallel_loop3A_508 = arith.index_cast %parallel_loop3A_507 : i32 to index
        %parallel_loop3A_509 = tpu.vector_load %arg10[%parallel_loop3A_508] {strides = array<i32>} : memref<4096xf32, #tpu.memory_space<vmem>>, vector<16xf32>,
        tpu.vector_store %arg10[%parallel_loop3A_508], %parallel_loop3A_504 {strides = array<i32>} : memref<4096xf32, #tpu.memory_space<vmem>>, vector<16xf32>,
        %parallel_loop3A_510 = arith.constant 64 : i32
        %parallel_loop3A_511 = arith.addi %parallel_loop3A_359, %parallel_loop3A_510 : i32
        %parallel_loop3A_512 = arith.index_cast %parallel_loop3A_511 : i32 to index
        %parallel_loop3A_513 = tpu.vector_load %arg14[%parallel_loop3A_512] {strides = array<i32>} : memref<4096xf32, #tpu.memory_space<vmem>>, vector<16xf32>,
        tpu.vector_store %arg14[%parallel_loop3A_512], %parallel_loop3A_505 {strides = array<i32>} : memref<4096xf32, #tpu.memory_space<vmem>>, vector<16xf32>,
        %parallel_loop3A_514 = vector.broadcast %parallel_loop3A_353 : i32 to vector<16xi32>
        %parallel_loop3A_515 = arith.addi %add3A_64, %parallel_loop3A_514 : vector<16xi32>
        %parallel_loop3A_516 = arith.constant 130 : i32
        %parallel_loop3A_517 = vector.broadcast %parallel_loop3A_516 : i32 to vector<16xi32>
        %parallel_loop3A_518 = arith.addi %parallel_loop3A_515, %parallel_loop3A_517 : vector<16xi32>
        %parallel_loop3A_519 = tpu.vector_load_idx %arg6[%parallel_loop3A_515] : memref<8192xf32, #tpu.memory_space<vmem>>[vector<16xi32>], vector<16xf32>,
        %parallel_loop3A_520 = arith.constant 1 : i32
        %parallel_loop3A_521 = vector.broadcast %parallel_loop3A_520 : i32 to vector<16xi32>
        %parallel_loop3A_522 = arith.addi %parallel_loop3A_515, %parallel_loop3A_521 : vector<16xi32>
        %parallel_loop3A_523 = tpu.vector_load_idx %arg6[%parallel_loop3A_522] : memref<8192xf32, #tpu.memory_space<vmem>>[vector<16xi32>], vector<16xf32>,
        %parallel_loop3A_524 = arith.constant 80 : i32
        %parallel_loop3A_525 = arith.addi %parallel_loop3A_357, %parallel_loop3A_524 : i32
        %parallel_loop3A_526 = arith.index_cast %parallel_loop3A_525 : i32 to index
        %parallel_loop3A_527 = tpu.vector_load %arg10[%parallel_loop3A_526] {strides = array<i32>} : memref<4096xf32, #tpu.memory_space<vmem>>, vector<16xf32>,
        tpu.vector_store %arg10[%parallel_loop3A_526], %parallel_loop3A_519 {strides = array<i32>} : memref<4096xf32, #tpu.memory_space<vmem>>, vector<16xf32>,
        %parallel_loop3A_528 = arith.constant 80 : i32
        %parallel_loop3A_529 = arith.addi %parallel_loop3A_357, %parallel_loop3A_528 : i32
        %parallel_loop3A_530 = arith.index_cast %parallel_loop3A_529 : i32 to index
        %parallel_loop3A_531 = tpu.vector_load %arg14[%parallel_loop3A_530] {strides = array<i32>} : memref<4096xf32, #tpu.memory_space<vmem>>, vector<16xf32>,
        tpu.vector_store %arg14[%parallel_loop3A_530], %parallel_loop3A_523 {strides = array<i32>} : memref<4096xf32, #tpu.memory_space<vmem>>, vector<16xf32>,
        %parallel_loop3A_532 = arith.constant 129 : i32
        %parallel_loop3A_533 = vector.broadcast %parallel_loop3A_532 : i32 to vector<16xi32>
        %parallel_loop3A_534 = arith.addi %parallel_loop3A_515, %parallel_loop3A_533 : vector<16xi32>
        %parallel_loop3A_535 = tpu.vector_load_idx %arg6[%parallel_loop3A_534] : memref<8192xf32, #tpu.memory_space<vmem>>[vector<16xi32>], vector<16xf32>,
        %parallel_loop3A_536 = tpu.vector_load_idx %arg6[%parallel_loop3A_518] : memref<8192xf32, #tpu.memory_space<vmem>>[vector<16xi32>], vector<16xf32>,
        %parallel_loop3A_537 = arith.constant 80 : i32
        %parallel_loop3A_538 = arith.addi %parallel_loop3A_359, %parallel_loop3A_537 : i32
        %parallel_loop3A_539 = arith.index_cast %parallel_loop3A_538 : i32 to index
        %parallel_loop3A_540 = tpu.vector_load %arg10[%parallel_loop3A_539] {strides = array<i32>} : memref<4096xf32, #tpu.memory_space<vmem>>, vector<16xf32>,
        tpu.vector_store %arg10[%parallel_loop3A_539], %parallel_loop3A_535 {strides = array<i32>} : memref<4096xf32, #tpu.memory_space<vmem>>, vector<16xf32>,
        %parallel_loop3A_541 = arith.constant 80 : i32
        %parallel_loop3A_542 = arith.addi %parallel_loop3A_359, %parallel_loop3A_541 : i32
        %parallel_loop3A_543 = arith.index_cast %parallel_loop3A_542 : i32 to index
        %parallel_loop3A_544 = tpu.vector_load %arg14[%parallel_loop3A_543] {strides = array<i32>} : memref<4096xf32, #tpu.memory_space<vmem>>, vector<16xf32>,
        tpu.vector_store %arg14[%parallel_loop3A_543], %parallel_loop3A_536 {strides = array<i32>} : memref<4096xf32, #tpu.memory_space<vmem>>, vector<16xf32>,
        %parallel_loop3A_545 = vector.broadcast %parallel_loop3A_353 : i32 to vector<16xi32>
        %parallel_loop3A_546 = arith.addi %add3A_74, %parallel_loop3A_545 : vector<16xi32>
        %parallel_loop3A_547 = arith.constant 130 : i32
        %parallel_loop3A_548 = vector.broadcast %parallel_loop3A_547 : i32 to vector<16xi32>
        %parallel_loop3A_549 = arith.addi %parallel_loop3A_546, %parallel_loop3A_548 : vector<16xi32>
        %parallel_loop3A_550 = tpu.vector_load_idx %arg6[%parallel_loop3A_546] : memref<8192xf32, #tpu.memory_space<vmem>>[vector<16xi32>], vector<16xf32>,
        %parallel_loop3A_551 = arith.constant 1 : i32
        %parallel_loop3A_552 = vector.broadcast %parallel_loop3A_551 : i32 to vector<16xi32>
        %parallel_loop3A_553 = arith.addi %parallel_loop3A_546, %parallel_loop3A_552 : vector<16xi32>
        %parallel_loop3A_554 = tpu.vector_load_idx %arg6[%parallel_loop3A_553] : memref<8192xf32, #tpu.memory_space<vmem>>[vector<16xi32>], vector<16xf32>,
        %parallel_loop3A_555 = arith.constant 96 : i32
        %parallel_loop3A_556 = arith.addi %parallel_loop3A_357, %parallel_loop3A_555 : i32
        %parallel_loop3A_557 = arith.index_cast %parallel_loop3A_556 : i32 to index
        %parallel_loop3A_558 = tpu.vector_load %arg10[%parallel_loop3A_557] {strides = array<i32>} : memref<4096xf32, #tpu.memory_space<vmem>>, vector<16xf32>,
        tpu.vector_store %arg10[%parallel_loop3A_557], %parallel_loop3A_550 {strides = array<i32>} : memref<4096xf32, #tpu.memory_space<vmem>>, vector<16xf32>,
        %parallel_loop3A_559 = arith.constant 96 : i32
        %parallel_loop3A_560 = arith.addi %parallel_loop3A_357, %parallel_loop3A_559 : i32
        %parallel_loop3A_561 = arith.index_cast %parallel_loop3A_560 : i32 to index
        %parallel_loop3A_562 = tpu.vector_load %arg14[%parallel_loop3A_561] {strides = array<i32>} : memref<4096xf32, #tpu.memory_space<vmem>>, vector<16xf32>,
        tpu.vector_store %arg14[%parallel_loop3A_561], %parallel_loop3A_554 {strides = array<i32>} : memref<4096xf32, #tpu.memory_space<vmem>>, vector<16xf32>,
        %parallel_loop3A_563 = arith.constant 129 : i32
        %parallel_loop3A_564 = vector.broadcast %parallel_loop3A_563 : i32 to vector<16xi32>
        %parallel_loop3A_565 = arith.addi %parallel_loop3A_546, %parallel_loop3A_564 : vector<16xi32>
        %parallel_loop3A_566 = tpu.vector_load_idx %arg6[%parallel_loop3A_565] : memref<8192xf32, #tpu.memory_space<vmem>>[vector<16xi32>], vector<16xf32>,
        %parallel_loop3A_567 = tpu.vector_load_idx %arg6[%parallel_loop3A_549] : memref<8192xf32, #tpu.memory_space<vmem>>[vector<16xi32>], vector<16xf32>,
        %parallel_loop3A_568 = arith.constant 96 : i32
        %parallel_loop3A_569 = arith.addi %parallel_loop3A_359, %parallel_loop3A_568 : i32
        %parallel_loop3A_570 = arith.index_cast %parallel_loop3A_569 : i32 to index
        %parallel_loop3A_571 = tpu.vector_load %arg10[%parallel_loop3A_570] {strides = array<i32>} : memref<4096xf32, #tpu.memory_space<vmem>>, vector<16xf32>,
        tpu.vector_store %arg10[%parallel_loop3A_570], %parallel_loop3A_566 {strides = array<i32>} : memref<4096xf32, #tpu.memory_space<vmem>>, vector<16xf32>,
        %parallel_loop3A_572 = arith.constant 96 : i32
        %parallel_loop3A_573 = arith.addi %parallel_loop3A_359, %parallel_loop3A_572 : i32
        %parallel_loop3A_574 = arith.index_cast %parallel_loop3A_573 : i32 to index
        %parallel_loop3A_575 = tpu.vector_load %arg14[%parallel_loop3A_574] {strides = array<i32>} : memref<4096xf32, #tpu.memory_space<vmem>>, vector<16xf32>,
        tpu.vector_store %arg14[%parallel_loop3A_574], %parallel_loop3A_567 {strides = array<i32>} : memref<4096xf32, #tpu.memory_space<vmem>>, vector<16xf32>,
        %parallel_loop3A_576 = vector.broadcast %parallel_loop3A_353 : i32 to vector<16xi32>
        %parallel_loop3A_577 = arith.addi %add3A_84, %parallel_loop3A_576 : vector<16xi32>
        %parallel_loop3A_578 = vector.broadcast %parallel_loop3A_355 : i32 to vector<16xi32>
        %parallel_loop3A_579 = arith.addi %add3A_112, %parallel_loop3A_578 : vector<16xi32>
        %parallel_loop3A_580 = tpu.vector_load_idx %arg6[%parallel_loop3A_577] : memref<8192xf32, #tpu.memory_space<vmem>>[vector<16xi32>], vector<16xf32>,
        %parallel_loop3A_581 = arith.constant 1 : i32
        %parallel_loop3A_582 = vector.broadcast %parallel_loop3A_581 : i32 to vector<16xi32>
        %parallel_loop3A_583 = arith.addi %parallel_loop3A_577, %parallel_loop3A_582 : vector<16xi32>
        %parallel_loop3A_584 = tpu.vector_load_idx %arg6[%parallel_loop3A_583] : memref<8192xf32, #tpu.memory_space<vmem>>[vector<16xi32>], vector<16xf32>,
        %parallel_loop3A_585 = arith.constant 112 : i32
        %parallel_loop3A_586 = arith.addi %parallel_loop3A_357, %parallel_loop3A_585 : i32
        %parallel_loop3A_587 = arith.index_cast %parallel_loop3A_586 : i32 to index
        %parallel_loop3A_588 = tpu.vector_load %arg10[%parallel_loop3A_587] {strides = array<i32>} : memref<4096xf32, #tpu.memory_space<vmem>>, vector<16xf32>,
        tpu.vector_store %arg10[%parallel_loop3A_587], %parallel_loop3A_580 {strides = array<i32>} : memref<4096xf32, #tpu.memory_space<vmem>>, vector<16xf32>,
        %parallel_loop3A_589 = arith.constant 112 : i32
        %parallel_loop3A_590 = arith.addi %parallel_loop3A_357, %parallel_loop3A_589 : i32
        %parallel_loop3A_591 = arith.index_cast %parallel_loop3A_590 : i32 to index
        %parallel_loop3A_592 = tpu.vector_load %arg14[%parallel_loop3A_591] {strides = array<i32>} : memref<4096xf32, #tpu.memory_space<vmem>>, vector<16xf32>,
        tpu.vector_store %arg14[%parallel_loop3A_591], %parallel_loop3A_584 {strides = array<i32>} : memref<4096xf32, #tpu.memory_space<vmem>>, vector<16xf32>,
        %parallel_loop3A_593 = arith.constant 129 : i32
        %parallel_loop3A_594 = vector.broadcast %parallel_loop3A_593 : i32 to vector<16xi32>
        %parallel_loop3A_595 = arith.addi %parallel_loop3A_577, %parallel_loop3A_594 : vector<16xi32>
        %parallel_loop3A_596 = tpu.vector_load_idx %arg6[%parallel_loop3A_595] : memref<8192xf32, #tpu.memory_space<vmem>>[vector<16xi32>], vector<16xf32>,
        %parallel_loop3A_597 = tpu.vector_load_idx %arg6[%parallel_loop3A_579] : memref<8192xf32, #tpu.memory_space<vmem>>[vector<16xi32>], vector<16xf32>,
        %parallel_loop3A_598 = arith.constant 112 : i32
        %parallel_loop3A_599 = arith.addi %parallel_loop3A_359, %parallel_loop3A_598 : i32
        %parallel_loop3A_600 = arith.index_cast %parallel_loop3A_599 : i32 to index
        %parallel_loop3A_601 = tpu.vector_load %arg10[%parallel_loop3A_600] {strides = array<i32>} : memref<4096xf32, #tpu.memory_space<vmem>>, vector<16xf32>,
        tpu.vector_store %arg10[%parallel_loop3A_600], %parallel_loop3A_596 {strides = array<i32>} : memref<4096xf32, #tpu.memory_space<vmem>>, vector<16xf32>,
        %parallel_loop3A_602 = arith.constant 112 : i32
        %parallel_loop3A_603 = arith.addi %parallel_loop3A_359, %parallel_loop3A_602 : i32
        %parallel_loop3A_604 = arith.index_cast %parallel_loop3A_603 : i32 to index
        %parallel_loop3A_605 = tpu.vector_load %arg14[%parallel_loop3A_604] {strides = array<i32>} : memref<4096xf32, #tpu.memory_space<vmem>>, vector<16xf32>,
        tpu.vector_store %arg14[%parallel_loop3A_604], %parallel_loop3A_597 {strides = array<i32>} : memref<4096xf32, #tpu.memory_space<vmem>>, vector<16xf32>,
      } {sc.loop_unroll_factor = 1 : i64, sc.parallel_access}
      %add3A_243 = arith.constant 4 : i32
      %add3A_244 = arith.addi %add3A_227, %add3A_243 : i32
      %lt3A_245 = arith.constant 256 : i32
      %lt3A_246 = arith.cmpi slt, %add3A_244, %lt3A_245 : i32
      %convert_element_type3A_247 = arith.extui %lt3A_246 : i1 to i32
      %cond3A_248 = arith.constant 0 : i32
      %cond3A_249 = arith.cmpi ne, %convert_element_type3A_247, %cond3A_248 : i32
      scf.if %cond3A_249 {
        %add3A_344 = arith.constant 4 : i32
        %add3A_345 = arith.addi %add3A_227, %add3A_344 : i32
        %mul3A_346 = arith.constant 32 : i32
        %mul3A_347 = arith.muli %add3A_345, %mul3A_346 : i32
        %add3A_348 = arith.addi %mul3A_2, %mul3A_347 : i32
        %mul3A_349 = arith.constant 256 : i32
        %mul3A_350 = arith.muli %add3A_348, %mul3A_349 : i32
        %dma_start3A_351 = tpu.memref_slice %arg2[%mul3A_350] : memref<67108864xf32, #tpu.memory_space<hbm>> -> memref<8192xf32, #tpu.memory_space<hbm>>
        %dma_start3A_352 = tpu.memref_slice %arg2[%mul3A_350] : memref<67108864xf32, #tpu.memory_space<hbm>> -> memref<8192xf32, #tpu.memory_space<hbm>>
        tpu.enqueue_dma source(%dma_start3A_352 : memref<8192xf32, #tpu.memory_space<hbm>>) target(%arg6 : memref<8192xf32, #tpu.memory_space<vmem>>) target_semaphore(%arg18 : memref<!tpu.dma_semaphore, #tpu.memory_space<semaphore_mem>>)
      } else {
      }
      %mul3A_250 = arith.constant 32 : i32
      %mul3A_251 = arith.muli %add3A_227, %mul3A_250 : i32
      %add3A_252 = arith.addi %mul3A_2, %mul3A_251 : i32
      %mul3A_253 = arith.constant 128 : i32
      %mul3A_254 = arith.muli %add3A_252, %mul3A_253 : i32
      %dma_start3A_255 = tpu.memref_slice %arg3[%mul3A_254] : memref<33554432xf32, #tpu.memory_space<hbm>> -> memref<4096xf32, #tpu.memory_space<hbm>>
      %dma_start3A_256 = tpu.memref_slice %arg3[%mul3A_254] : memref<33554432xf32, #tpu.memory_space<hbm>> -> memref<4096xf32, #tpu.memory_space<hbm>>
      tpu.enqueue_dma source(%arg10 : memref<4096xf32, #tpu.memory_space<vmem>>) target(%dma_start3A_256 : memref<4096xf32, #tpu.memory_space<hbm>>) target_semaphore(%arg22 : memref<!tpu.dma_semaphore, #tpu.memory_space<semaphore_mem>>)
      %mul3A_257 = arith.constant 32 : i32
      %mul3A_258 = arith.muli %add3A_227, %mul3A_257 : i32
      %add3A_259 = arith.addi %mul3A_2, %mul3A_258 : i32
      %mul3A_260 = arith.constant 128 : i32
      %mul3A_261 = arith.muli %add3A_259, %mul3A_260 : i32
      %dma_start3A_262 = tpu.memref_slice %arg4[%mul3A_261] : memref<33554432xf32, #tpu.memory_space<hbm>> -> memref<4096xf32, #tpu.memory_space<hbm>>
      %dma_start3A_263 = tpu.memref_slice %arg4[%mul3A_261] : memref<33554432xf32, #tpu.memory_space<hbm>> -> memref<4096xf32, #tpu.memory_space<hbm>>
      tpu.enqueue_dma source(%arg14 : memref<4096xf32, #tpu.memory_space<vmem>>) target(%dma_start3A_263 : memref<4096xf32, #tpu.memory_space<hbm>>) target_semaphore(%arg26 : memref<!tpu.dma_semaphore, #tpu.memory_space<semaphore_mem>>)
      %mul3A_264 = arith.constant 4 : i32
      %mul3A_265 = arith.muli %scan3A_188, %mul3A_264 : i32
      %add3A_266 = arith.constant 2 : i32
      %add3A_267 = arith.addi %mul3A_265, %add3A_266 : i32
      %mul3A_268 = arith.constant 32 : i32
      %mul3A_269 = arith.muli %add3A_267, %mul3A_268 : i32
      %add3A_270 = arith.addi %mul3A_2, %mul3A_269 : i32
      %mul3A_271 = arith.constant 256 : i32
      %mul3A_272 = arith.muli %add3A_270, %mul3A_271 : i32
      %dma_wait3A_273 = tpu.memref_slice %arg2[%mul3A_272] : memref<67108864xf32, #tpu.memory_space<hbm>> -> memref<8192xf32, #tpu.memory_space<hbm>>
      %dma_wait3A_274 = tpu.memref_slice %arg2[%mul3A_272] : memref<67108864xf32, #tpu.memory_space<hbm>> -> memref<8192xf32, #tpu.memory_space<hbm>>
      tpu.wait_dma2 semaphore(%arg19 : memref<!tpu.dma_semaphore, #tpu.memory_space<semaphore_mem>>) src(%dma_wait3A_274 : memref<8192xf32, #tpu.memory_space<hbm>>) dst(%arg7 : memref<8192xf32, #tpu.memory_space<vmem>>)
      %ge3A_275 = arith.constant 4 : i32
      %ge3A_276 = arith.cmpi sge, %add3A_267, %ge3A_275 : i32
      %convert_element_type3A_277 = arith.extui %ge3A_276 : i1 to i32
      %cond3A_278 = arith.constant 0 : i32
      %cond3A_279 = arith.cmpi ne, %convert_element_type3A_277, %cond3A_278 : i32
      scf.if %cond3A_279 {
        %mul3A_344 = arith.constant 32 : i32
        %mul3A_345 = arith.muli %add3A_267, %mul3A_344 : i32
        %add3A_346 = arith.addi %mul3A_2, %mul3A_345 : i32
        %mul3A_347 = arith.constant 128 : i32
        %mul3A_348 = arith.muli %add3A_346, %mul3A_347 : i32
        %dma_wait3A_349 = tpu.memref_slice %arg3[%mul3A_348] : memref<33554432xf32, #tpu.memory_space<hbm>> -> memref<4096xf32, #tpu.memory_space<hbm>>
        %dma_wait3A_350 = tpu.memref_slice %arg3[%mul3A_348] : memref<33554432xf32, #tpu.memory_space<hbm>> -> memref<4096xf32, #tpu.memory_space<hbm>>
        tpu.wait_dma2 semaphore(%arg23 : memref<!tpu.dma_semaphore, #tpu.memory_space<semaphore_mem>>) src(%arg11 : memref<4096xf32, #tpu.memory_space<vmem>>) dst(%dma_wait3A_350 : memref<4096xf32, #tpu.memory_space<hbm>>)
        %mul3A_351 = arith.constant 32 : i32
        %mul3A_352 = arith.muli %add3A_267, %mul3A_351 : i32
        %add3A_353 = arith.addi %mul3A_2, %mul3A_352 : i32
        %mul3A_354 = arith.constant 128 : i32
        %mul3A_355 = arith.muli %add3A_353, %mul3A_354 : i32
        %dma_wait3A_356 = tpu.memref_slice %arg4[%mul3A_355] : memref<33554432xf32, #tpu.memory_space<hbm>> -> memref<4096xf32, #tpu.memory_space<hbm>>
        %dma_wait3A_357 = tpu.memref_slice %arg4[%mul3A_355] : memref<33554432xf32, #tpu.memory_space<hbm>> -> memref<4096xf32, #tpu.memory_space<hbm>>
        tpu.wait_dma2 semaphore(%arg27 : memref<!tpu.dma_semaphore, #tpu.memory_space<semaphore_mem>>) src(%arg15 : memref<4096xf32, #tpu.memory_space<vmem>>) dst(%dma_wait3A_357 : memref<4096xf32, #tpu.memory_space<hbm>>)
      } else {
      }
      %parallel_loop3A_280 = arith.constant 0 : i32
      %parallel_loop3A_281 = arith.constant 16 : i32
      %parallel_loop3A_282 = arith.constant 1 : i32
      scf.for %parallel_loop3A_344 = %parallel_loop3A_280 to %parallel_loop3A_281 step %parallel_loop3A_282  : i32 {
        %parallel_loop3A_345 = arith.constant 2 : i32
        %parallel_loop3A_346 = arith.shrsi %parallel_loop3A_344, %parallel_loop3A_345 : i32
        %parallel_loop3A_347 = arith.constant 2048 : i32
        %parallel_loop3A_348 = arith.muli %parallel_loop3A_346, %parallel_loop3A_347 : i32
        %parallel_loop3A_349 = arith.constant 3 : i32
        %parallel_loop3A_350 = arith.andi %parallel_loop3A_344, %parallel_loop3A_349 : i32
        %parallel_loop3A_351 = arith.constant 256 : i32
        %parallel_loop3A_352 = arith.muli %parallel_loop3A_350, %parallel_loop3A_351 : i32
        %parallel_loop3A_353 = arith.addi %parallel_loop3A_348, %parallel_loop3A_352 : i32
        %parallel_loop3A_354 = arith.constant 128 : i32
        %parallel_loop3A_355 = arith.addi %parallel_loop3A_353, %parallel_loop3A_354 : i32
        %parallel_loop3A_356 = arith.constant 256 : i32
        %parallel_loop3A_357 = arith.muli %parallel_loop3A_344, %parallel_loop3A_356 : i32
        %parallel_loop3A_358 = arith.constant 128 : i32
        %parallel_loop3A_359 = arith.addi %parallel_loop3A_357, %parallel_loop3A_358 : i32
        %parallel_loop3A_360 = vector.broadcast %parallel_loop3A_353 : i32 to vector<16xi32>
        %parallel_loop3A_361 = arith.addi %add3A_14, %parallel_loop3A_360 : vector<16xi32>
        %parallel_loop3A_362 = arith.constant 130 : i32
        %parallel_loop3A_363 = vector.broadcast %parallel_loop3A_362 : i32 to vector<16xi32>
        %parallel_loop3A_364 = arith.addi %parallel_loop3A_361, %parallel_loop3A_363 : vector<16xi32>
        %parallel_loop3A_365 = tpu.vector_load_idx %arg7[%parallel_loop3A_361] : memref<8192xf32, #tpu.memory_space<vmem>>[vector<16xi32>], vector<16xf32>,
        %parallel_loop3A_366 = arith.constant 1 : i32
        %parallel_loop3A_367 = vector.broadcast %parallel_loop3A_366 : i32 to vector<16xi32>
        %parallel_loop3A_368 = arith.addi %parallel_loop3A_361, %parallel_loop3A_367 : vector<16xi32>
        %parallel_loop3A_369 = tpu.vector_load_idx %arg7[%parallel_loop3A_368] : memref<8192xf32, #tpu.memory_space<vmem>>[vector<16xi32>], vector<16xf32>,
        %parallel_loop3A_370 = arith.constant 0 : i32
        %parallel_loop3A_371 = arith.addi %parallel_loop3A_357, %parallel_loop3A_370 : i32
        %parallel_loop3A_372 = arith.index_cast %parallel_loop3A_371 : i32 to index
        %parallel_loop3A_373 = tpu.vector_load %arg11[%parallel_loop3A_372] {strides = array<i32>} : memref<4096xf32, #tpu.memory_space<vmem>>, vector<16xf32>,
        tpu.vector_store %arg11[%parallel_loop3A_372], %parallel_loop3A_365 {strides = array<i32>} : memref<4096xf32, #tpu.memory_space<vmem>>, vector<16xf32>,
        %parallel_loop3A_374 = arith.constant 0 : i32
        %parallel_loop3A_375 = arith.addi %parallel_loop3A_357, %parallel_loop3A_374 : i32
        %parallel_loop3A_376 = arith.index_cast %parallel_loop3A_375 : i32 to index
        %parallel_loop3A_377 = tpu.vector_load %arg15[%parallel_loop3A_376] {strides = array<i32>} : memref<4096xf32, #tpu.memory_space<vmem>>, vector<16xf32>,
        tpu.vector_store %arg15[%parallel_loop3A_376], %parallel_loop3A_369 {strides = array<i32>} : memref<4096xf32, #tpu.memory_space<vmem>>, vector<16xf32>,
        %parallel_loop3A_378 = arith.constant 129 : i32
        %parallel_loop3A_379 = vector.broadcast %parallel_loop3A_378 : i32 to vector<16xi32>
        %parallel_loop3A_380 = arith.addi %parallel_loop3A_361, %parallel_loop3A_379 : vector<16xi32>
        %parallel_loop3A_381 = tpu.vector_load_idx %arg7[%parallel_loop3A_380] : memref<8192xf32, #tpu.memory_space<vmem>>[vector<16xi32>], vector<16xf32>,
        %parallel_loop3A_382 = tpu.vector_load_idx %arg7[%parallel_loop3A_364] : memref<8192xf32, #tpu.memory_space<vmem>>[vector<16xi32>], vector<16xf32>,
        %parallel_loop3A_383 = arith.constant 0 : i32
        %parallel_loop3A_384 = arith.addi %parallel_loop3A_359, %parallel_loop3A_383 : i32
        %parallel_loop3A_385 = arith.index_cast %parallel_loop3A_384 : i32 to index
        %parallel_loop3A_386 = tpu.vector_load %arg11[%parallel_loop3A_385] {strides = array<i32>} : memref<4096xf32, #tpu.memory_space<vmem>>, vector<16xf32>,
        tpu.vector_store %arg11[%parallel_loop3A_385], %parallel_loop3A_381 {strides = array<i32>} : memref<4096xf32, #tpu.memory_space<vmem>>, vector<16xf32>,
        %parallel_loop3A_387 = arith.constant 0 : i32
        %parallel_loop3A_388 = arith.addi %parallel_loop3A_359, %parallel_loop3A_387 : i32
        %parallel_loop3A_389 = arith.index_cast %parallel_loop3A_388 : i32 to index
        %parallel_loop3A_390 = tpu.vector_load %arg15[%parallel_loop3A_389] {strides = array<i32>} : memref<4096xf32, #tpu.memory_space<vmem>>, vector<16xf32>,
        tpu.vector_store %arg15[%parallel_loop3A_389], %parallel_loop3A_382 {strides = array<i32>} : memref<4096xf32, #tpu.memory_space<vmem>>, vector<16xf32>,
        %parallel_loop3A_391 = vector.broadcast %parallel_loop3A_353 : i32 to vector<16xi32>
        %parallel_loop3A_392 = arith.addi %add3A_24, %parallel_loop3A_391 : vector<16xi32>
        %parallel_loop3A_393 = arith.constant 130 : i32
        %parallel_loop3A_394 = vector.broadcast %parallel_loop3A_393 : i32 to vector<16xi32>
        %parallel_loop3A_395 = arith.addi %parallel_loop3A_392, %parallel_loop3A_394 : vector<16xi32>
        %parallel_loop3A_396 = tpu.vector_load_idx %arg7[%parallel_loop3A_392] : memref<8192xf32, #tpu.memory_space<vmem>>[vector<16xi32>], vector<16xf32>,
        %parallel_loop3A_397 = arith.constant 1 : i32
        %parallel_loop3A_398 = vector.broadcast %parallel_loop3A_397 : i32 to vector<16xi32>
        %parallel_loop3A_399 = arith.addi %parallel_loop3A_392, %parallel_loop3A_398 : vector<16xi32>
        %parallel_loop3A_400 = tpu.vector_load_idx %arg7[%parallel_loop3A_399] : memref<8192xf32, #tpu.memory_space<vmem>>[vector<16xi32>], vector<16xf32>,
        %parallel_loop3A_401 = arith.constant 16 : i32
        %parallel_loop3A_402 = arith.addi %parallel_loop3A_357, %parallel_loop3A_401 : i32
        %parallel_loop3A_403 = arith.index_cast %parallel_loop3A_402 : i32 to index
        %parallel_loop3A_404 = tpu.vector_load %arg11[%parallel_loop3A_403] {strides = array<i32>} : memref<4096xf32, #tpu.memory_space<vmem>>, vector<16xf32>,
        tpu.vector_store %arg11[%parallel_loop3A_403], %parallel_loop3A_396 {strides = array<i32>} : memref<4096xf32, #tpu.memory_space<vmem>>, vector<16xf32>,
        %parallel_loop3A_405 = arith.constant 16 : i32
        %parallel_loop3A_406 = arith.addi %parallel_loop3A_357, %parallel_loop3A_405 : i32
        %parallel_loop3A_407 = arith.index_cast %parallel_loop3A_406 : i32 to index
        %parallel_loop3A_408 = tpu.vector_load %arg15[%parallel_loop3A_407] {strides = array<i32>} : memref<4096xf32, #tpu.memory_space<vmem>>, vector<16xf32>,
        tpu.vector_store %arg15[%parallel_loop3A_407], %parallel_loop3A_400 {strides = array<i32>} : memref<4096xf32, #tpu.memory_space<vmem>>, vector<16xf32>,
        %parallel_loop3A_409 = arith.constant 129 : i32
        %parallel_loop3A_410 = vector.broadcast %parallel_loop3A_409 : i32 to vector<16xi32>
        %parallel_loop3A_411 = arith.addi %parallel_loop3A_392, %parallel_loop3A_410 : vector<16xi32>
        %parallel_loop3A_412 = tpu.vector_load_idx %arg7[%parallel_loop3A_411] : memref<8192xf32, #tpu.memory_space<vmem>>[vector<16xi32>], vector<16xf32>,
        %parallel_loop3A_413 = tpu.vector_load_idx %arg7[%parallel_loop3A_395] : memref<8192xf32, #tpu.memory_space<vmem>>[vector<16xi32>], vector<16xf32>,
        %parallel_loop3A_414 = arith.constant 16 : i32
        %parallel_loop3A_415 = arith.addi %parallel_loop3A_359, %parallel_loop3A_414 : i32
        %parallel_loop3A_416 = arith.index_cast %parallel_loop3A_415 : i32 to index
        %parallel_loop3A_417 = tpu.vector_load %arg11[%parallel_loop3A_416] {strides = array<i32>} : memref<4096xf32, #tpu.memory_space<vmem>>, vector<16xf32>,
        tpu.vector_store %arg11[%parallel_loop3A_416], %parallel_loop3A_412 {strides = array<i32>} : memref<4096xf32, #tpu.memory_space<vmem>>, vector<16xf32>,
        %parallel_loop3A_418 = arith.constant 16 : i32
        %parallel_loop3A_419 = arith.addi %parallel_loop3A_359, %parallel_loop3A_418 : i32
        %parallel_loop3A_420 = arith.index_cast %parallel_loop3A_419 : i32 to index
        %parallel_loop3A_421 = tpu.vector_load %arg15[%parallel_loop3A_420] {strides = array<i32>} : memref<4096xf32, #tpu.memory_space<vmem>>, vector<16xf32>,
        tpu.vector_store %arg15[%parallel_loop3A_420], %parallel_loop3A_413 {strides = array<i32>} : memref<4096xf32, #tpu.memory_space<vmem>>, vector<16xf32>,
        %parallel_loop3A_422 = vector.broadcast %parallel_loop3A_353 : i32 to vector<16xi32>
        %parallel_loop3A_423 = arith.addi %add3A_34, %parallel_loop3A_422 : vector<16xi32>
        %parallel_loop3A_424 = arith.constant 130 : i32
        %parallel_loop3A_425 = vector.broadcast %parallel_loop3A_424 : i32 to vector<16xi32>
        %parallel_loop3A_426 = arith.addi %parallel_loop3A_423, %parallel_loop3A_425 : vector<16xi32>
        %parallel_loop3A_427 = tpu.vector_load_idx %arg7[%parallel_loop3A_423] : memref<8192xf32, #tpu.memory_space<vmem>>[vector<16xi32>], vector<16xf32>,
        %parallel_loop3A_428 = arith.constant 1 : i32
        %parallel_loop3A_429 = vector.broadcast %parallel_loop3A_428 : i32 to vector<16xi32>
        %parallel_loop3A_430 = arith.addi %parallel_loop3A_423, %parallel_loop3A_429 : vector<16xi32>
        %parallel_loop3A_431 = tpu.vector_load_idx %arg7[%parallel_loop3A_430] : memref<8192xf32, #tpu.memory_space<vmem>>[vector<16xi32>], vector<16xf32>,
        %parallel_loop3A_432 = arith.constant 32 : i32
        %parallel_loop3A_433 = arith.addi %parallel_loop3A_357, %parallel_loop3A_432 : i32
        %parallel_loop3A_434 = arith.index_cast %parallel_loop3A_433 : i32 to index
        %parallel_loop3A_435 = tpu.vector_load %arg11[%parallel_loop3A_434] {strides = array<i32>} : memref<4096xf32, #tpu.memory_space<vmem>>, vector<16xf32>,
        tpu.vector_store %arg11[%parallel_loop3A_434], %parallel_loop3A_427 {strides = array<i32>} : memref<4096xf32, #tpu.memory_space<vmem>>, vector<16xf32>,
        %parallel_loop3A_436 = arith.constant 32 : i32
        %parallel_loop3A_437 = arith.addi %parallel_loop3A_357, %parallel_loop3A_436 : i32
        %parallel_loop3A_438 = arith.index_cast %parallel_loop3A_437 : i32 to index
        %parallel_loop3A_439 = tpu.vector_load %arg15[%parallel_loop3A_438] {strides = array<i32>} : memref<4096xf32, #tpu.memory_space<vmem>>, vector<16xf32>,
        tpu.vector_store %arg15[%parallel_loop3A_438], %parallel_loop3A_431 {strides = array<i32>} : memref<4096xf32, #tpu.memory_space<vmem>>, vector<16xf32>,
        %parallel_loop3A_440 = arith.constant 129 : i32
        %parallel_loop3A_441 = vector.broadcast %parallel_loop3A_440 : i32 to vector<16xi32>
        %parallel_loop3A_442 = arith.addi %parallel_loop3A_423, %parallel_loop3A_441 : vector<16xi32>
        %parallel_loop3A_443 = tpu.vector_load_idx %arg7[%parallel_loop3A_442] : memref<8192xf32, #tpu.memory_space<vmem>>[vector<16xi32>], vector<16xf32>,
        %parallel_loop3A_444 = tpu.vector_load_idx %arg7[%parallel_loop3A_426] : memref<8192xf32, #tpu.memory_space<vmem>>[vector<16xi32>], vector<16xf32>,
        %parallel_loop3A_445 = arith.constant 32 : i32
        %parallel_loop3A_446 = arith.addi %parallel_loop3A_359, %parallel_loop3A_445 : i32
        %parallel_loop3A_447 = arith.index_cast %parallel_loop3A_446 : i32 to index
        %parallel_loop3A_448 = tpu.vector_load %arg11[%parallel_loop3A_447] {strides = array<i32>} : memref<4096xf32, #tpu.memory_space<vmem>>, vector<16xf32>,
        tpu.vector_store %arg11[%parallel_loop3A_447], %parallel_loop3A_443 {strides = array<i32>} : memref<4096xf32, #tpu.memory_space<vmem>>, vector<16xf32>,
        %parallel_loop3A_449 = arith.constant 32 : i32
        %parallel_loop3A_450 = arith.addi %parallel_loop3A_359, %parallel_loop3A_449 : i32
        %parallel_loop3A_451 = arith.index_cast %parallel_loop3A_450 : i32 to index
        %parallel_loop3A_452 = tpu.vector_load %arg15[%parallel_loop3A_451] {strides = array<i32>} : memref<4096xf32, #tpu.memory_space<vmem>>, vector<16xf32>,
        tpu.vector_store %arg15[%parallel_loop3A_451], %parallel_loop3A_444 {strides = array<i32>} : memref<4096xf32, #tpu.memory_space<vmem>>, vector<16xf32>,
        %parallel_loop3A_453 = vector.broadcast %parallel_loop3A_353 : i32 to vector<16xi32>
        %parallel_loop3A_454 = arith.addi %add3A_44, %parallel_loop3A_453 : vector<16xi32>
        %parallel_loop3A_455 = vector.broadcast %parallel_loop3A_355 : i32 to vector<16xi32>
        %parallel_loop3A_456 = arith.addi %add3A_97, %parallel_loop3A_455 : vector<16xi32>
        %parallel_loop3A_457 = tpu.vector_load_idx %arg7[%parallel_loop3A_454] : memref<8192xf32, #tpu.memory_space<vmem>>[vector<16xi32>], vector<16xf32>,
        %parallel_loop3A_458 = arith.constant 1 : i32
        %parallel_loop3A_459 = vector.broadcast %parallel_loop3A_458 : i32 to vector<16xi32>
        %parallel_loop3A_460 = arith.addi %parallel_loop3A_454, %parallel_loop3A_459 : vector<16xi32>
        %parallel_loop3A_461 = tpu.vector_load_idx %arg7[%parallel_loop3A_460] : memref<8192xf32, #tpu.memory_space<vmem>>[vector<16xi32>], vector<16xf32>,
        %parallel_loop3A_462 = arith.constant 48 : i32
        %parallel_loop3A_463 = arith.addi %parallel_loop3A_357, %parallel_loop3A_462 : i32
        %parallel_loop3A_464 = arith.index_cast %parallel_loop3A_463 : i32 to index
        %parallel_loop3A_465 = tpu.vector_load %arg11[%parallel_loop3A_464] {strides = array<i32>} : memref<4096xf32, #tpu.memory_space<vmem>>, vector<16xf32>,
        tpu.vector_store %arg11[%parallel_loop3A_464], %parallel_loop3A_457 {strides = array<i32>} : memref<4096xf32, #tpu.memory_space<vmem>>, vector<16xf32>,
        %parallel_loop3A_466 = arith.constant 48 : i32
        %parallel_loop3A_467 = arith.addi %parallel_loop3A_357, %parallel_loop3A_466 : i32
        %parallel_loop3A_468 = arith.index_cast %parallel_loop3A_467 : i32 to index
        %parallel_loop3A_469 = tpu.vector_load %arg15[%parallel_loop3A_468] {strides = array<i32>} : memref<4096xf32, #tpu.memory_space<vmem>>, vector<16xf32>,
        tpu.vector_store %arg15[%parallel_loop3A_468], %parallel_loop3A_461 {strides = array<i32>} : memref<4096xf32, #tpu.memory_space<vmem>>, vector<16xf32>,
        %parallel_loop3A_470 = arith.constant 129 : i32
        %parallel_loop3A_471 = vector.broadcast %parallel_loop3A_470 : i32 to vector<16xi32>
        %parallel_loop3A_472 = arith.addi %parallel_loop3A_454, %parallel_loop3A_471 : vector<16xi32>
        %parallel_loop3A_473 = tpu.vector_load_idx %arg7[%parallel_loop3A_472] : memref<8192xf32, #tpu.memory_space<vmem>>[vector<16xi32>], vector<16xf32>,
        %parallel_loop3A_474 = tpu.vector_load_idx %arg7[%parallel_loop3A_456] : memref<8192xf32, #tpu.memory_space<vmem>>[vector<16xi32>], vector<16xf32>,
        %parallel_loop3A_475 = arith.constant 48 : i32
        %parallel_loop3A_476 = arith.addi %parallel_loop3A_359, %parallel_loop3A_475 : i32
        %parallel_loop3A_477 = arith.index_cast %parallel_loop3A_476 : i32 to index
        %parallel_loop3A_478 = tpu.vector_load %arg11[%parallel_loop3A_477] {strides = array<i32>} : memref<4096xf32, #tpu.memory_space<vmem>>, vector<16xf32>,
        tpu.vector_store %arg11[%parallel_loop3A_477], %parallel_loop3A_473 {strides = array<i32>} : memref<4096xf32, #tpu.memory_space<vmem>>, vector<16xf32>,
        %parallel_loop3A_479 = arith.constant 48 : i32
        %parallel_loop3A_480 = arith.addi %parallel_loop3A_359, %parallel_loop3A_479 : i32
        %parallel_loop3A_481 = arith.index_cast %parallel_loop3A_480 : i32 to index
        %parallel_loop3A_482 = tpu.vector_load %arg15[%parallel_loop3A_481] {strides = array<i32>} : memref<4096xf32, #tpu.memory_space<vmem>>, vector<16xf32>,
        tpu.vector_store %arg15[%parallel_loop3A_481], %parallel_loop3A_474 {strides = array<i32>} : memref<4096xf32, #tpu.memory_space<vmem>>, vector<16xf32>,
        %parallel_loop3A_483 = vector.broadcast %parallel_loop3A_353 : i32 to vector<16xi32>
        %parallel_loop3A_484 = arith.addi %add3A_54, %parallel_loop3A_483 : vector<16xi32>
        %parallel_loop3A_485 = arith.constant 130 : i32
        %parallel_loop3A_486 = vector.broadcast %parallel_loop3A_485 : i32 to vector<16xi32>
        %parallel_loop3A_487 = arith.addi %parallel_loop3A_484, %parallel_loop3A_486 : vector<16xi32>
        %parallel_loop3A_488 = tpu.vector_load_idx %arg7[%parallel_loop3A_484] : memref<8192xf32, #tpu.memory_space<vmem>>[vector<16xi32>], vector<16xf32>,
        %parallel_loop3A_489 = arith.constant 1 : i32
        %parallel_loop3A_490 = vector.broadcast %parallel_loop3A_489 : i32 to vector<16xi32>
        %parallel_loop3A_491 = arith.addi %parallel_loop3A_484, %parallel_loop3A_490 : vector<16xi32>
        %parallel_loop3A_492 = tpu.vector_load_idx %arg7[%parallel_loop3A_491] : memref<8192xf32, #tpu.memory_space<vmem>>[vector<16xi32>], vector<16xf32>,
        %parallel_loop3A_493 = arith.constant 64 : i32
        %parallel_loop3A_494 = arith.addi %parallel_loop3A_357, %parallel_loop3A_493 : i32
        %parallel_loop3A_495 = arith.index_cast %parallel_loop3A_494 : i32 to index
        %parallel_loop3A_496 = tpu.vector_load %arg11[%parallel_loop3A_495] {strides = array<i32>} : memref<4096xf32, #tpu.memory_space<vmem>>, vector<16xf32>,
        tpu.vector_store %arg11[%parallel_loop3A_495], %parallel_loop3A_488 {strides = array<i32>} : memref<4096xf32, #tpu.memory_space<vmem>>, vector<16xf32>,
        %parallel_loop3A_497 = arith.constant 64 : i32
        %parallel_loop3A_498 = arith.addi %parallel_loop3A_357, %parallel_loop3A_497 : i32
        %parallel_loop3A_499 = arith.index_cast %parallel_loop3A_498 : i32 to index
        %parallel_loop3A_500 = tpu.vector_load %arg15[%parallel_loop3A_499] {strides = array<i32>} : memref<4096xf32, #tpu.memory_space<vmem>>, vector<16xf32>,
        tpu.vector_store %arg15[%parallel_loop3A_499], %parallel_loop3A_492 {strides = array<i32>} : memref<4096xf32, #tpu.memory_space<vmem>>, vector<16xf32>,
        %parallel_loop3A_501 = arith.constant 129 : i32
        %parallel_loop3A_502 = vector.broadcast %parallel_loop3A_501 : i32 to vector<16xi32>
        %parallel_loop3A_503 = arith.addi %parallel_loop3A_484, %parallel_loop3A_502 : vector<16xi32>
        %parallel_loop3A_504 = tpu.vector_load_idx %arg7[%parallel_loop3A_503] : memref<8192xf32, #tpu.memory_space<vmem>>[vector<16xi32>], vector<16xf32>,
        %parallel_loop3A_505 = tpu.vector_load_idx %arg7[%parallel_loop3A_487] : memref<8192xf32, #tpu.memory_space<vmem>>[vector<16xi32>], vector<16xf32>,
        %parallel_loop3A_506 = arith.constant 64 : i32
        %parallel_loop3A_507 = arith.addi %parallel_loop3A_359, %parallel_loop3A_506 : i32
        %parallel_loop3A_508 = arith.index_cast %parallel_loop3A_507 : i32 to index
        %parallel_loop3A_509 = tpu.vector_load %arg11[%parallel_loop3A_508] {strides = array<i32>} : memref<4096xf32, #tpu.memory_space<vmem>>, vector<16xf32>,
        tpu.vector_store %arg11[%parallel_loop3A_508], %parallel_loop3A_504 {strides = array<i32>} : memref<4096xf32, #tpu.memory_space<vmem>>, vector<16xf32>,
        %parallel_loop3A_510 = arith.constant 64 : i32
        %parallel_loop3A_511 = arith.addi %parallel_loop3A_359, %parallel_loop3A_510 : i32
        %parallel_loop3A_512 = arith.index_cast %parallel_loop3A_511 : i32 to index
        %parallel_loop3A_513 = tpu.vector_load %arg15[%parallel_loop3A_512] {strides = array<i32>} : memref<4096xf32, #tpu.memory_space<vmem>>, vector<16xf32>,
        tpu.vector_store %arg15[%parallel_loop3A_512], %parallel_loop3A_505 {strides = array<i32>} : memref<4096xf32, #tpu.memory_space<vmem>>, vector<16xf32>,
        %parallel_loop3A_514 = vector.broadcast %parallel_loop3A_353 : i32 to vector<16xi32>
        %parallel_loop3A_515 = arith.addi %add3A_64, %parallel_loop3A_514 : vector<16xi32>
        %parallel_loop3A_516 = arith.constant 130 : i32
        %parallel_loop3A_517 = vector.broadcast %parallel_loop3A_516 : i32 to vector<16xi32>
        %parallel_loop3A_518 = arith.addi %parallel_loop3A_515, %parallel_loop3A_517 : vector<16xi32>
        %parallel_loop3A_519 = tpu.vector_load_idx %arg7[%parallel_loop3A_515] : memref<8192xf32, #tpu.memory_space<vmem>>[vector<16xi32>], vector<16xf32>,
        %parallel_loop3A_520 = arith.constant 1 : i32
        %parallel_loop3A_521 = vector.broadcast %parallel_loop3A_520 : i32 to vector<16xi32>
        %parallel_loop3A_522 = arith.addi %parallel_loop3A_515, %parallel_loop3A_521 : vector<16xi32>
        %parallel_loop3A_523 = tpu.vector_load_idx %arg7[%parallel_loop3A_522] : memref<8192xf32, #tpu.memory_space<vmem>>[vector<16xi32>], vector<16xf32>,
        %parallel_loop3A_524 = arith.constant 80 : i32
        %parallel_loop3A_525 = arith.addi %parallel_loop3A_357, %parallel_loop3A_524 : i32
        %parallel_loop3A_526 = arith.index_cast %parallel_loop3A_525 : i32 to index
        %parallel_loop3A_527 = tpu.vector_load %arg11[%parallel_loop3A_526] {strides = array<i32>} : memref<4096xf32, #tpu.memory_space<vmem>>, vector<16xf32>,
        tpu.vector_store %arg11[%parallel_loop3A_526], %parallel_loop3A_519 {strides = array<i32>} : memref<4096xf32, #tpu.memory_space<vmem>>, vector<16xf32>,
        %parallel_loop3A_528 = arith.constant 80 : i32
        %parallel_loop3A_529 = arith.addi %parallel_loop3A_357, %parallel_loop3A_528 : i32
        %parallel_loop3A_530 = arith.index_cast %parallel_loop3A_529 : i32 to index
        %parallel_loop3A_531 = tpu.vector_load %arg15[%parallel_loop3A_530] {strides = array<i32>} : memref<4096xf32, #tpu.memory_space<vmem>>, vector<16xf32>,
        tpu.vector_store %arg15[%parallel_loop3A_530], %parallel_loop3A_523 {strides = array<i32>} : memref<4096xf32, #tpu.memory_space<vmem>>, vector<16xf32>,
        %parallel_loop3A_532 = arith.constant 129 : i32
        %parallel_loop3A_533 = vector.broadcast %parallel_loop3A_532 : i32 to vector<16xi32>
        %parallel_loop3A_534 = arith.addi %parallel_loop3A_515, %parallel_loop3A_533 : vector<16xi32>
        %parallel_loop3A_535 = tpu.vector_load_idx %arg7[%parallel_loop3A_534] : memref<8192xf32, #tpu.memory_space<vmem>>[vector<16xi32>], vector<16xf32>,
        %parallel_loop3A_536 = tpu.vector_load_idx %arg7[%parallel_loop3A_518] : memref<8192xf32, #tpu.memory_space<vmem>>[vector<16xi32>], vector<16xf32>,
        %parallel_loop3A_537 = arith.constant 80 : i32
        %parallel_loop3A_538 = arith.addi %parallel_loop3A_359, %parallel_loop3A_537 : i32
        %parallel_loop3A_539 = arith.index_cast %parallel_loop3A_538 : i32 to index
        %parallel_loop3A_540 = tpu.vector_load %arg11[%parallel_loop3A_539] {strides = array<i32>} : memref<4096xf32, #tpu.memory_space<vmem>>, vector<16xf32>,
        tpu.vector_store %arg11[%parallel_loop3A_539], %parallel_loop3A_535 {strides = array<i32>} : memref<4096xf32, #tpu.memory_space<vmem>>, vector<16xf32>,
        %parallel_loop3A_541 = arith.constant 80 : i32
        %parallel_loop3A_542 = arith.addi %parallel_loop3A_359, %parallel_loop3A_541 : i32
        %parallel_loop3A_543 = arith.index_cast %parallel_loop3A_542 : i32 to index
        %parallel_loop3A_544 = tpu.vector_load %arg15[%parallel_loop3A_543] {strides = array<i32>} : memref<4096xf32, #tpu.memory_space<vmem>>, vector<16xf32>,
        tpu.vector_store %arg15[%parallel_loop3A_543], %parallel_loop3A_536 {strides = array<i32>} : memref<4096xf32, #tpu.memory_space<vmem>>, vector<16xf32>,
        %parallel_loop3A_545 = vector.broadcast %parallel_loop3A_353 : i32 to vector<16xi32>
        %parallel_loop3A_546 = arith.addi %add3A_74, %parallel_loop3A_545 : vector<16xi32>
        %parallel_loop3A_547 = arith.constant 130 : i32
        %parallel_loop3A_548 = vector.broadcast %parallel_loop3A_547 : i32 to vector<16xi32>
        %parallel_loop3A_549 = arith.addi %parallel_loop3A_546, %parallel_loop3A_548 : vector<16xi32>
        %parallel_loop3A_550 = tpu.vector_load_idx %arg7[%parallel_loop3A_546] : memref<8192xf32, #tpu.memory_space<vmem>>[vector<16xi32>], vector<16xf32>,
        %parallel_loop3A_551 = arith.constant 1 : i32
        %parallel_loop3A_552 = vector.broadcast %parallel_loop3A_551 : i32 to vector<16xi32>
        %parallel_loop3A_553 = arith.addi %parallel_loop3A_546, %parallel_loop3A_552 : vector<16xi32>
        %parallel_loop3A_554 = tpu.vector_load_idx %arg7[%parallel_loop3A_553] : memref<8192xf32, #tpu.memory_space<vmem>>[vector<16xi32>], vector<16xf32>,
        %parallel_loop3A_555 = arith.constant 96 : i32
        %parallel_loop3A_556 = arith.addi %parallel_loop3A_357, %parallel_loop3A_555 : i32
        %parallel_loop3A_557 = arith.index_cast %parallel_loop3A_556 : i32 to index
        %parallel_loop3A_558 = tpu.vector_load %arg11[%parallel_loop3A_557] {strides = array<i32>} : memref<4096xf32, #tpu.memory_space<vmem>>, vector<16xf32>,
        tpu.vector_store %arg11[%parallel_loop3A_557], %parallel_loop3A_550 {strides = array<i32>} : memref<4096xf32, #tpu.memory_space<vmem>>, vector<16xf32>,
        %parallel_loop3A_559 = arith.constant 96 : i32
        %parallel_loop3A_560 = arith.addi %parallel_loop3A_357, %parallel_loop3A_559 : i32
        %parallel_loop3A_561 = arith.index_cast %parallel_loop3A_560 : i32 to index
        %parallel_loop3A_562 = tpu.vector_load %arg15[%parallel_loop3A_561] {strides = array<i32>} : memref<4096xf32, #tpu.memory_space<vmem>>, vector<16xf32>,
        tpu.vector_store %arg15[%parallel_loop3A_561], %parallel_loop3A_554 {strides = array<i32>} : memref<4096xf32, #tpu.memory_space<vmem>>, vector<16xf32>,
        %parallel_loop3A_563 = arith.constant 129 : i32
        %parallel_loop3A_564 = vector.broadcast %parallel_loop3A_563 : i32 to vector<16xi32>
        %parallel_loop3A_565 = arith.addi %parallel_loop3A_546, %parallel_loop3A_564 : vector<16xi32>
        %parallel_loop3A_566 = tpu.vector_load_idx %arg7[%parallel_loop3A_565] : memref<8192xf32, #tpu.memory_space<vmem>>[vector<16xi32>], vector<16xf32>,
        %parallel_loop3A_567 = tpu.vector_load_idx %arg7[%parallel_loop3A_549] : memref<8192xf32, #tpu.memory_space<vmem>>[vector<16xi32>], vector<16xf32>,
        %parallel_loop3A_568 = arith.constant 96 : i32
        %parallel_loop3A_569 = arith.addi %parallel_loop3A_359, %parallel_loop3A_568 : i32
        %parallel_loop3A_570 = arith.index_cast %parallel_loop3A_569 : i32 to index
        %parallel_loop3A_571 = tpu.vector_load %arg11[%parallel_loop3A_570] {strides = array<i32>} : memref<4096xf32, #tpu.memory_space<vmem>>, vector<16xf32>,
        tpu.vector_store %arg11[%parallel_loop3A_570], %parallel_loop3A_566 {strides = array<i32>} : memref<4096xf32, #tpu.memory_space<vmem>>, vector<16xf32>,
        %parallel_loop3A_572 = arith.constant 96 : i32
        %parallel_loop3A_573 = arith.addi %parallel_loop3A_359, %parallel_loop3A_572 : i32
        %parallel_loop3A_574 = arith.index_cast %parallel_loop3A_573 : i32 to index
        %parallel_loop3A_575 = tpu.vector_load %arg15[%parallel_loop3A_574] {strides = array<i32>} : memref<4096xf32, #tpu.memory_space<vmem>>, vector<16xf32>,
        tpu.vector_store %arg15[%parallel_loop3A_574], %parallel_loop3A_567 {strides = array<i32>} : memref<4096xf32, #tpu.memory_space<vmem>>, vector<16xf32>,
        %parallel_loop3A_576 = vector.broadcast %parallel_loop3A_353 : i32 to vector<16xi32>
        %parallel_loop3A_577 = arith.addi %add3A_84, %parallel_loop3A_576 : vector<16xi32>
        %parallel_loop3A_578 = vector.broadcast %parallel_loop3A_355 : i32 to vector<16xi32>
        %parallel_loop3A_579 = arith.addi %add3A_112, %parallel_loop3A_578 : vector<16xi32>
        %parallel_loop3A_580 = tpu.vector_load_idx %arg7[%parallel_loop3A_577] : memref<8192xf32, #tpu.memory_space<vmem>>[vector<16xi32>], vector<16xf32>,
        %parallel_loop3A_581 = arith.constant 1 : i32
        %parallel_loop3A_582 = vector.broadcast %parallel_loop3A_581 : i32 to vector<16xi32>
        %parallel_loop3A_583 = arith.addi %parallel_loop3A_577, %parallel_loop3A_582 : vector<16xi32>
        %parallel_loop3A_584 = tpu.vector_load_idx %arg7[%parallel_loop3A_583] : memref<8192xf32, #tpu.memory_space<vmem>>[vector<16xi32>], vector<16xf32>,
        %parallel_loop3A_585 = arith.constant 112 : i32
        %parallel_loop3A_586 = arith.addi %parallel_loop3A_357, %parallel_loop3A_585 : i32
        %parallel_loop3A_587 = arith.index_cast %parallel_loop3A_586 : i32 to index
        %parallel_loop3A_588 = tpu.vector_load %arg11[%parallel_loop3A_587] {strides = array<i32>} : memref<4096xf32, #tpu.memory_space<vmem>>, vector<16xf32>,
        tpu.vector_store %arg11[%parallel_loop3A_587], %parallel_loop3A_580 {strides = array<i32>} : memref<4096xf32, #tpu.memory_space<vmem>>, vector<16xf32>,
        %parallel_loop3A_589 = arith.constant 112 : i32
        %parallel_loop3A_590 = arith.addi %parallel_loop3A_357, %parallel_loop3A_589 : i32
        %parallel_loop3A_591 = arith.index_cast %parallel_loop3A_590 : i32 to index
        %parallel_loop3A_592 = tpu.vector_load %arg15[%parallel_loop3A_591] {strides = array<i32>} : memref<4096xf32, #tpu.memory_space<vmem>>, vector<16xf32>,
        tpu.vector_store %arg15[%parallel_loop3A_591], %parallel_loop3A_584 {strides = array<i32>} : memref<4096xf32, #tpu.memory_space<vmem>>, vector<16xf32>,
        %parallel_loop3A_593 = arith.constant 129 : i32
        %parallel_loop3A_594 = vector.broadcast %parallel_loop3A_593 : i32 to vector<16xi32>
        %parallel_loop3A_595 = arith.addi %parallel_loop3A_577, %parallel_loop3A_594 : vector<16xi32>
        %parallel_loop3A_596 = tpu.vector_load_idx %arg7[%parallel_loop3A_595] : memref<8192xf32, #tpu.memory_space<vmem>>[vector<16xi32>], vector<16xf32>,
        %parallel_loop3A_597 = tpu.vector_load_idx %arg7[%parallel_loop3A_579] : memref<8192xf32, #tpu.memory_space<vmem>>[vector<16xi32>], vector<16xf32>,
        %parallel_loop3A_598 = arith.constant 112 : i32
        %parallel_loop3A_599 = arith.addi %parallel_loop3A_359, %parallel_loop3A_598 : i32
        %parallel_loop3A_600 = arith.index_cast %parallel_loop3A_599 : i32 to index
        %parallel_loop3A_601 = tpu.vector_load %arg11[%parallel_loop3A_600] {strides = array<i32>} : memref<4096xf32, #tpu.memory_space<vmem>>, vector<16xf32>,
        tpu.vector_store %arg11[%parallel_loop3A_600], %parallel_loop3A_596 {strides = array<i32>} : memref<4096xf32, #tpu.memory_space<vmem>>, vector<16xf32>,
        %parallel_loop3A_602 = arith.constant 112 : i32
        %parallel_loop3A_603 = arith.addi %parallel_loop3A_359, %parallel_loop3A_602 : i32
        %parallel_loop3A_604 = arith.index_cast %parallel_loop3A_603 : i32 to index
        %parallel_loop3A_605 = tpu.vector_load %arg15[%parallel_loop3A_604] {strides = array<i32>} : memref<4096xf32, #tpu.memory_space<vmem>>, vector<16xf32>,
        tpu.vector_store %arg15[%parallel_loop3A_604], %parallel_loop3A_597 {strides = array<i32>} : memref<4096xf32, #tpu.memory_space<vmem>>, vector<16xf32>,
      } {sc.loop_unroll_factor = 1 : i64, sc.parallel_access}
      %add3A_283 = arith.constant 4 : i32
      %add3A_284 = arith.addi %add3A_267, %add3A_283 : i32
      %lt3A_285 = arith.constant 256 : i32
      %lt3A_286 = arith.cmpi slt, %add3A_284, %lt3A_285 : i32
      %convert_element_type3A_287 = arith.extui %lt3A_286 : i1 to i32
      %cond3A_288 = arith.constant 0 : i32
      %cond3A_289 = arith.cmpi ne, %convert_element_type3A_287, %cond3A_288 : i32
      scf.if %cond3A_289 {
        %add3A_344 = arith.constant 4 : i32
        %add3A_345 = arith.addi %add3A_267, %add3A_344 : i32
        %mul3A_346 = arith.constant 32 : i32
        %mul3A_347 = arith.muli %add3A_345, %mul3A_346 : i32
        %add3A_348 = arith.addi %mul3A_2, %mul3A_347 : i32
        %mul3A_349 = arith.constant 256 : i32
        %mul3A_350 = arith.muli %add3A_348, %mul3A_349 : i32
        %dma_start3A_351 = tpu.memref_slice %arg2[%mul3A_350] : memref<67108864xf32, #tpu.memory_space<hbm>> -> memref<8192xf32, #tpu.memory_space<hbm>>
        %dma_start3A_352 = tpu.memref_slice %arg2[%mul3A_350] : memref<67108864xf32, #tpu.memory_space<hbm>> -> memref<8192xf32, #tpu.memory_space<hbm>>
        tpu.enqueue_dma source(%dma_start3A_352 : memref<8192xf32, #tpu.memory_space<hbm>>) target(%arg7 : memref<8192xf32, #tpu.memory_space<vmem>>) target_semaphore(%arg19 : memref<!tpu.dma_semaphore, #tpu.memory_space<semaphore_mem>>)
      } else {
      }
      %mul3A_290 = arith.constant 32 : i32
      %mul3A_291 = arith.muli %add3A_267, %mul3A_290 : i32
      %add3A_292 = arith.addi %mul3A_2, %mul3A_291 : i32
      %mul3A_293 = arith.constant 128 : i32
      %mul3A_294 = arith.muli %add3A_292, %mul3A_293 : i32
      %dma_start3A_295 = tpu.memref_slice %arg3[%mul3A_294] : memref<33554432xf32, #tpu.memory_space<hbm>> -> memref<4096xf32, #tpu.memory_space<hbm>>
      %dma_start3A_296 = tpu.memref_slice %arg3[%mul3A_294] : memref<33554432xf32, #tpu.memory_space<hbm>> -> memref<4096xf32, #tpu.memory_space<hbm>>
      tpu.enqueue_dma source(%arg11 : memref<4096xf32, #tpu.memory_space<vmem>>) target(%dma_start3A_296 : memref<4096xf32, #tpu.memory_space<hbm>>) target_semaphore(%arg23 : memref<!tpu.dma_semaphore, #tpu.memory_space<semaphore_mem>>)
      %mul3A_297 = arith.constant 32 : i32
      %mul3A_298 = arith.muli %add3A_267, %mul3A_297 : i32
      %add3A_299 = arith.addi %mul3A_2, %mul3A_298 : i32
      %mul3A_300 = arith.constant 128 : i32
      %mul3A_301 = arith.muli %add3A_299, %mul3A_300 : i32
      %dma_start3A_302 = tpu.memref_slice %arg4[%mul3A_301] : memref<33554432xf32, #tpu.memory_space<hbm>> -> memref<4096xf32, #tpu.memory_space<hbm>>
      %dma_start3A_303 = tpu.memref_slice %arg4[%mul3A_301] : memref<33554432xf32, #tpu.memory_space<hbm>> -> memref<4096xf32, #tpu.memory_space<hbm>>
      tpu.enqueue_dma source(%arg15 : memref<4096xf32, #tpu.memory_space<vmem>>) target(%dma_start3A_303 : memref<4096xf32, #tpu.memory_space<hbm>>) target_semaphore(%arg27 : memref<!tpu.dma_semaphore, #tpu.memory_space<semaphore_mem>>)
      %mul3A_304 = arith.constant 4 : i32
      %mul3A_305 = arith.muli %scan3A_188, %mul3A_304 : i32
      %add3A_306 = arith.constant 3 : i32
      %add3A_307 = arith.addi %mul3A_305, %add3A_306 : i32
      %mul3A_308 = arith.constant 32 : i32
      %mul3A_309 = arith.muli %add3A_307, %mul3A_308 : i32
      %add3A_310 = arith.addi %mul3A_2, %mul3A_309 : i32
      %mul3A_311 = arith.constant 256 : i32
      %mul3A_312 = arith.muli %add3A_310, %mul3A_311 : i32
      %dma_wait3A_313 = tpu.memref_slice %arg2[%mul3A_312] : memref<67108864xf32, #tpu.memory_space<hbm>> -> memref<8192xf32, #tpu.memory_space<hbm>>
      %dma_wait3A_314 = tpu.memref_slice %arg2[%mul3A_312] : memref<67108864xf32, #tpu.memory_space<hbm>> -> memref<8192xf32, #tpu.memory_space<hbm>>
      tpu.wait_dma2 semaphore(%arg20 : memref<!tpu.dma_semaphore, #tpu.memory_space<semaphore_mem>>) src(%dma_wait3A_314 : memref<8192xf32, #tpu.memory_space<hbm>>) dst(%arg8 : memref<8192xf32, #tpu.memory_space<vmem>>)
      %ge3A_315 = arith.constant 4 : i32
      %ge3A_316 = arith.cmpi sge, %add3A_307, %ge3A_315 : i32
      %convert_element_type3A_317 = arith.extui %ge3A_316 : i1 to i32
      %cond3A_318 = arith.constant 0 : i32
      %cond3A_319 = arith.cmpi ne, %convert_element_type3A_317, %cond3A_318 : i32
      scf.if %cond3A_319 {
        %mul3A_344 = arith.constant 32 : i32
        %mul3A_345 = arith.muli %add3A_307, %mul3A_344 : i32
        %add3A_346 = arith.addi %mul3A_2, %mul3A_345 : i32
        %mul3A_347 = arith.constant 128 : i32
        %mul3A_348 = arith.muli %add3A_346, %mul3A_347 : i32
        %dma_wait3A_349 = tpu.memref_slice %arg3[%mul3A_348] : memref<33554432xf32, #tpu.memory_space<hbm>> -> memref<4096xf32, #tpu.memory_space<hbm>>
        %dma_wait3A_350 = tpu.memref_slice %arg3[%mul3A_348] : memref<33554432xf32, #tpu.memory_space<hbm>> -> memref<4096xf32, #tpu.memory_space<hbm>>
        tpu.wait_dma2 semaphore(%arg24 : memref<!tpu.dma_semaphore, #tpu.memory_space<semaphore_mem>>) src(%arg12 : memref<4096xf32, #tpu.memory_space<vmem>>) dst(%dma_wait3A_350 : memref<4096xf32, #tpu.memory_space<hbm>>)
        %mul3A_351 = arith.constant 32 : i32
        %mul3A_352 = arith.muli %add3A_307, %mul3A_351 : i32
        %add3A_353 = arith.addi %mul3A_2, %mul3A_352 : i32
        %mul3A_354 = arith.constant 128 : i32
        %mul3A_355 = arith.muli %add3A_353, %mul3A_354 : i32
        %dma_wait3A_356 = tpu.memref_slice %arg4[%mul3A_355] : memref<33554432xf32, #tpu.memory_space<hbm>> -> memref<4096xf32, #tpu.memory_space<hbm>>
        %dma_wait3A_357 = tpu.memref_slice %arg4[%mul3A_355] : memref<33554432xf32, #tpu.memory_space<hbm>> -> memref<4096xf32, #tpu.memory_space<hbm>>
        tpu.wait_dma2 semaphore(%arg28 : memref<!tpu.dma_semaphore, #tpu.memory_space<semaphore_mem>>) src(%arg16 : memref<4096xf32, #tpu.memory_space<vmem>>) dst(%dma_wait3A_357 : memref<4096xf32, #tpu.memory_space<hbm>>)
      } else {
      }
      %parallel_loop3A_320 = arith.constant 0 : i32
      %parallel_loop3A_321 = arith.constant 16 : i32
      %parallel_loop3A_322 = arith.constant 1 : i32
      scf.for %parallel_loop3A_344 = %parallel_loop3A_320 to %parallel_loop3A_321 step %parallel_loop3A_322  : i32 {
        %parallel_loop3A_345 = arith.constant 2 : i32
        %parallel_loop3A_346 = arith.shrsi %parallel_loop3A_344, %parallel_loop3A_345 : i32
        %parallel_loop3A_347 = arith.constant 2048 : i32
        %parallel_loop3A_348 = arith.muli %parallel_loop3A_346, %parallel_loop3A_347 : i32
        %parallel_loop3A_349 = arith.constant 3 : i32
        %parallel_loop3A_350 = arith.andi %parallel_loop3A_344, %parallel_loop3A_349 : i32
        %parallel_loop3A_351 = arith.constant 256 : i32
        %parallel_loop3A_352 = arith.muli %parallel_loop3A_350, %parallel_loop3A_351 : i32
        %parallel_loop3A_353 = arith.addi %parallel_loop3A_348, %parallel_loop3A_352 : i32
        %parallel_loop3A_354 = arith.constant 128 : i32
        %parallel_loop3A_355 = arith.addi %parallel_loop3A_353, %parallel_loop3A_354 : i32
        %parallel_loop3A_356 = arith.constant 256 : i32
        %parallel_loop3A_357 = arith.muli %parallel_loop3A_344, %parallel_loop3A_356 : i32
        %parallel_loop3A_358 = arith.constant 128 : i32
        %parallel_loop3A_359 = arith.addi %parallel_loop3A_357, %parallel_loop3A_358 : i32
        %parallel_loop3A_360 = vector.broadcast %parallel_loop3A_353 : i32 to vector<16xi32>
        %parallel_loop3A_361 = arith.addi %add3A_14, %parallel_loop3A_360 : vector<16xi32>
        %parallel_loop3A_362 = arith.constant 130 : i32
        %parallel_loop3A_363 = vector.broadcast %parallel_loop3A_362 : i32 to vector<16xi32>
        %parallel_loop3A_364 = arith.addi %parallel_loop3A_361, %parallel_loop3A_363 : vector<16xi32>
        %parallel_loop3A_365 = tpu.vector_load_idx %arg8[%parallel_loop3A_361] : memref<8192xf32, #tpu.memory_space<vmem>>[vector<16xi32>], vector<16xf32>,
        %parallel_loop3A_366 = arith.constant 1 : i32
        %parallel_loop3A_367 = vector.broadcast %parallel_loop3A_366 : i32 to vector<16xi32>
        %parallel_loop3A_368 = arith.addi %parallel_loop3A_361, %parallel_loop3A_367 : vector<16xi32>
        %parallel_loop3A_369 = tpu.vector_load_idx %arg8[%parallel_loop3A_368] : memref<8192xf32, #tpu.memory_space<vmem>>[vector<16xi32>], vector<16xf32>,
        %parallel_loop3A_370 = arith.constant 0 : i32
        %parallel_loop3A_371 = arith.addi %parallel_loop3A_357, %parallel_loop3A_370 : i32
        %parallel_loop3A_372 = arith.index_cast %parallel_loop3A_371 : i32 to index
        %parallel_loop3A_373 = tpu.vector_load %arg12[%parallel_loop3A_372] {strides = array<i32>} : memref<4096xf32, #tpu.memory_space<vmem>>, vector<16xf32>,
        tpu.vector_store %arg12[%parallel_loop3A_372], %parallel_loop3A_365 {strides = array<i32>} : memref<4096xf32, #tpu.memory_space<vmem>>, vector<16xf32>,
        %parallel_loop3A_374 = arith.constant 0 : i32
        %parallel_loop3A_375 = arith.addi %parallel_loop3A_357, %parallel_loop3A_374 : i32
        %parallel_loop3A_376 = arith.index_cast %parallel_loop3A_375 : i32 to index
        %parallel_loop3A_377 = tpu.vector_load %arg16[%parallel_loop3A_376] {strides = array<i32>} : memref<4096xf32, #tpu.memory_space<vmem>>, vector<16xf32>,
        tpu.vector_store %arg16[%parallel_loop3A_376], %parallel_loop3A_369 {strides = array<i32>} : memref<4096xf32, #tpu.memory_space<vmem>>, vector<16xf32>,
        %parallel_loop3A_378 = arith.constant 129 : i32
        %parallel_loop3A_379 = vector.broadcast %parallel_loop3A_378 : i32 to vector<16xi32>
        %parallel_loop3A_380 = arith.addi %parallel_loop3A_361, %parallel_loop3A_379 : vector<16xi32>
        %parallel_loop3A_381 = tpu.vector_load_idx %arg8[%parallel_loop3A_380] : memref<8192xf32, #tpu.memory_space<vmem>>[vector<16xi32>], vector<16xf32>,
        %parallel_loop3A_382 = tpu.vector_load_idx %arg8[%parallel_loop3A_364] : memref<8192xf32, #tpu.memory_space<vmem>>[vector<16xi32>], vector<16xf32>,
        %parallel_loop3A_383 = arith.constant 0 : i32
        %parallel_loop3A_384 = arith.addi %parallel_loop3A_359, %parallel_loop3A_383 : i32
        %parallel_loop3A_385 = arith.index_cast %parallel_loop3A_384 : i32 to index
        %parallel_loop3A_386 = tpu.vector_load %arg12[%parallel_loop3A_385] {strides = array<i32>} : memref<4096xf32, #tpu.memory_space<vmem>>, vector<16xf32>,
        tpu.vector_store %arg12[%parallel_loop3A_385], %parallel_loop3A_381 {strides = array<i32>} : memref<4096xf32, #tpu.memory_space<vmem>>, vector<16xf32>,
        %parallel_loop3A_387 = arith.constant 0 : i32
        %parallel_loop3A_388 = arith.addi %parallel_loop3A_359, %parallel_loop3A_387 : i32
        %parallel_loop3A_389 = arith.index_cast %parallel_loop3A_388 : i32 to index
        %parallel_loop3A_390 = tpu.vector_load %arg16[%parallel_loop3A_389] {strides = array<i32>} : memref<4096xf32, #tpu.memory_space<vmem>>, vector<16xf32>,
        tpu.vector_store %arg16[%parallel_loop3A_389], %parallel_loop3A_382 {strides = array<i32>} : memref<4096xf32, #tpu.memory_space<vmem>>, vector<16xf32>,
        %parallel_loop3A_391 = vector.broadcast %parallel_loop3A_353 : i32 to vector<16xi32>
        %parallel_loop3A_392 = arith.addi %add3A_24, %parallel_loop3A_391 : vector<16xi32>
        %parallel_loop3A_393 = arith.constant 130 : i32
        %parallel_loop3A_394 = vector.broadcast %parallel_loop3A_393 : i32 to vector<16xi32>
        %parallel_loop3A_395 = arith.addi %parallel_loop3A_392, %parallel_loop3A_394 : vector<16xi32>
        %parallel_loop3A_396 = tpu.vector_load_idx %arg8[%parallel_loop3A_392] : memref<8192xf32, #tpu.memory_space<vmem>>[vector<16xi32>], vector<16xf32>,
        %parallel_loop3A_397 = arith.constant 1 : i32
        %parallel_loop3A_398 = vector.broadcast %parallel_loop3A_397 : i32 to vector<16xi32>
        %parallel_loop3A_399 = arith.addi %parallel_loop3A_392, %parallel_loop3A_398 : vector<16xi32>
        %parallel_loop3A_400 = tpu.vector_load_idx %arg8[%parallel_loop3A_399] : memref<8192xf32, #tpu.memory_space<vmem>>[vector<16xi32>], vector<16xf32>,
        %parallel_loop3A_401 = arith.constant 16 : i32
        %parallel_loop3A_402 = arith.addi %parallel_loop3A_357, %parallel_loop3A_401 : i32
        %parallel_loop3A_403 = arith.index_cast %parallel_loop3A_402 : i32 to index
        %parallel_loop3A_404 = tpu.vector_load %arg12[%parallel_loop3A_403] {strides = array<i32>} : memref<4096xf32, #tpu.memory_space<vmem>>, vector<16xf32>,
        tpu.vector_store %arg12[%parallel_loop3A_403], %parallel_loop3A_396 {strides = array<i32>} : memref<4096xf32, #tpu.memory_space<vmem>>, vector<16xf32>,
        %parallel_loop3A_405 = arith.constant 16 : i32
        %parallel_loop3A_406 = arith.addi %parallel_loop3A_357, %parallel_loop3A_405 : i32
        %parallel_loop3A_407 = arith.index_cast %parallel_loop3A_406 : i32 to index
        %parallel_loop3A_408 = tpu.vector_load %arg16[%parallel_loop3A_407] {strides = array<i32>} : memref<4096xf32, #tpu.memory_space<vmem>>, vector<16xf32>,
        tpu.vector_store %arg16[%parallel_loop3A_407], %parallel_loop3A_400 {strides = array<i32>} : memref<4096xf32, #tpu.memory_space<vmem>>, vector<16xf32>,
        %parallel_loop3A_409 = arith.constant 129 : i32
        %parallel_loop3A_410 = vector.broadcast %parallel_loop3A_409 : i32 to vector<16xi32>
        %parallel_loop3A_411 = arith.addi %parallel_loop3A_392, %parallel_loop3A_410 : vector<16xi32>
        %parallel_loop3A_412 = tpu.vector_load_idx %arg8[%parallel_loop3A_411] : memref<8192xf32, #tpu.memory_space<vmem>>[vector<16xi32>], vector<16xf32>,
        %parallel_loop3A_413 = tpu.vector_load_idx %arg8[%parallel_loop3A_395] : memref<8192xf32, #tpu.memory_space<vmem>>[vector<16xi32>], vector<16xf32>,
        %parallel_loop3A_414 = arith.constant 16 : i32
        %parallel_loop3A_415 = arith.addi %parallel_loop3A_359, %parallel_loop3A_414 : i32
        %parallel_loop3A_416 = arith.index_cast %parallel_loop3A_415 : i32 to index
        %parallel_loop3A_417 = tpu.vector_load %arg12[%parallel_loop3A_416] {strides = array<i32>} : memref<4096xf32, #tpu.memory_space<vmem>>, vector<16xf32>,
        tpu.vector_store %arg12[%parallel_loop3A_416], %parallel_loop3A_412 {strides = array<i32>} : memref<4096xf32, #tpu.memory_space<vmem>>, vector<16xf32>,
        %parallel_loop3A_418 = arith.constant 16 : i32
        %parallel_loop3A_419 = arith.addi %parallel_loop3A_359, %parallel_loop3A_418 : i32
        %parallel_loop3A_420 = arith.index_cast %parallel_loop3A_419 : i32 to index
        %parallel_loop3A_421 = tpu.vector_load %arg16[%parallel_loop3A_420] {strides = array<i32>} : memref<4096xf32, #tpu.memory_space<vmem>>, vector<16xf32>,
        tpu.vector_store %arg16[%parallel_loop3A_420], %parallel_loop3A_413 {strides = array<i32>} : memref<4096xf32, #tpu.memory_space<vmem>>, vector<16xf32>,
        %parallel_loop3A_422 = vector.broadcast %parallel_loop3A_353 : i32 to vector<16xi32>
        %parallel_loop3A_423 = arith.addi %add3A_34, %parallel_loop3A_422 : vector<16xi32>
        %parallel_loop3A_424 = arith.constant 130 : i32
        %parallel_loop3A_425 = vector.broadcast %parallel_loop3A_424 : i32 to vector<16xi32>
        %parallel_loop3A_426 = arith.addi %parallel_loop3A_423, %parallel_loop3A_425 : vector<16xi32>
        %parallel_loop3A_427 = tpu.vector_load_idx %arg8[%parallel_loop3A_423] : memref<8192xf32, #tpu.memory_space<vmem>>[vector<16xi32>], vector<16xf32>,
        %parallel_loop3A_428 = arith.constant 1 : i32
        %parallel_loop3A_429 = vector.broadcast %parallel_loop3A_428 : i32 to vector<16xi32>
        %parallel_loop3A_430 = arith.addi %parallel_loop3A_423, %parallel_loop3A_429 : vector<16xi32>
        %parallel_loop3A_431 = tpu.vector_load_idx %arg8[%parallel_loop3A_430] : memref<8192xf32, #tpu.memory_space<vmem>>[vector<16xi32>], vector<16xf32>,
        %parallel_loop3A_432 = arith.constant 32 : i32
        %parallel_loop3A_433 = arith.addi %parallel_loop3A_357, %parallel_loop3A_432 : i32
        %parallel_loop3A_434 = arith.index_cast %parallel_loop3A_433 : i32 to index
        %parallel_loop3A_435 = tpu.vector_load %arg12[%parallel_loop3A_434] {strides = array<i32>} : memref<4096xf32, #tpu.memory_space<vmem>>, vector<16xf32>,
        tpu.vector_store %arg12[%parallel_loop3A_434], %parallel_loop3A_427 {strides = array<i32>} : memref<4096xf32, #tpu.memory_space<vmem>>, vector<16xf32>,
        %parallel_loop3A_436 = arith.constant 32 : i32
        %parallel_loop3A_437 = arith.addi %parallel_loop3A_357, %parallel_loop3A_436 : i32
        %parallel_loop3A_438 = arith.index_cast %parallel_loop3A_437 : i32 to index
        %parallel_loop3A_439 = tpu.vector_load %arg16[%parallel_loop3A_438] {strides = array<i32>} : memref<4096xf32, #tpu.memory_space<vmem>>, vector<16xf32>,
        tpu.vector_store %arg16[%parallel_loop3A_438], %parallel_loop3A_431 {strides = array<i32>} : memref<4096xf32, #tpu.memory_space<vmem>>, vector<16xf32>,
        %parallel_loop3A_440 = arith.constant 129 : i32
        %parallel_loop3A_441 = vector.broadcast %parallel_loop3A_440 : i32 to vector<16xi32>
        %parallel_loop3A_442 = arith.addi %parallel_loop3A_423, %parallel_loop3A_441 : vector<16xi32>
        %parallel_loop3A_443 = tpu.vector_load_idx %arg8[%parallel_loop3A_442] : memref<8192xf32, #tpu.memory_space<vmem>>[vector<16xi32>], vector<16xf32>,
        %parallel_loop3A_444 = tpu.vector_load_idx %arg8[%parallel_loop3A_426] : memref<8192xf32, #tpu.memory_space<vmem>>[vector<16xi32>], vector<16xf32>,
        %parallel_loop3A_445 = arith.constant 32 : i32
        %parallel_loop3A_446 = arith.addi %parallel_loop3A_359, %parallel_loop3A_445 : i32
        %parallel_loop3A_447 = arith.index_cast %parallel_loop3A_446 : i32 to index
        %parallel_loop3A_448 = tpu.vector_load %arg12[%parallel_loop3A_447] {strides = array<i32>} : memref<4096xf32, #tpu.memory_space<vmem>>, vector<16xf32>,
        tpu.vector_store %arg12[%parallel_loop3A_447], %parallel_loop3A_443 {strides = array<i32>} : memref<4096xf32, #tpu.memory_space<vmem>>, vector<16xf32>,
        %parallel_loop3A_449 = arith.constant 32 : i32
        %parallel_loop3A_450 = arith.addi %parallel_loop3A_359, %parallel_loop3A_449 : i32
        %parallel_loop3A_451 = arith.index_cast %parallel_loop3A_450 : i32 to index
        %parallel_loop3A_452 = tpu.vector_load %arg16[%parallel_loop3A_451] {strides = array<i32>} : memref<4096xf32, #tpu.memory_space<vmem>>, vector<16xf32>,
        tpu.vector_store %arg16[%parallel_loop3A_451], %parallel_loop3A_444 {strides = array<i32>} : memref<4096xf32, #tpu.memory_space<vmem>>, vector<16xf32>,
        %parallel_loop3A_453 = vector.broadcast %parallel_loop3A_353 : i32 to vector<16xi32>
        %parallel_loop3A_454 = arith.addi %add3A_44, %parallel_loop3A_453 : vector<16xi32>
        %parallel_loop3A_455 = vector.broadcast %parallel_loop3A_355 : i32 to vector<16xi32>
        %parallel_loop3A_456 = arith.addi %add3A_97, %parallel_loop3A_455 : vector<16xi32>
        %parallel_loop3A_457 = tpu.vector_load_idx %arg8[%parallel_loop3A_454] : memref<8192xf32, #tpu.memory_space<vmem>>[vector<16xi32>], vector<16xf32>,
        %parallel_loop3A_458 = arith.constant 1 : i32
        %parallel_loop3A_459 = vector.broadcast %parallel_loop3A_458 : i32 to vector<16xi32>
        %parallel_loop3A_460 = arith.addi %parallel_loop3A_454, %parallel_loop3A_459 : vector<16xi32>
        %parallel_loop3A_461 = tpu.vector_load_idx %arg8[%parallel_loop3A_460] : memref<8192xf32, #tpu.memory_space<vmem>>[vector<16xi32>], vector<16xf32>,
        %parallel_loop3A_462 = arith.constant 48 : i32
        %parallel_loop3A_463 = arith.addi %parallel_loop3A_357, %parallel_loop3A_462 : i32
        %parallel_loop3A_464 = arith.index_cast %parallel_loop3A_463 : i32 to index
        %parallel_loop3A_465 = tpu.vector_load %arg12[%parallel_loop3A_464] {strides = array<i32>} : memref<4096xf32, #tpu.memory_space<vmem>>, vector<16xf32>,
        tpu.vector_store %arg12[%parallel_loop3A_464], %parallel_loop3A_457 {strides = array<i32>} : memref<4096xf32, #tpu.memory_space<vmem>>, vector<16xf32>,
        %parallel_loop3A_466 = arith.constant 48 : i32
        %parallel_loop3A_467 = arith.addi %parallel_loop3A_357, %parallel_loop3A_466 : i32
        %parallel_loop3A_468 = arith.index_cast %parallel_loop3A_467 : i32 to index
        %parallel_loop3A_469 = tpu.vector_load %arg16[%parallel_loop3A_468] {strides = array<i32>} : memref<4096xf32, #tpu.memory_space<vmem>>, vector<16xf32>,
        tpu.vector_store %arg16[%parallel_loop3A_468], %parallel_loop3A_461 {strides = array<i32>} : memref<4096xf32, #tpu.memory_space<vmem>>, vector<16xf32>,
        %parallel_loop3A_470 = arith.constant 129 : i32
        %parallel_loop3A_471 = vector.broadcast %parallel_loop3A_470 : i32 to vector<16xi32>
        %parallel_loop3A_472 = arith.addi %parallel_loop3A_454, %parallel_loop3A_471 : vector<16xi32>
        %parallel_loop3A_473 = tpu.vector_load_idx %arg8[%parallel_loop3A_472] : memref<8192xf32, #tpu.memory_space<vmem>>[vector<16xi32>], vector<16xf32>,
        %parallel_loop3A_474 = tpu.vector_load_idx %arg8[%parallel_loop3A_456] : memref<8192xf32, #tpu.memory_space<vmem>>[vector<16xi32>], vector<16xf32>,
        %parallel_loop3A_475 = arith.constant 48 : i32
        %parallel_loop3A_476 = arith.addi %parallel_loop3A_359, %parallel_loop3A_475 : i32
        %parallel_loop3A_477 = arith.index_cast %parallel_loop3A_476 : i32 to index
        %parallel_loop3A_478 = tpu.vector_load %arg12[%parallel_loop3A_477] {strides = array<i32>} : memref<4096xf32, #tpu.memory_space<vmem>>, vector<16xf32>,
        tpu.vector_store %arg12[%parallel_loop3A_477], %parallel_loop3A_473 {strides = array<i32>} : memref<4096xf32, #tpu.memory_space<vmem>>, vector<16xf32>,
        %parallel_loop3A_479 = arith.constant 48 : i32
        %parallel_loop3A_480 = arith.addi %parallel_loop3A_359, %parallel_loop3A_479 : i32
        %parallel_loop3A_481 = arith.index_cast %parallel_loop3A_480 : i32 to index
        %parallel_loop3A_482 = tpu.vector_load %arg16[%parallel_loop3A_481] {strides = array<i32>} : memref<4096xf32, #tpu.memory_space<vmem>>, vector<16xf32>,
        tpu.vector_store %arg16[%parallel_loop3A_481], %parallel_loop3A_474 {strides = array<i32>} : memref<4096xf32, #tpu.memory_space<vmem>>, vector<16xf32>,
        %parallel_loop3A_483 = vector.broadcast %parallel_loop3A_353 : i32 to vector<16xi32>
        %parallel_loop3A_484 = arith.addi %add3A_54, %parallel_loop3A_483 : vector<16xi32>
        %parallel_loop3A_485 = arith.constant 130 : i32
        %parallel_loop3A_486 = vector.broadcast %parallel_loop3A_485 : i32 to vector<16xi32>
        %parallel_loop3A_487 = arith.addi %parallel_loop3A_484, %parallel_loop3A_486 : vector<16xi32>
        %parallel_loop3A_488 = tpu.vector_load_idx %arg8[%parallel_loop3A_484] : memref<8192xf32, #tpu.memory_space<vmem>>[vector<16xi32>], vector<16xf32>,
        %parallel_loop3A_489 = arith.constant 1 : i32
        %parallel_loop3A_490 = vector.broadcast %parallel_loop3A_489 : i32 to vector<16xi32>
        %parallel_loop3A_491 = arith.addi %parallel_loop3A_484, %parallel_loop3A_490 : vector<16xi32>
        %parallel_loop3A_492 = tpu.vector_load_idx %arg8[%parallel_loop3A_491] : memref<8192xf32, #tpu.memory_space<vmem>>[vector<16xi32>], vector<16xf32>,
        %parallel_loop3A_493 = arith.constant 64 : i32
        %parallel_loop3A_494 = arith.addi %parallel_loop3A_357, %parallel_loop3A_493 : i32
        %parallel_loop3A_495 = arith.index_cast %parallel_loop3A_494 : i32 to index
        %parallel_loop3A_496 = tpu.vector_load %arg12[%parallel_loop3A_495] {strides = array<i32>} : memref<4096xf32, #tpu.memory_space<vmem>>, vector<16xf32>,
        tpu.vector_store %arg12[%parallel_loop3A_495], %parallel_loop3A_488 {strides = array<i32>} : memref<4096xf32, #tpu.memory_space<vmem>>, vector<16xf32>,
        %parallel_loop3A_497 = arith.constant 64 : i32
        %parallel_loop3A_498 = arith.addi %parallel_loop3A_357, %parallel_loop3A_497 : i32
        %parallel_loop3A_499 = arith.index_cast %parallel_loop3A_498 : i32 to index
        %parallel_loop3A_500 = tpu.vector_load %arg16[%parallel_loop3A_499] {strides = array<i32>} : memref<4096xf32, #tpu.memory_space<vmem>>, vector<16xf32>,
        tpu.vector_store %arg16[%parallel_loop3A_499], %parallel_loop3A_492 {strides = array<i32>} : memref<4096xf32, #tpu.memory_space<vmem>>, vector<16xf32>,
        %parallel_loop3A_501 = arith.constant 129 : i32
        %parallel_loop3A_502 = vector.broadcast %parallel_loop3A_501 : i32 to vector<16xi32>
        %parallel_loop3A_503 = arith.addi %parallel_loop3A_484, %parallel_loop3A_502 : vector<16xi32>
        %parallel_loop3A_504 = tpu.vector_load_idx %arg8[%parallel_loop3A_503] : memref<8192xf32, #tpu.memory_space<vmem>>[vector<16xi32>], vector<16xf32>,
        %parallel_loop3A_505 = tpu.vector_load_idx %arg8[%parallel_loop3A_487] : memref<8192xf32, #tpu.memory_space<vmem>>[vector<16xi32>], vector<16xf32>,
        %parallel_loop3A_506 = arith.constant 64 : i32
        %parallel_loop3A_507 = arith.addi %parallel_loop3A_359, %parallel_loop3A_506 : i32
        %parallel_loop3A_508 = arith.index_cast %parallel_loop3A_507 : i32 to index
        %parallel_loop3A_509 = tpu.vector_load %arg12[%parallel_loop3A_508] {strides = array<i32>} : memref<4096xf32, #tpu.memory_space<vmem>>, vector<16xf32>,
        tpu.vector_store %arg12[%parallel_loop3A_508], %parallel_loop3A_504 {strides = array<i32>} : memref<4096xf32, #tpu.memory_space<vmem>>, vector<16xf32>,
        %parallel_loop3A_510 = arith.constant 64 : i32
        %parallel_loop3A_511 = arith.addi %parallel_loop3A_359, %parallel_loop3A_510 : i32
        %parallel_loop3A_512 = arith.index_cast %parallel_loop3A_511 : i32 to index
        %parallel_loop3A_513 = tpu.vector_load %arg16[%parallel_loop3A_512] {strides = array<i32>} : memref<4096xf32, #tpu.memory_space<vmem>>, vector<16xf32>,
        tpu.vector_store %arg16[%parallel_loop3A_512], %parallel_loop3A_505 {strides = array<i32>} : memref<4096xf32, #tpu.memory_space<vmem>>, vector<16xf32>,
        %parallel_loop3A_514 = vector.broadcast %parallel_loop3A_353 : i32 to vector<16xi32>
        %parallel_loop3A_515 = arith.addi %add3A_64, %parallel_loop3A_514 : vector<16xi32>
        %parallel_loop3A_516 = arith.constant 130 : i32
        %parallel_loop3A_517 = vector.broadcast %parallel_loop3A_516 : i32 to vector<16xi32>
        %parallel_loop3A_518 = arith.addi %parallel_loop3A_515, %parallel_loop3A_517 : vector<16xi32>
        %parallel_loop3A_519 = tpu.vector_load_idx %arg8[%parallel_loop3A_515] : memref<8192xf32, #tpu.memory_space<vmem>>[vector<16xi32>], vector<16xf32>,
        %parallel_loop3A_520 = arith.constant 1 : i32
        %parallel_loop3A_521 = vector.broadcast %parallel_loop3A_520 : i32 to vector<16xi32>
        %parallel_loop3A_522 = arith.addi %parallel_loop3A_515, %parallel_loop3A_521 : vector<16xi32>
        %parallel_loop3A_523 = tpu.vector_load_idx %arg8[%parallel_loop3A_522] : memref<8192xf32, #tpu.memory_space<vmem>>[vector<16xi32>], vector<16xf32>,
        %parallel_loop3A_524 = arith.constant 80 : i32
        %parallel_loop3A_525 = arith.addi %parallel_loop3A_357, %parallel_loop3A_524 : i32
        %parallel_loop3A_526 = arith.index_cast %parallel_loop3A_525 : i32 to index
        %parallel_loop3A_527 = tpu.vector_load %arg12[%parallel_loop3A_526] {strides = array<i32>} : memref<4096xf32, #tpu.memory_space<vmem>>, vector<16xf32>,
        tpu.vector_store %arg12[%parallel_loop3A_526], %parallel_loop3A_519 {strides = array<i32>} : memref<4096xf32, #tpu.memory_space<vmem>>, vector<16xf32>,
        %parallel_loop3A_528 = arith.constant 80 : i32
        %parallel_loop3A_529 = arith.addi %parallel_loop3A_357, %parallel_loop3A_528 : i32
        %parallel_loop3A_530 = arith.index_cast %parallel_loop3A_529 : i32 to index
        %parallel_loop3A_531 = tpu.vector_load %arg16[%parallel_loop3A_530] {strides = array<i32>} : memref<4096xf32, #tpu.memory_space<vmem>>, vector<16xf32>,
        tpu.vector_store %arg16[%parallel_loop3A_530], %parallel_loop3A_523 {strides = array<i32>} : memref<4096xf32, #tpu.memory_space<vmem>>, vector<16xf32>,
        %parallel_loop3A_532 = arith.constant 129 : i32
        %parallel_loop3A_533 = vector.broadcast %parallel_loop3A_532 : i32 to vector<16xi32>
        %parallel_loop3A_534 = arith.addi %parallel_loop3A_515, %parallel_loop3A_533 : vector<16xi32>
        %parallel_loop3A_535 = tpu.vector_load_idx %arg8[%parallel_loop3A_534] : memref<8192xf32, #tpu.memory_space<vmem>>[vector<16xi32>], vector<16xf32>,
        %parallel_loop3A_536 = tpu.vector_load_idx %arg8[%parallel_loop3A_518] : memref<8192xf32, #tpu.memory_space<vmem>>[vector<16xi32>], vector<16xf32>,
        %parallel_loop3A_537 = arith.constant 80 : i32
        %parallel_loop3A_538 = arith.addi %parallel_loop3A_359, %parallel_loop3A_537 : i32
        %parallel_loop3A_539 = arith.index_cast %parallel_loop3A_538 : i32 to index
        %parallel_loop3A_540 = tpu.vector_load %arg12[%parallel_loop3A_539] {strides = array<i32>} : memref<4096xf32, #tpu.memory_space<vmem>>, vector<16xf32>,
        tpu.vector_store %arg12[%parallel_loop3A_539], %parallel_loop3A_535 {strides = array<i32>} : memref<4096xf32, #tpu.memory_space<vmem>>, vector<16xf32>,
        %parallel_loop3A_541 = arith.constant 80 : i32
        %parallel_loop3A_542 = arith.addi %parallel_loop3A_359, %parallel_loop3A_541 : i32
        %parallel_loop3A_543 = arith.index_cast %parallel_loop3A_542 : i32 to index
        %parallel_loop3A_544 = tpu.vector_load %arg16[%parallel_loop3A_543] {strides = array<i32>} : memref<4096xf32, #tpu.memory_space<vmem>>, vector<16xf32>,
        tpu.vector_store %arg16[%parallel_loop3A_543], %parallel_loop3A_536 {strides = array<i32>} : memref<4096xf32, #tpu.memory_space<vmem>>, vector<16xf32>,
        %parallel_loop3A_545 = vector.broadcast %parallel_loop3A_353 : i32 to vector<16xi32>
        %parallel_loop3A_546 = arith.addi %add3A_74, %parallel_loop3A_545 : vector<16xi32>
        %parallel_loop3A_547 = arith.constant 130 : i32
        %parallel_loop3A_548 = vector.broadcast %parallel_loop3A_547 : i32 to vector<16xi32>
        %parallel_loop3A_549 = arith.addi %parallel_loop3A_546, %parallel_loop3A_548 : vector<16xi32>
        %parallel_loop3A_550 = tpu.vector_load_idx %arg8[%parallel_loop3A_546] : memref<8192xf32, #tpu.memory_space<vmem>>[vector<16xi32>], vector<16xf32>,
        %parallel_loop3A_551 = arith.constant 1 : i32
        %parallel_loop3A_552 = vector.broadcast %parallel_loop3A_551 : i32 to vector<16xi32>
        %parallel_loop3A_553 = arith.addi %parallel_loop3A_546, %parallel_loop3A_552 : vector<16xi32>
        %parallel_loop3A_554 = tpu.vector_load_idx %arg8[%parallel_loop3A_553] : memref<8192xf32, #tpu.memory_space<vmem>>[vector<16xi32>], vector<16xf32>,
        %parallel_loop3A_555 = arith.constant 96 : i32
        %parallel_loop3A_556 = arith.addi %parallel_loop3A_357, %parallel_loop3A_555 : i32
        %parallel_loop3A_557 = arith.index_cast %parallel_loop3A_556 : i32 to index
        %parallel_loop3A_558 = tpu.vector_load %arg12[%parallel_loop3A_557] {strides = array<i32>} : memref<4096xf32, #tpu.memory_space<vmem>>, vector<16xf32>,
        tpu.vector_store %arg12[%parallel_loop3A_557], %parallel_loop3A_550 {strides = array<i32>} : memref<4096xf32, #tpu.memory_space<vmem>>, vector<16xf32>,
        %parallel_loop3A_559 = arith.constant 96 : i32
        %parallel_loop3A_560 = arith.addi %parallel_loop3A_357, %parallel_loop3A_559 : i32
        %parallel_loop3A_561 = arith.index_cast %parallel_loop3A_560 : i32 to index
        %parallel_loop3A_562 = tpu.vector_load %arg16[%parallel_loop3A_561] {strides = array<i32>} : memref<4096xf32, #tpu.memory_space<vmem>>, vector<16xf32>,
        tpu.vector_store %arg16[%parallel_loop3A_561], %parallel_loop3A_554 {strides = array<i32>} : memref<4096xf32, #tpu.memory_space<vmem>>, vector<16xf32>,
        %parallel_loop3A_563 = arith.constant 129 : i32
        %parallel_loop3A_564 = vector.broadcast %parallel_loop3A_563 : i32 to vector<16xi32>
        %parallel_loop3A_565 = arith.addi %parallel_loop3A_546, %parallel_loop3A_564 : vector<16xi32>
        %parallel_loop3A_566 = tpu.vector_load_idx %arg8[%parallel_loop3A_565] : memref<8192xf32, #tpu.memory_space<vmem>>[vector<16xi32>], vector<16xf32>,
        %parallel_loop3A_567 = tpu.vector_load_idx %arg8[%parallel_loop3A_549] : memref<8192xf32, #tpu.memory_space<vmem>>[vector<16xi32>], vector<16xf32>,
        %parallel_loop3A_568 = arith.constant 96 : i32
        %parallel_loop3A_569 = arith.addi %parallel_loop3A_359, %parallel_loop3A_568 : i32
        %parallel_loop3A_570 = arith.index_cast %parallel_loop3A_569 : i32 to index
        %parallel_loop3A_571 = tpu.vector_load %arg12[%parallel_loop3A_570] {strides = array<i32>} : memref<4096xf32, #tpu.memory_space<vmem>>, vector<16xf32>,
        tpu.vector_store %arg12[%parallel_loop3A_570], %parallel_loop3A_566 {strides = array<i32>} : memref<4096xf32, #tpu.memory_space<vmem>>, vector<16xf32>,
        %parallel_loop3A_572 = arith.constant 96 : i32
        %parallel_loop3A_573 = arith.addi %parallel_loop3A_359, %parallel_loop3A_572 : i32
        %parallel_loop3A_574 = arith.index_cast %parallel_loop3A_573 : i32 to index
        %parallel_loop3A_575 = tpu.vector_load %arg16[%parallel_loop3A_574] {strides = array<i32>} : memref<4096xf32, #tpu.memory_space<vmem>>, vector<16xf32>,
        tpu.vector_store %arg16[%parallel_loop3A_574], %parallel_loop3A_567 {strides = array<i32>} : memref<4096xf32, #tpu.memory_space<vmem>>, vector<16xf32>,
        %parallel_loop3A_576 = vector.broadcast %parallel_loop3A_353 : i32 to vector<16xi32>
        %parallel_loop3A_577 = arith.addi %add3A_84, %parallel_loop3A_576 : vector<16xi32>
        %parallel_loop3A_578 = vector.broadcast %parallel_loop3A_355 : i32 to vector<16xi32>
        %parallel_loop3A_579 = arith.addi %add3A_112, %parallel_loop3A_578 : vector<16xi32>
        %parallel_loop3A_580 = tpu.vector_load_idx %arg8[%parallel_loop3A_577] : memref<8192xf32, #tpu.memory_space<vmem>>[vector<16xi32>], vector<16xf32>,
        %parallel_loop3A_581 = arith.constant 1 : i32
        %parallel_loop3A_582 = vector.broadcast %parallel_loop3A_581 : i32 to vector<16xi32>
        %parallel_loop3A_583 = arith.addi %parallel_loop3A_577, %parallel_loop3A_582 : vector<16xi32>
        %parallel_loop3A_584 = tpu.vector_load_idx %arg8[%parallel_loop3A_583] : memref<8192xf32, #tpu.memory_space<vmem>>[vector<16xi32>], vector<16xf32>,
        %parallel_loop3A_585 = arith.constant 112 : i32
        %parallel_loop3A_586 = arith.addi %parallel_loop3A_357, %parallel_loop3A_585 : i32
        %parallel_loop3A_587 = arith.index_cast %parallel_loop3A_586 : i32 to index
        %parallel_loop3A_588 = tpu.vector_load %arg12[%parallel_loop3A_587] {strides = array<i32>} : memref<4096xf32, #tpu.memory_space<vmem>>, vector<16xf32>,
        tpu.vector_store %arg12[%parallel_loop3A_587], %parallel_loop3A_580 {strides = array<i32>} : memref<4096xf32, #tpu.memory_space<vmem>>, vector<16xf32>,
        %parallel_loop3A_589 = arith.constant 112 : i32
        %parallel_loop3A_590 = arith.addi %parallel_loop3A_357, %parallel_loop3A_589 : i32
        %parallel_loop3A_591 = arith.index_cast %parallel_loop3A_590 : i32 to index
        %parallel_loop3A_592 = tpu.vector_load %arg16[%parallel_loop3A_591] {strides = array<i32>} : memref<4096xf32, #tpu.memory_space<vmem>>, vector<16xf32>,
        tpu.vector_store %arg16[%parallel_loop3A_591], %parallel_loop3A_584 {strides = array<i32>} : memref<4096xf32, #tpu.memory_space<vmem>>, vector<16xf32>,
        %parallel_loop3A_593 = arith.constant 129 : i32
        %parallel_loop3A_594 = vector.broadcast %parallel_loop3A_593 : i32 to vector<16xi32>
        %parallel_loop3A_595 = arith.addi %parallel_loop3A_577, %parallel_loop3A_594 : vector<16xi32>
        %parallel_loop3A_596 = tpu.vector_load_idx %arg8[%parallel_loop3A_595] : memref<8192xf32, #tpu.memory_space<vmem>>[vector<16xi32>], vector<16xf32>,
        %parallel_loop3A_597 = tpu.vector_load_idx %arg8[%parallel_loop3A_579] : memref<8192xf32, #tpu.memory_space<vmem>>[vector<16xi32>], vector<16xf32>,
        %parallel_loop3A_598 = arith.constant 112 : i32
        %parallel_loop3A_599 = arith.addi %parallel_loop3A_359, %parallel_loop3A_598 : i32
        %parallel_loop3A_600 = arith.index_cast %parallel_loop3A_599 : i32 to index
        %parallel_loop3A_601 = tpu.vector_load %arg12[%parallel_loop3A_600] {strides = array<i32>} : memref<4096xf32, #tpu.memory_space<vmem>>, vector<16xf32>,
        tpu.vector_store %arg12[%parallel_loop3A_600], %parallel_loop3A_596 {strides = array<i32>} : memref<4096xf32, #tpu.memory_space<vmem>>, vector<16xf32>,
        %parallel_loop3A_602 = arith.constant 112 : i32
        %parallel_loop3A_603 = arith.addi %parallel_loop3A_359, %parallel_loop3A_602 : i32
        %parallel_loop3A_604 = arith.index_cast %parallel_loop3A_603 : i32 to index
        %parallel_loop3A_605 = tpu.vector_load %arg16[%parallel_loop3A_604] {strides = array<i32>} : memref<4096xf32, #tpu.memory_space<vmem>>, vector<16xf32>,
        tpu.vector_store %arg16[%parallel_loop3A_604], %parallel_loop3A_597 {strides = array<i32>} : memref<4096xf32, #tpu.memory_space<vmem>>, vector<16xf32>,
      } {sc.loop_unroll_factor = 1 : i64, sc.parallel_access}
      %add3A_323 = arith.constant 4 : i32
      %add3A_324 = arith.addi %add3A_307, %add3A_323 : i32
      %lt3A_325 = arith.constant 256 : i32
      %lt3A_326 = arith.cmpi slt, %add3A_324, %lt3A_325 : i32
      %convert_element_type3A_327 = arith.extui %lt3A_326 : i1 to i32
      %cond3A_328 = arith.constant 0 : i32
      %cond3A_329 = arith.cmpi ne, %convert_element_type3A_327, %cond3A_328 : i32
      scf.if %cond3A_329 {
        %add3A_344 = arith.constant 4 : i32
        %add3A_345 = arith.addi %add3A_307, %add3A_344 : i32
        %mul3A_346 = arith.constant 32 : i32
        %mul3A_347 = arith.muli %add3A_345, %mul3A_346 : i32
        %add3A_348 = arith.addi %mul3A_2, %mul3A_347 : i32
        %mul3A_349 = arith.constant 256 : i32
        %mul3A_350 = arith.muli %add3A_348, %mul3A_349 : i32
        %dma_start3A_351 = tpu.memref_slice %arg2[%mul3A_350] : memref<67108864xf32, #tpu.memory_space<hbm>> -> memref<8192xf32, #tpu.memory_space<hbm>>
        %dma_start3A_352 = tpu.memref_slice %arg2[%mul3A_350] : memref<67108864xf32, #tpu.memory_space<hbm>> -> memref<8192xf32, #tpu.memory_space<hbm>>
        tpu.enqueue_dma source(%dma_start3A_352 : memref<8192xf32, #tpu.memory_space<hbm>>) target(%arg8 : memref<8192xf32, #tpu.memory_space<vmem>>) target_semaphore(%arg20 : memref<!tpu.dma_semaphore, #tpu.memory_space<semaphore_mem>>)
      } else {
      }
      %mul3A_330 = arith.constant 32 : i32
      %mul3A_331 = arith.muli %add3A_307, %mul3A_330 : i32
      %add3A_332 = arith.addi %mul3A_2, %mul3A_331 : i32
      %mul3A_333 = arith.constant 128 : i32
      %mul3A_334 = arith.muli %add3A_332, %mul3A_333 : i32
      %dma_start3A_335 = tpu.memref_slice %arg3[%mul3A_334] : memref<33554432xf32, #tpu.memory_space<hbm>> -> memref<4096xf32, #tpu.memory_space<hbm>>
      %dma_start3A_336 = tpu.memref_slice %arg3[%mul3A_334] : memref<33554432xf32, #tpu.memory_space<hbm>> -> memref<4096xf32, #tpu.memory_space<hbm>>
      tpu.enqueue_dma source(%arg12 : memref<4096xf32, #tpu.memory_space<vmem>>) target(%dma_start3A_336 : memref<4096xf32, #tpu.memory_space<hbm>>) target_semaphore(%arg24 : memref<!tpu.dma_semaphore, #tpu.memory_space<semaphore_mem>>)
      %mul3A_337 = arith.constant 32 : i32
      %mul3A_338 = arith.muli %add3A_307, %mul3A_337 : i32
      %add3A_339 = arith.addi %mul3A_2, %mul3A_338 : i32
      %mul3A_340 = arith.constant 128 : i32
      %mul3A_341 = arith.muli %add3A_339, %mul3A_340 : i32
      %dma_start3A_342 = tpu.memref_slice %arg4[%mul3A_341] : memref<33554432xf32, #tpu.memory_space<hbm>> -> memref<4096xf32, #tpu.memory_space<hbm>>
      %dma_start3A_343 = tpu.memref_slice %arg4[%mul3A_341] : memref<33554432xf32, #tpu.memory_space<hbm>> -> memref<4096xf32, #tpu.memory_space<hbm>>
      tpu.enqueue_dma source(%arg16 : memref<4096xf32, #tpu.memory_space<vmem>>) target(%dma_start3A_343 : memref<4096xf32, #tpu.memory_space<hbm>>) target_semaphore(%arg28 : memref<!tpu.dma_semaphore, #tpu.memory_space<semaphore_mem>>)
    }
    %scan3A_140 = arith.constant 64 : i32
    %add3A_141 = arith.constant 0 : i32
    %add3A_142 = arith.addi %mul3A_2, %add3A_141 : i32
    %mul3A_143 = arith.constant 128 : i32
    %mul3A_144 = arith.muli %add3A_142, %mul3A_143 : i32
    %dma_wait3A = tpu.memref_slice %arg3[%mul3A_144] : memref<33554432xf32, #tpu.memory_space<hbm>> -> memref<4096xf32, #tpu.memory_space<hbm>>
    %dma_wait3A_145 = tpu.memref_slice %arg3[%mul3A_144] : memref<33554432xf32, #tpu.memory_space<hbm>> -> memref<4096xf32, #tpu.memory_space<hbm>>
    tpu.wait_dma2 semaphore(%arg21 : memref<!tpu.dma_semaphore, #tpu.memory_space<semaphore_mem>>) src(%arg9 : memref<4096xf32, #tpu.memory_space<vmem>>) dst(%dma_wait3A_145 : memref<4096xf32, #tpu.memory_space<hbm>>)
    %add3A_146 = arith.constant 0 : i32
    %add3A_147 = arith.addi %mul3A_2, %add3A_146 : i32
    %mul3A_148 = arith.constant 128 : i32
    %mul3A_149 = arith.muli %add3A_147, %mul3A_148 : i32
    %dma_wait3A_150 = tpu.memref_slice %arg4[%mul3A_149] : memref<33554432xf32, #tpu.memory_space<hbm>> -> memref<4096xf32, #tpu.memory_space<hbm>>
    %dma_wait3A_151 = tpu.memref_slice %arg4[%mul3A_149] : memref<33554432xf32, #tpu.memory_space<hbm>> -> memref<4096xf32, #tpu.memory_space<hbm>>
    tpu.wait_dma2 semaphore(%arg25 : memref<!tpu.dma_semaphore, #tpu.memory_space<semaphore_mem>>) src(%arg13 : memref<4096xf32, #tpu.memory_space<vmem>>) dst(%dma_wait3A_151 : memref<4096xf32, #tpu.memory_space<hbm>>)
    %add3A_152 = arith.constant 0 : i32
    %add3A_153 = arith.addi %mul3A_2, %add3A_152 : i32
    %mul3A_154 = arith.constant 128 : i32
    %mul3A_155 = arith.muli %add3A_153, %mul3A_154 : i32
    %dma_wait3A_156 = tpu.memref_slice %arg3[%mul3A_155] : memref<33554432xf32, #tpu.memory_space<hbm>> -> memref<4096xf32, #tpu.memory_space<hbm>>
    %dma_wait3A_157 = tpu.memref_slice %arg3[%mul3A_155] : memref<33554432xf32, #tpu.memory_space<hbm>> -> memref<4096xf32, #tpu.memory_space<hbm>>
    tpu.wait_dma2 semaphore(%arg22 : memref<!tpu.dma_semaphore, #tpu.memory_space<semaphore_mem>>) src(%arg10 : memref<4096xf32, #tpu.memory_space<vmem>>) dst(%dma_wait3A_157 : memref<4096xf32, #tpu.memory_space<hbm>>)
    %add3A_158 = arith.constant 0 : i32
    %add3A_159 = arith.addi %mul3A_2, %add3A_158 : i32
    %mul3A_160 = arith.constant 128 : i32
    %mul3A_161 = arith.muli %add3A_159, %mul3A_160 : i32
    %dma_wait3A_162 = tpu.memref_slice %arg4[%mul3A_161] : memref<33554432xf32, #tpu.memory_space<hbm>> -> memref<4096xf32, #tpu.memory_space<hbm>>
    %dma_wait3A_163 = tpu.memref_slice %arg4[%mul3A_161] : memref<33554432xf32, #tpu.memory_space<hbm>> -> memref<4096xf32, #tpu.memory_space<hbm>>
    tpu.wait_dma2 semaphore(%arg26 : memref<!tpu.dma_semaphore, #tpu.memory_space<semaphore_mem>>) src(%arg14 : memref<4096xf32, #tpu.memory_space<vmem>>) dst(%dma_wait3A_163 : memref<4096xf32, #tpu.memory_space<hbm>>)
    %add3A_164 = arith.constant 0 : i32
    %add3A_165 = arith.addi %mul3A_2, %add3A_164 : i32
    %mul3A_166 = arith.constant 128 : i32
    %mul3A_167 = arith.muli %add3A_165, %mul3A_166 : i32
    %dma_wait3A_168 = tpu.memref_slice %arg3[%mul3A_167] : memref<33554432xf32, #tpu.memory_space<hbm>> -> memref<4096xf32, #tpu.memory_space<hbm>>
    %dma_wait3A_169 = tpu.memref_slice %arg3[%mul3A_167] : memref<33554432xf32, #tpu.memory_space<hbm>> -> memref<4096xf32, #tpu.memory_space<hbm>>
    tpu.wait_dma2 semaphore(%arg23 : memref<!tpu.dma_semaphore, #tpu.memory_space<semaphore_mem>>) src(%arg11 : memref<4096xf32, #tpu.memory_space<vmem>>) dst(%dma_wait3A_169 : memref<4096xf32, #tpu.memory_space<hbm>>)
    %add3A_170 = arith.constant 0 : i32
    %add3A_171 = arith.addi %mul3A_2, %add3A_170 : i32
    %mul3A_172 = arith.constant 128 : i32
    %mul3A_173 = arith.muli %add3A_171, %mul3A_172 : i32
    %dma_wait3A_174 = tpu.memref_slice %arg4[%mul3A_173] : memref<33554432xf32, #tpu.memory_space<hbm>> -> memref<4096xf32, #tpu.memory_space<hbm>>
    %dma_wait3A_175 = tpu.memref_slice %arg4[%mul3A_173] : memref<33554432xf32, #tpu.memory_space<hbm>> -> memref<4096xf32, #tpu.memory_space<hbm>>
    tpu.wait_dma2 semaphore(%arg27 : memref<!tpu.dma_semaphore, #tpu.memory_space<semaphore_mem>>) src(%arg15 : memref<4096xf32, #tpu.memory_space<vmem>>) dst(%dma_wait3A_175 : memref<4096xf32, #tpu.memory_space<hbm>>)
    %add3A_176 = arith.constant 0 : i32
    %add3A_177 = arith.addi %mul3A_2, %add3A_176 : i32
    %mul3A_178 = arith.constant 128 : i32
    %mul3A_179 = arith.muli %add3A_177, %mul3A_178 : i32
    %dma_wait3A_180 = tpu.memref_slice %arg3[%mul3A_179] : memref<33554432xf32, #tpu.memory_space<hbm>> -> memref<4096xf32, #tpu.memory_space<hbm>>
    %dma_wait3A_181 = tpu.memref_slice %arg3[%mul3A_179] : memref<33554432xf32, #tpu.memory_space<hbm>> -> memref<4096xf32, #tpu.memory_space<hbm>>
    tpu.wait_dma2 semaphore(%arg24 : memref<!tpu.dma_semaphore, #tpu.memory_space<semaphore_mem>>) src(%arg12 : memref<4096xf32, #tpu.memory_space<vmem>>) dst(%dma_wait3A_181 : memref<4096xf32, #tpu.memory_space<hbm>>)
    %add3A_182 = arith.constant 0 : i32
    %add3A_183 = arith.addi %mul3A_2, %add3A_182 : i32
    %mul3A_184 = arith.constant 128 : i32
    %mul3A_185 = arith.muli %add3A_183, %mul3A_184 : i32
    %dma_wait3A_186 = tpu.memref_slice %arg4[%mul3A_185] : memref<33554432xf32, #tpu.memory_space<hbm>> -> memref<4096xf32, #tpu.memory_space<hbm>>
    %dma_wait3A_187 = tpu.memref_slice %arg4[%mul3A_185] : memref<33554432xf32, #tpu.memory_space<hbm>> -> memref<4096xf32, #tpu.memory_space<hbm>>
    tpu.wait_dma2 semaphore(%arg28 : memref<!tpu.dma_semaphore, #tpu.memory_space<semaphore_mem>>) src(%arg16 : memref<4096xf32, #tpu.memory_space<vmem>>) dst(%dma_wait3A_187 : memref<4096xf32, #tpu.memory_space<hbm>>)
    return
  }
}

</mosaic_0001>

<sc_bundles>
// kernel: kernel.3.cloned.1.call-start
scs
__scs_entry_jumppad:
0x0: {  	(pc) =	sbr.rel $0x88, $3  }
0x1: {  	(tag) =	ssettag $0x0;
	lr =	simm.s32 $0x1  }
0x2: {  	[smem:$0x3FA0] =	sst lr;
	_ =	strace $0xD0000000  }
0x3: {  	_ = 	snop  }
0x4: {  	_ = 	snop  }
0x5: {  	_ = 	snop  }
0x6: {  	_ = 	snop  }
0x7: {  	_ = 	snop  }
__scs_overlays_trampoline_lowered:
0x8: {  	[smem:$0x3FAF] =	sst s0  }
0x9: {  	[smem:$0x3FB0] =	sst s1  }
0xa: {  	[smem:$0x3FB1] =	sst s2  }
0xb: {  	[smem:$0x3FB2] =	sst s3  }
0xc: {  	[smem:$0x3FB3] =	sst s4  }
0xd: {  	[smem:$0x3FB4] =	sst s5  }
0xe: {  	[smem:$0x3FB5] =	sst s6  }
0xf: {  	[smem:$0x3FB6] =	sst s7  }
0x10: {  	[smem:$0x3FB7] =	sst s8  }
0x11: {  	[smem:$0x3FB8] =	sst s9;
	s0 =	simm.s32 @!p0 $0x0  }
0x12: {  	s1 =	sld [smem:$0x3F9E];
	s0 =	simm.s32 @p0 $0x1  }
0x13: {  	[smem:$0x3FB9] =	sst s0;
	s0 =	simm.s32 @!p1 $0x0  }
0x14: {  	s2 =	sld [smem:$0x3F9D];
	s0 =	simm.s32 @p1 $0x1  }
0x15: {  	[smem:$0x3FBA] =	sst s0;
	s0 =	simm.s32 @!p2 $0x0  }
0x16: {  	s3 =	sld [smem:$0x3FDB];
	s0 =	simm.s32 @p2 $0x1  }
0x17: {  	s4 =	simm.s32 $0x1BF5;
	[smem:$0x3FBC] =	sst s0  }
0x18: {  	s0 =	sld [smem:$0x3F9F];
	_ =	swait.ge [sflag:s4], $0x0  }
0x19: {  	s7 =	sld [smem:$0x3FA0]  }
0x1a: {  	s8 =	sadd.s32 $0xFFFFE003, lr  }
0x1b: {  	s9 =	sadd.s32 $0xFFFFFEF7, lr;
	s5 =	simm.s32 $0xFFFFFFFF;
	p2 =	slt.u32 s8, $0xFFFFF086  }
0x1c: {  	p1 =	slt.u32 s9, $0xF7A;
	s5 =	simm.s32 @!p2 $0x0  }
0x1d: {  	s5 =	simm.s32 @p1 $0x1;
	p0 =	seq.s32 s7, s2  }
0x1e: {  	s7 =	smul.u32 @!p0 $0xF7A, s2;
	p2 =	seq.s32 @!p0 s5, $0x0  }
0x1f: {  	s9 =	smul.u32 $0xF7A, s1;
	s8 =	simm.s32 @!p0 $0x1BF5;
	p2 =	por !p2, p0  }
0x20: {  	[sflag:s8] =	ssyncset.s32 @!p0 $0xFFFFF086;
	s6 =	sadd.s32 @!p0 s3, s7;
	s7 =	simm.s32 @!p0 $0x108  }
0x21: {  	s3 =	sadd.s32 s3, s9;
	s6 =	sadd.s32 @!p0 $0x88, s6;
	s7 =	simm.s32 @p2 $0x1082  }
0x22: {  	[simem:s7], [sflag:s8] =	dma.local @!p0 [hbm:s6], $0xF7A  }
0x23: {  	s9 =	sor.u32 $0xD0000000, s2;
	s6 =	simm.s32 $0x108;
	_ =	swait.ge @!p0 [sflag:s8], $0x0  }
0x24: {  	s3 =	sadd.s32 $0x88, s3;
	s6 =	simm.s32 @!p1 $0x1082;
	[sflag:s4] =	ssyncset.s32 $0xFFFFF086  }
0x25: {  	[simem:s6], [sflag:s4] =	dma.local [hbm:s3], $0xF7A  }
0x26: {  	[smem:$0x3FA0] =	sst s1;
	(tag) =	ssettag s2;
	_ =	strace s9  }
0x27: {  	s1 =	sld [smem:$0x3FB0]  }
0x28: {  	s2 =	sld [smem:$0x3FB1]  }
0x29: {  	s4 =	sld [smem:$0x3FB3]  }
0x2a: {  	p0 =	seq.s32 s5, $0x0;
	s5 =	sld [smem:$0x3FB4]  }
0x2b: {  	s6 =	sld [smem:$0x3FB5]  }
0x2c: {  	s7 =	sld [smem:$0x3FB6]  }
0x2d: {  	s3 =	simm.s32 $0x108;
	s8 =	sld [smem:$0x3FB7]  }
0x2e: {  	s3 =	simm.s32 @!p0 $0x1082;
	s9 =	sld [smem:$0x3FB8]  }
0x2f: {  	lr =	sadd.s32 s0, s3;
	s0 =	sld [smem:$0x3FAF]  }
0x30: {  	s3 =	sld [smem:$0x3FB2]  }
0x31: {  	[smem:$0x3FBB] =	sst s10  }
0x32: {  	s10 =	sld [smem:$0x3FB9];
	_ =	sdelay $0x3  }
0x33: {  	p0 =	seq.s32 s10, $0x1;
	s10 =	sld [smem:$0x3FBB];
	_ =	sdelay $0x3  }
0x34: {  	[smem:$0x3FBB] =	sst s10  }
0x35: {  	s10 =	sld [smem:$0x3FBA];
	_ =	sdelay $0x3  }
0x36: {  	p1 =	seq.s32 s10, $0x1;
	s10 =	sld [smem:$0x3FBB];
	_ =	sdelay $0x3  }
0x37: {  	[smem:$0x3FBB] =	sst s10  }
0x38: {  	s10 =	sld [smem:$0x3FBC]  }
0x39: {  	_ = 	snop;
	(pc) =	sbr.ind lr, $3  }
0x3a: {  	_ = 	snop  }
0x3b: {  	_ = 	snop  }
0x3c: {  	p2 =	seq.s32 s10, $0x1;
	s10 =	sld [smem:$0x3FBB]  }
0x3d: {  	_ =	shalt  }
0x3e: {  	_ =	shalt  }
0x3f: {  	_ =	shalt  }
0x40: {  	_ =	shalt  }
0x41: {  	_ =	shalt  }
0x42: {  	_ =	shalt  }
0x43: {  	_ =	shalt  }
0x44: {  	_ =	shalt  }
0x45: {  	_ =	shalt  }
0x46: {  	_ =	shalt  }
0x47: {  	_ =	shalt  }
0x48: {  	_ =	shalt  }
0x49: {  	_ =	shalt  }
0x4a: {  	_ =	shalt  }
0x4b: {  	_ =	shalt  }
0x4c: {  	_ =	shalt  }
0x4d: {  	_ =	shalt  }
0x4e: {  	_ =	shalt  }
0x4f: {  	_ =	shalt  }
0x50: {  	_ =	shalt  }
0x51: {  	_ =	shalt  }
0x52: {  	_ =	shalt  }
0x53: {  	_ =	shalt  }
0x54: {  	_ =	shalt  }
0x55: {  	_ =	shalt  }
0x56: {  	_ =	shalt  }
0x57: {  	_ =	shalt  }
0x58: {  	_ =	shalt  }
0x59: {  	_ =	shalt  }
0x5a: {  	_ =	shalt  }
0x5b: {  	_ =	shalt  }
0x5c: {  	_ =	shalt  }
0x5d: {  	_ =	shalt  }
0x5e: {  	_ =	shalt  }
0x5f: {  	_ =	shalt  }
0x60: {  	_ =	shalt  }
0x61: {  	_ =	shalt  }
0x62: {  	_ =	shalt  }
0x63: {  	_ =	shalt  }
0x64: {  	_ =	shalt  }
0x65: {  	_ =	shalt  }
0x66: {  	_ =	shalt  }
0x67: {  	_ =	shalt  }
0x68: {  	_ =	shalt  }
0x69: {  	_ =	shalt  }
0x6a: {  	_ =	shalt  }
0x6b: {  	_ =	shalt  }
0x6c: {  	_ =	shalt  }
0x6d: {  	_ =	shalt  }
0x6e: {  	_ =	shalt  }
0x6f: {  	_ =	shalt  }
0x70: {  	_ =	shalt  }
0x71: {  	_ =	shalt  }
0x72: {  	_ =	shalt  }
0x73: {  	_ =	shalt  }
0x74: {  	_ =	shalt  }
0x75: {  	_ =	shalt  }
0x76: {  	_ =	shalt  }
0x77: {  	_ =	shalt  }
0x78: {  	_ =	shalt  }
0x79: {  	_ =	shalt  }
0x7a: {  	_ =	shalt  }
0x7b: {  	_ =	shalt  }
0x7c: {  	_ =	shalt  }
0x7d: {  	_ =	shalt  }
0x7e: {  	_ =	shalt  }
0x7f: {  	_ =	shalt  }
0x80: {  	_ =	shalt  }
0x81: {  	_ =	shalt  }
0x82: {  	_ =	shalt  }
0x83: {  	_ =	shalt  }
0x84: {  	_ =	shalt  }
0x85: {  	_ =	shalt  }
0x86: {  	_ =	shalt  }
0x87: {  	_ =	shalt  }
.Lfunc_end0:
.L_simem_size_0:
called_computation_lowered:
.L_overlay_start_0:
0x88: {  	s2 =	sld [smem:$0x3FD9]  }
0x89: {  	s3 =	sld [smem:$0x3FFE];
	_ =	sdelay $0x1  }
0x8a: {  	s1 =	srdreg.scid  }
0x8b: {  	s0 =	sand.u32 $0x1, s1  }
0x8c: {  	s15 =	sshll.u32 s0, $0xA;
	s2 =	sadd.s32 s3, s2  }
0x8d: {  	s2 =	sadd.s32 s2, s15  }
0x8e: {  	[smem:$0x3FC7] =	sst s2  }
0x8f: {  	_ = 	snop  }
0x90: {  	s2 =	sld [smem:$0x3FD0];
	_ =	sdelay $0x2  }
0x91: {  	s4 =	simm.s32 $0xA;
	s5 =	simm.s32 $0x10;
	s16 =	sld [smem:$0x3FC9]  }
0x92: {  	[smem:s5], [sflag:s4] =	dma.local [hbm:s2], $0x1  }
0x93: {  	_ =	swait.eq [sflag:s4], $0x1  }
0x94: {  	[sflag:s4] =	ssyncset.done $0x0  }
0x95: {  	s17 =	sld [smem:$0x10];
	[sflag:s4] =	ssyncadd.s32 $0xFFFFFFFF  }
0x96: {  	s18 =	sld [smem:$0x11];
	(tm) =	ssettm $0x1  }
0x97: {  	s19 =	sld [smem:$0x3FFB];
	_ =	sdelay $0x3  }
0x98: {  	_ =	strace s19  }
0x99: {  	s5 =	sld [smem:$0x3FFC];
	_ =	sdelay $0x3  }
0x9a: {  	_ =	strace s5  }
0x9b: {  	s5 =	sld [smem:$0x3FFD];
	_ =	sdelay $0x3  }
0x9c: {  	_ =	strace s5  }
0x9d: {  	_ =	strace $0x8FFFFFFF  }
0x9e: {  	s20 =	sld [smem:$0x3FDB];
	_ =	sdelay $0x1  }
0x9f: {  	s6 =	simm.s32 $_scs_section_size  }
0xa0: {  	s7 =	simm.s32 $_size__tile_overlayer_lowered;
	s8 =	simm.s32 $_tile_overlayer_lowered  }
0xa1: {  	s23 =	simm.s32 $0x1BFF;
	s22 =	sshll.u32 s8, $0x1;
	s5 =	sadd.s32 s6, s20  }
0xa2: {  	s9 =	simm.s32 $0x0;
	s21 =	sshll.u32 s7, $0x1;
	s7 =	sadd.s32 s22, s5  }
0xa3: {  	[timem:s9], [sflag:s23] =	dma.local [hbm:s7], s21  }
0xa4: {  	_ =	swait.ge [sflag:s23], s21  }
0xa5: {  	s6 =	ssub.s32 $0x0, s21;
	[sflag:s23] =	ssyncset.done $0x0  }
0xa6: {  	[sflag:s23] =	ssyncadd.s32 s6;
	_ =	sdelay $0x1  }
0xa7: {  	s24 =	simm.s32 $0x1B8B  }
0xa8: {  	_ =	swait.ge [sflag:s24], $0x1  }
0xa9: {  	[sflag:s24] =	ssyncset.done $0x0  }
0xaa: {  	s25 =	simm.s32 $0x1B8E;
	[sflag:s24] =	ssyncadd.s32 $0xFFFFFFFF  }
0xab: {  	s26 =	simm.s32 $execute0_lowered;
	[smem:$0x3FD2] =	sst s25  }
0xac: {  	s6 =	sshll.u32 s26, $0x1;
	_ =	strace $0x80000046;
	[dreg:$0x1] =	wrdreg $0xFFFFFFFF  }
0xad: {  	s28 =	simm.s32 $_size_execute0_lowered;
	s5 =	sadd.s32 s5, s6;
	[dreg:$0x0] =	wrdreg $0x0  }
0xae: {  	s6 =	sshll.u32 s28, $0x1;
	[dreg:$0x2] =	wrdreg s5  }
0xaf: {  	[dreg:$0x3] =	wrdreg s6  }
0xb0: {  	[dreg:$0x4] =	wrdreg $0xC0  }
0xb1: {  	_ =	task [dreg:s9], $0x5FFFF  }
0xb2: {  	[dreg:$0x1] =	wrdreg $0xFFFFFFFF  }
0xb3: {  	[dreg:$0x0] =	wrdreg $0x60  }
0xb4: {  	[dreg:$0x2] =	wrdreg s16  }
0xb5: {  	[dreg:$0x3] =	wrdreg s17  }
0xb6: {  	[dreg:$0x4] =	wrdreg s18  }
0xb7: {  	[dreg:$0x5] =	wrdreg $0x9  }
0xb8: {  	_ =	task.clear_ibuf [dreg:s9], $0x6FFFF;
	_ =	strace $0x90000046  }
0xb9: {  	s29 =	simm.s32 $0x9;
	_ =	strace $0x80000048  }
0xba: {  	_ =	swait.ge [sflag:s29], $0x1  }
0xbb: {  	[sflag:s29] =	ssyncadd.s32 $0xFFFFFFFF  }
0xbc: {  	_ =	strace $0x90000048  }
0xbd: {  	_ =	sfence  }
0xbe: {  	s30 =	sld [smem:$0x0];
	_ =	sdelay $0x2  }
0xbf: {  	s31 =	sshll.u32 s1, $0xD;
	s1 =	sshrl.u32 s1, $0x2  }
0xc0: {  	s3 =	sand.u32 $0x4000, s31;
	s1 =	sadd.s32 s1, s30  }
0xc1: {  	s0 =	sor.u32 s3, s0;
	s1 =	sshll.u32 s1, $0x11  }
0xc2: {  	s0 =	sor.u32 s1, s0  }
0xc3: {  	s0 =	sadd.s32 $0x8F2B, s0  }
0xc4: {  	[sflag:s0] =	ssyncadd.remote.s32 $0x1  }
0xc5: {  	_ =	sfence.sel $0xFFFF  }
0xc6: {  	[dreg:$0x0] =	wrdreg $0xFFFFFFFF;
	(pc) =	sbr.abs _section_cstart, $3  }
0xc7: {  	[dreg:$0x1] =	wrdreg $0xFFFFFFFF  }
0xc8: {  	_ =	task.clear_ibuf [dreg:s9], $0x2FFFF;
	_ =	strace $0x9FFFFFFF  }
0xc9: {  	(tm) =	ssettm $0x7FFFFFFF  }
tec
execute0_lowered:
.L_overlay_start_1:
0x0: {  	(tag) =	ssettag $0x1  }
0x1: {  	v0 =	vlaneseq.u32  }
0x2: {  	v13 =	vimm.s32 $0x68666462;
	vm0 =	vcmask $0xF00;
	v15 =	vimm.s32 $0x706E6C6A  }
0x3: {  	v16 =	vimm.s32 $0x78767472;
	vm10 =	vcmask $0x1F10;
	v17 =	vimm.s32 $0x7E7C7A  }
0x4: {  	vm11 =	vcmask $0x2F20;
	vm12 =	vcmask $0x3B30;
	v20 =	vimm.s32 $0x0  }
0x5: {  	vm13 =	vcmask $0x300;
	vm14 =	vcmask $0x704;
	vm15 =	vcmask $0xB08  }
0x6: {  	vm4 =	vcmask $0xF0C;
	vm5 =	vcmask $0x1310;
	vm6 =	vcmask $0x1714  }
0x7: {  	vm7 =	vcmask $0x1B18;
	vm8 =	vcmask $0x1F1C;
	vm9 =	vcmask $0x2320  }
0x8: {  	v0 =	vmul.u32 $0x2, v0;
	v14 =	vunpack.c.0.s8.s32 v13;
	v15 =	vunpack.c.0.s8.s32 v15  }
0x9: {  	v16 =	vunpack.c.0.s8.s32 v16;
	v17 =	vunpack.c.0.s8.s32 v17;
	v21 =	vsel vm13, $0x462, v20  }
0xa: {  	vm13 =	vcmask $0x3330;
	v22 =	vsel vm14, $0x464, v21;
	vm14 =	vcmask $0x3734  }
0xb: {  	v1 =	vor.u32 $0x1, v0;
	v2 =	vor.u32 $0x81, v0;
	v3 =	vadd.s32 $0x82, v0  }
0xc: {  	s1 =	rddreg [dreg:$0x0];
	v4 =	vor.u32 $0x20, v0;
	v5 =	vor.u32 $0x21, v0;
	v6 =	vor.u32 $0xA1, v0  }
0xd: {  	s0 =	rddreg [dreg:$0x1];
	v7 =	vadd.s32 $0xA2, v0;
	v8 =	vor.u32 $0x40, v0;
	v9 =	vor.u32 $0x41, v0  }
0xe: {  	s3 =	srdreg.scid;
	s5 =	stileid.u32;
	v10 =	vor.u32 $0xC1, v0;
	v11 =	vadd.s32 $0xC2, v0;
	v12 =	vor.u32 $0x60, v0  }
0xf: {  	s4 =	simm.s32 $0x0;
	s3 =	sand.u32 $0x1, s3;
	s5 =	sshll.u32 s5, $0x1;
	v13 =	vor.u32 $0x61, v0;
	v14 =	vnsel vm0, $0x400, v14;
	v18 =	vor.u32 $0x401, v0  }
0x10: {  	[smem:$0x7FF] =	sst s4;
	s6 =	ssub.s32 $0x2, s3;
	s3 =	sor.u32 s3, s5;
	v19 =	vor.u32 $0x481, v0;
	v20 =	vadd.s32 $0x482, v0;
	v23 =	vsel vm15, $0x466, v22  }
0x11: {  	s2 =	rddreg [dreg:$0x2];
	_ =	strace $0x80000047;
	v21 =	vor.u32 $0x420, v0;
	s22 =	sshll.u32 s3, $0xD;
	v22 =	vor.u32 $0xFFFFFF20, v0;
	v24 =	vsel vm4, $0x468, v23  }
0x12: {  	s7 =	sshll.u32 s3, $0x12;
	s3 =	sshll.u32 s3, $0x11;
	vm15 =	vcmask $0x3B38;
	v34 =	vor.u32 $0x4E1, v0;
	[dreg:$0x4] =	wrdreg s22;
	v25 =	vsel vm5, $0x46A, v24  }
0x13: {  	v15 =	vsel vm10, v15, v14;
	v14 =	vor.u32 $0xE1, v0;
	s1 =	sadd.s32 s1, s7;
	[dreg:$0xa] =	wrdreg s3;
	v26 =	vsel vm6, $0x46C, v25  }
0x14: {  	v23 =	vor.u32 $0x421, v0;
	vm10 =	vcmask $0x2724;
	s23 =	sadd.s32 $0x400, s1;
	[dreg:$0x5] =	wrdreg s1;
	v27 =	vsel vm7, $0x46E, v26  }
0x15: {  	v15 =	vsel vm11, v16, v15;
	v16 =	vor.u32 $0x400, v0;
	s24 =	sadd.s32 $0x800, s1;
	[dreg:$0x6] =	wrdreg s23;
	v28 =	vsel vm8, $0x470, v27  }
0x16: {  	s25 =	sadd.s32 $0xC00, s1;
	v24 =	vor.u32 $0x4A1, v0;
	vm11 =	vcmask $0x2B28;
	[dreg:$0x7] =	wrdreg s24;
	v29 =	vsel vm9, $0x472, v28  }
0x17: {  	s16 =	simm.s32 $0x2000;
	s26 =	sadd.s32 $0x1000, s1;
	v15 =	vsel vm12, v17, v15;
	v17 =	vor.u32 $0xFFFFFF00, v0;
	[dreg:$0x8] =	wrdreg s25;
	v30 =	vsel vm10, $0x474, v29  }
0x18: {  	s17 =	simm.s32 $0x4000;
	s28 =	sadd.s32 $0x1400, s1;
	[dreg:$0x9] =	wrdreg s26;
	v25 =	vadd.s32 $0x4A2, v0;
	vm12 =	vcmask $0x2F2C;
	v31 =	vsel vm11, $0x476, v30  }
0x19: {  	s21 =	sshrl.u32 s6, $0x1;
	s30 =	sadd.s32 $0x1800, s1;
	[dreg:$0xb] =	wrdreg s28;
	v26 =	vor.u32 $0x440, v0;
	v27 =	vor.u32 $0xFFFFFF40, v0;
	v32 =	vsel vm12, $0x478, v31  }
0x1a: {  	s5 =	ssub.s32 s6, s21;
	s1 =	sadd.s32 $0x1C00, s1;
	[dreg:$0xc] =	wrdreg s30;
	v28 =	vor.u32 $0x441, v0;
	v29 =	vor.u32 $0x4C1, v0;
	v33 =	vsel vm13, $0x47A, v32  }
0x1b: {  	s18 =	simm.s32 $0x6000;
	s31 =	smax.u32 s5, $0x1;
	[dreg:$0xd] =	wrdreg s1;
	v30 =	vadd.s32 $0x4C2, v0;
	v31 =	vor.u32 $0x460, v0;
	v35 =	vsel vm14, $0x47C, v33  }
0x1c: {  	s29 =	simm.s32 $0x4;
	s5 =	simm.s32 $0x0;
	[dreg:$0xe] =	wrdreg s31;
	v32 =	vor.u32 $0xFFFFFF60, v0;
	v33 =	vor.u32 $0x461, v0;
	v35 =	vsel vm15, $0x47E, v35  }
.LBB2_1:
0x1d: {  	[dreg:$0xf] =	wrdreg s5  }
0x1e: {  	s1 =	rddreg [dreg:$0x5]  }
0x1f: {  	[tilespmem:s4], [sflag:$0x1] =	stream.linear.gather [hbm4b:s1+s4], $0x2000, $0x38;
	[tilespmem:$0x10000] =	vst v63  }
0x20: {  	s28 =	rddreg [dreg:$0x6]  }
0x21: {  	[tilespmem:s16], [sflag:$0x2] =	stream.linear.gather [hbm4b:s28+s4], $0x2000, $0x38;
	[tilespmem:$0x10000] =	vst v63  }
0x22: {  	s30 =	rddreg [dreg:$0x7]  }
0x23: {  	[tilespmem:s17], [sflag:$0x3] =	stream.linear.gather [hbm4b:s30+s4], $0x2000, $0x38;
	[tilespmem:$0x10000] =	vst v63  }
0x24: {  	s31 =	rddreg [dreg:$0x8];
	s7 =	simm.s32 $0x0  }
0x25: {  	[tilespmem:s18], [sflag:$0x4] =	stream.linear.gather [hbm4b:s31+s4], $0x2000, $0x38;
	[tilespmem:$0x10000] =	vst v63  }
.LBB2_2:
0x26: {  	s1 =	simm.s32 $0x1  }
0x27: {  	p0 =	seq.s32 s7, $0x0;
	_ =	swait.ge [sflag:s1], $0x2000  }
0x28: {  	s22 =	simm.s32 $0x0;
	s3 =	simm.s32 @!p0 $0x5;
	[sflag:s1] =	ssyncset.done $0x0  }
0x29: {  	s5 =	sand.u32 $0x1800, s22;
	[sflag:s1] =	ssyncadd.s32 $0xFFFFE000;
	s1 =	sand.u32 $0x300, s22  }
0x2a: {  	_ =	swait.ge @!p0 [sflag:s3], $0x1000;
	s20 =	sor.u32 s1, s5  }
0x2b: {  	[sflag:s3] =	ssyncset.done @!p0 $0x0;
	v36 =	vor.u32 s20, v0  }
0x2c: {  	s1 =	simm.s32 @!p0 $0x9;
	v37 =	vor.u32 s20, v1;
	[sflag:s3] =	ssyncadd.s32 @!p0 $0xFFFFF000  }
0x2d: {  	_ =	swait.ge @!p0 [sflag:s1], $0x1000  }
0x2e: {  	[sflag:s1] =	ssyncset.done @!p0 $0x0  }
0x2f: {  	[sflag:s1] =	ssyncadd.s32 @!p0 $0xFFFFF000  }
0x30: {  	v36 =	vld.idx.msk [tilespmem:v36+s4+$0x0], $0xffff  }
0x31: {  	v37 =	vld.idx.msk [tilespmem:v37+s4+$0x0], $0xffff  }
0x32: {  	v38 =	vor.u32 s20, v2  }
0x33: {  	v39 =	vor.u32 s20, v3  }
0x34: {  	s1 =	simm.s32 $0x8080  }
0x35: {  	s6 =	simm.s32 $0xC080;
	[tilespmem:s1+$0xFFFFFF80] =	vst v36  }
0x36: {  	[tilespmem:s6+$0xFFFFFF80] =	vst v37  }
0x37: {  	v36 =	vld.idx.msk [tilespmem:v38+s4+$0x0], $0xffff  }
0x38: {  	v37 =	vld.idx.msk [tilespmem:v39+s4+$0x0], $0xffff  }
0x39: {  	v48 =	vor.u32 s20, v4  }
0x3a: {  	v49 =	vor.u32 s20, v5;
	_ =	sdelay $0x1  }
0x3b: {  	[tilespmem:s1+$0x0] =	vst v36  }
0x3c: {  	[tilespmem:s6+$0x0] =	vst v37  }
0x3d: {  	v36 =	vld.idx.msk [tilespmem:v48+s4+$0x0], $0xffff  }
0x3e: {  	v37 =	vld.idx.msk [tilespmem:v49+s4+$0x0], $0xffff  }
0x3f: {  	s23 =	simm.s32 $0x200;
	s24 =	simm.s32 $0x100;
	v50 =	vor.u32 s20, v6  }
0x40: {  	s5 =	sand.u32 $0x300, s24;
	v51 =	vor.u32 s20, v7;
	s3 =	sand.u32 $0x1800, s23  }
0x41: {  	s15 =	sor.u32 s5, s3  }
0x42: {  	v52 =	vor.u32 s15, v0;
	[tilespmem:s1+$0xFFFFFF90] =	vst v36  }
0x43: {  	v54 =	vor.u32 s15, v1;
	[tilespmem:s6+$0xFFFFFF90] =	vst v37  }
0x44: {  	v36 =	vld.idx.msk [tilespmem:v50+s4+$0x0], $0xffff  }
0x45: {  	v53 =	vld.idx.msk [tilespmem:v51+s4+$0x0], $0xffff  }
0x46: {  	v40 =	vor.u32 s20, v8  }
0x47: {  	v41 =	vor.u32 s20, v9;
	v55 =	vld.idx.msk [tilespmem:v52+s4+$0x0], $0xffff  }
0x48: {  	v56 =	vld.idx.msk [tilespmem:v54+s4+$0x0], $0xffff  }
0x49: {  	v57 =	vor.u32 s15, v2;
	[tilespmem:s1+$0x10] =	vst v36  }
0x4a: {  	v59 =	vor.u32 s15, v3;
	[tilespmem:s6+$0x10] =	vst v53  }
0x4b: {  	s3 =	simm.s32 $0x8180;
	v38 =	vld.idx.msk [tilespmem:v40+s4+$0x0], $0xffff  }
0x4c: {  	s9 =	simm.s32 $0xC180;
	[tilespmem:s3+$0xFFFFFF80] =	vst v55;
	v58 =	vld.idx.msk [tilespmem:v41+s4+$0x0], $0xffff  }
0x4d: {  	v42 =	vor.u32 s20, v10;
	[tilespmem:s9+$0xFFFFFF80] =	vst v56  }
0x4e: {  	v60 =	vor.u32 s20, v11;
	v37 =	vld.idx.msk [tilespmem:v57+s4+$0x0], $0xffff  }
0x4f: {  	v61 =	vld.idx.msk [tilespmem:v59+s4+$0x0], $0xffff  }
0x50: {  	v63 =	vor.u32 s15, v4;
	[tilespmem:s1+$0xFFFFFFA0] =	vst v38  }
0x51: {  	v45 =	vor.u32 s15, v5;
	[tilespmem:s6+$0xFFFFFFA0] =	vst v58  }
0x52: {  	v62 =	vld.idx.msk [tilespmem:v42+s4+$0x0], $0xffff  }
0x53: {  	[tilespmem:s3+$0x0] =	vst v37;
	v36 =	vld.idx.msk [tilespmem:v60+s4+$0x0], $0xffff  }
0x54: {  	v46 =	vor.u32 s20, v12;
	[tilespmem:s9+$0x0] =	vst v61  }
0x55: {  	v47 =	vor.u32 s20, v13;
	v38 =	vld.idx.msk [tilespmem:v63+s4+$0x0], $0xffff  }
0x56: {  	s25 =	simm.s32 $0x400;
	s8 =	simm.s32 $0x200;
	v48 =	vld.idx.msk [tilespmem:v45+s4+$0x0], $0xffff  }
0x57: {  	s8 =	sand.u32 $0x300, s8;
	s5 =	sand.u32 $0x1800, s25;
	v49 =	vor.u32 s15, v6;
	[tilespmem:s1+$0x20] =	vst v62  }
0x58: {  	s21 =	sor.u32 s8, s5;
	v50 =	vor.u32 s15, v7;
	[tilespmem:s6+$0x20] =	vst v36  }
0x59: {  	v53 =	vor.u32 s21, v0;
	v36 =	vld.idx.msk [tilespmem:v46+s4+$0x0], $0xffff  }
0x5a: {  	v55 =	vor.u32 s21, v1;
	[tilespmem:s3+$0xFFFFFF90] =	vst v38;
	v37 =	vld.idx.msk [tilespmem:v47+s4+$0x0], $0xffff  }
0x5b: {  	s26 =	sor.u32 $0x80, s20;
	v51 =	vor.u32 s20, v14;
	[tilespmem:s9+$0xFFFFFF90] =	vst v48  }
0x5c: {  	v52 =	vor.u32 s26, v15;
	v39 =	vld.idx.msk [tilespmem:v49+s4+$0x0], $0xffff  }
0x5d: {  	v54 =	vld.idx.msk [tilespmem:v50+s4+$0x0], $0xffff  }
0x5e: {  	v57 =	vor.u32 s15, v8;
	[tilespmem:s1+$0xFFFFFFB0] =	vst v36;
	v36 =	vld.idx.msk [tilespmem:v53+s4+$0x0], $0xffff  }
0x5f: {  	v43 =	vor.u32 s15, v9;
	[tilespmem:s6+$0xFFFFFFB0] =	vst v37;
	v37 =	vld.idx.msk [tilespmem:v55+s4+$0x0], $0xffff  }
0x60: {  	v59 =	vor.u32 s21, v2;
	v56 =	vld.idx.msk [tilespmem:v51+s4+$0x0], $0xffff  }
0x61: {  	v44 =	vor.u32 s20, v16;
	v61 =	vor.u32 s21, v3;
	[tilespmem:s3+$0x10] =	vst v39;
	v38 =	vld.idx.msk [tilespmem:v52+s4+$0x0], $0xffff  }
0x62: {  	v44 =	vand.u32 v17, v44;
	s23 =	simm.s32 $0x8280;
	[tilespmem:s9+$0x10] =	vst v54  }
0x63: {  	s24 =	simm.s32 $0xC280;
	v58 =	vor.u32 s20, v18;
	v40 =	vld.idx.msk [tilespmem:v57+s4+$0x0], $0xffff;
	[tilespmem:s23+$0xFFFFFF80] =	vst v36  }
0x64: {  	v60 =	vld.idx.msk [tilespmem:v43+s4+$0x0], $0xffff;
	[tilespmem:s24+$0xFFFFFF80] =	vst v37  }
0x65: {  	[tilespmem:s1+$0x30] =	vst v56;
	v41 =	vld.idx.msk [tilespmem:v59+s4+$0x0], $0xffff  }
0x66: {  	v63 =	vor.u32 s15, v10;
	v42 =	vld.idx.msk [tilespmem:v61+s4+$0x0], $0xffff;
	[tilespmem:s6+$0x30] =	vst v38  }
0x67: {  	v48 =	vor.u32 s15, v11;
	v62 =	vld.idx.msk [tilespmem:v44+s4+$0x0], $0xffff  }
0x68: {  	s30 =	simm.s32 $0x600;
	s12 =	simm.s32 $0x300;
	v51 =	vor.u32 s21, v4;
	[tilespmem:s3+$0xFFFFFFA0] =	vst v40;
	v39 =	vld.idx.msk [tilespmem:v58+s4+$0x0], $0xffff  }
0x69: {  	s31 =	sand.u32 $0x300, s12;
	s5 =	sand.u32 $0x1800, s30;
	v49 =	vor.u32 s20, v19;
	[tilespmem:s9+$0xFFFFFFA0] =	vst v60  }
0x6a: {  	s5 =	sor.u32 s31, s5;
	v50 =	vor.u32 s20, v20;
	[tilespmem:s23+$0x0] =	vst v41  }
0x6b: {  	v38 =	vld.idx.msk [tilespmem:v63+s4+$0x0], $0xffff;
	v63 =	vor.u32 s5, v0;
	[tilespmem:s24+$0x0] =	vst v42  }
0x6c: {  	v52 =	vor.u32 s21, v5;
	v36 =	vld.idx.msk [tilespmem:v48+s4+$0x0], $0xffff;
	[tilespmem:s1+$0xFFFFFFC0] =	vst v62  }
0x6d: {  	v53 =	vor.u32 s15, v12;
	v43 =	vld.idx.msk [tilespmem:v51+s4+$0x0], $0xffff;
	[tilespmem:s6+$0xFFFFFFC0] =	vst v39  }
0x6e: {  	v54 =	vor.u32 s15, v13;
	v37 =	vld.idx.msk [tilespmem:v49+s4+$0x0], $0xffff  }
0x6f: {  	v45 =	vor.u32 s20, v21;
	v48 =	vor.u32 s5, v1;
	v40 =	vld.idx.msk [tilespmem:v50+s4+$0x0], $0xffff  }
0x70: {  	v55 =	vand.u32 v22, v45;
	[tilespmem:s3+$0x20] =	vst v38;
	v51 =	vld.idx.msk [tilespmem:v63+s4+$0x0], $0xffff  }
0x71: {  	v56 =	vor.u32 s20, v23;
	[tilespmem:s9+$0x20] =	vst v36;
	v39 =	vld.idx.msk [tilespmem:v52+s4+$0x0], $0xffff  }
0x72: {  	v57 =	vor.u32 s21, v6;
	v36 =	vld.idx.msk [tilespmem:v53+s4+$0x0], $0xffff  }
0x73: {  	v58 =	vor.u32 s21, v7;
	v41 =	vld.idx.msk [tilespmem:v54+s4+$0x0], $0xffff;
	[tilespmem:s1+$0x40] =	vst v37  }
0x74: {  	v53 =	vld.idx.msk [tilespmem:v48+s4+$0x0], $0xffff;
	[tilespmem:s6+$0x40] =	vst v40  }
0x75: {  	s28 =	sor.u32 $0x80, s15;
	v59 =	vor.u32 s15, v14;
	[tilespmem:s23+$0xFFFFFF90] =	vst v43;
	v42 =	vld.idx.msk [tilespmem:v55+s4+$0x0], $0xffff  }
0x76: {  	s10 =	simm.s32 $0x8380;
	v60 =	vor.u32 s28, v15;
	[tilespmem:s24+$0xFFFFFF90] =	vst v39;
	v38 =	vld.idx.msk [tilespmem:v56+s4+$0x0], $0xffff  }
0x77: {  	v61 =	vor.u32 s20, v24;
	[tilespmem:s10+$0xFFFFFF80] =	vst v51;
	v37 =	vld.idx.msk [tilespmem:v57+s4+$0x0], $0xffff  }
0x78: {  	v62 =	vor.u32 s20, v25;
	[tilespmem:s3+$0xFFFFFFB0] =	vst v36;
	v40 =	vld.idx.msk [tilespmem:v58+s4+$0x0], $0xffff  }
0x79: {  	v50 =	vor.u32 s21, v9;
	[tilespmem:s9+$0xFFFFFFB0] =	vst v41  }
0x7a: {  	v49 =	vor.u32 s21, v8;
	v44 =	vld.idx.msk [tilespmem:v59+s4+$0x0], $0xffff;
	[tilespmem:s1+$0xFFFFFFD0] =	vst v42  }
0x7b: {  	v46 =	vor.u32 s15, v16;
	v43 =	vld.idx.msk [tilespmem:v60+s4+$0x0], $0xffff;
	v56 =	vor.u32 s5, v2;
	[tilespmem:s6+$0xFFFFFFD0] =	vst v38  }
0x7c: {  	v46 =	vand.u32 v17, v46;
	[tilespmem:s23+$0x10] =	vst v37;
	v39 =	vld.idx.msk [tilespmem:v61+s4+$0x0], $0xffff  }
0x7d: {  	s11 =	simm.s32 $0xC380;
	v47 =	vor.u32 s20, v26;
	v52 =	vor.u32 s15, v18;
	[tilespmem:s24+$0x10] =	vst v40;
	v36 =	vld.idx.msk [tilespmem:v62+s4+$0x0], $0xffff  }
0x7e: {  	v54 =	vand.u32 v27, v47;
	[tilespmem:s11+$0xFFFFFF80] =	vst v53;
	v45 =	vld.idx.msk [tilespmem:v50+s4+$0x0], $0xffff  }
0x7f: {  	v55 =	vor.u32 s20, v28;
	[tilespmem:s3+$0x30] =	vst v44;
	v38 =	vld.idx.msk [tilespmem:v49+s4+$0x0], $0xffff  }
0x80: {  	v57 =	vor.u32 s5, v3;
	[tilespmem:s9+$0x30] =	vst v43;
	v43 =	vld.idx.msk [tilespmem:v56+s4+$0x0], $0xffff  }
0x81: {  	v58 =	vor.u32 s21, v10;
	v46 =	vld.idx.msk [tilespmem:v46+s4+$0x0], $0xffff;
	[tilespmem:s1+$0x50] =	vst v39  }
0x82: {  	v60 =	vor.u32 s21, v11;
	v59 =	vld.idx.msk [tilespmem:v52+s4+$0x0], $0xffff;
	[tilespmem:s6+$0x50] =	vst v36  }
0x83: {  	v61 =	vor.u32 s15, v19;
	v48 =	vld.idx.msk [tilespmem:v54+s4+$0x0], $0xffff  }
0x84: {  	v62 =	vor.u32 s15, v20;
	[tilespmem:s23+$0xFFFFFFA0] =	vst v38;
	v44 =	vld.idx.msk [tilespmem:v55+s4+$0x0], $0xffff  }
0x85: {  	v50 =	vor.u32 s20, v29;
	v49 =	vld.idx.msk [tilespmem:v57+s4+$0x0], $0xffff;
	[tilespmem:s24+$0xFFFFFFA0] =	vst v45  }
0x86: {  	v51 =	vor.u32 s20, v30;
	[tilespmem:s3+$0xFFFFFFC0] =	vst v46;
	v41 =	vld.idx.msk [tilespmem:v58+s4+$0x0], $0xffff  }
0x87: {  	v46 =	vor.u32 s5, v4;
	[tilespmem:s9+$0xFFFFFFC0] =	vst v59;
	v42 =	vld.idx.msk [tilespmem:v60+s4+$0x0], $0xffff  }
0x88: {  	v45 =	vor.u32 s5, v5;
	v39 =	vld.idx.msk [tilespmem:v61+s4+$0x0], $0xffff;
	[tilespmem:s1+$0xFFFFFFE0] =	vst v48  }
0x89: {  	v36 =	vld.idx.msk [tilespmem:v62+s4+$0x0], $0xffff;
	[tilespmem:s6+$0xFFFFFFE0] =	vst v44;
	v44 =	vor.u32 s21, v12  }
0x8a: {  	v63 =	vor.u32 s15, v21;
	[tilespmem:s10+$0x0] =	vst v43;
	v43 =	vor.u32 s21, v13;
	v37 =	vld.idx.msk [tilespmem:v50+s4+$0x0], $0xffff  }
0x8b: {  	s13 =	simm.s32 $0x800;
	s8 =	sshll.u32 s7, $0xC;
	v40 =	vand.u32 v22, v63;
	[tilespmem:s11+$0x0] =	vst v49;
	v38 =	vld.idx.msk [tilespmem:v51+s4+$0x0], $0xffff  }
.LBB2_3:
0x8c: {  	p1 =	sne.s32 s13, $0x1E00;
	v46 =	vld.idx.msk [tilespmem:v46+s4+$0x0], $0xffff;
	[tilespmem:s23+$0x20] =	vst v41;
	v41 =	vor.u32 s15, v23;
	v47 =	vor.u32 s20, v31  }
0x8d: {  	v45 =	vld.idx.msk [tilespmem:v45+s4+$0x0], $0xffff;
	[tilespmem:s24+$0x20] =	vst v42;
	v42 =	vand.u32 v32, v47  }
0x8e: {  	v44 =	vld.idx.msk [tilespmem:v44+s4+$0x0], $0xffff;
	[tilespmem:s3+$0x40] =	vst v39;
	v39 =	vor.u32 s20, v33  }
0x8f: {  	v47 =	vor.u32 s5, v6;
	v43 =	vld.idx.msk [tilespmem:v43+s4+$0x0], $0xffff;
	[tilespmem:s9+$0x40] =	vst v36  }
0x90: {  	v36 =	vor.u32 s5, v7;
	v40 =	vld.idx.msk [tilespmem:v40+s4+$0x0], $0xffff;
	[tilespmem:s1+$0x60] =	vst v37  }
0x91: {  	s14 =	sor.u32 $0x80, s21;
	v37 =	vor.u32 s21, v14;
	v41 =	vld.idx.msk [tilespmem:v41+s4+$0x0], $0xffff;
	[tilespmem:s6+$0x60] =	vst v38  }
0x92: {  	v38 =	vor.u32 s14, v15;
	[tilespmem:s10+$0xFFFFFF90] =	vst v46;
	v42 =	vld.idx.msk [tilespmem:v42+s4+$0x0], $0xffff  }
0x93: {  	[tilespmem:s11+$0xFFFFFF90] =	vst v45;
	v45 =	vor.u32 s15, v24;
	v39 =	vld.idx.msk [tilespmem:v39+s4+$0x0], $0xffff  }
0x94: {  	s12 =	sadd.s32 $0x100, s12;
	v46 =	vld.idx.msk [tilespmem:v47+s4+$0x0], $0xffff;
	[tilespmem:s23+$0xFFFFFFB0] =	vst v44;
	v44 =	vor.u32 s15, v25  }
0x95: {  	s30 =	sand.u32 $0x1800, s13;
	s31 =	sand.u32 $0x300, s12;
	v36 =	vld.idx.msk [tilespmem:v36+s4+$0x0], $0xffff;
	[tilespmem:s24+$0xFFFFFFB0] =	vst v43;
	v43 =	vor.u32 s20, v34;
	s20 =	smov.u32 s15  }
0x96: {  	s30 =	sor.u32 s31, s30;
	v37 =	vld.idx.msk [tilespmem:v37+s4+$0x0], $0xffff;
	[tilespmem:s3+$0xFFFFFFD0] =	vst v40;
	v40 =	vor.u32 s26, v35;
	s26 =	smov.u32 s28;
	s28 =	smov.u32 s14  }
0x97: {  	v47 =	vor.u32 s30, v0;
	s15 =	smov.u32 s21;
	s21 =	smov.u32 s5;
	s5 =	smov.u32 s30;
	v38 =	vld.idx.msk [tilespmem:v38+s4+$0x0], $0xffff;
	[tilespmem:s9+$0xFFFFFFD0] =	vst v41  }
0x98: {  	v41 =	vor.u32 s5, v1;
	v45 =	vld.idx.msk [tilespmem:v45+s4+$0x0], $0xffff;
	[tilespmem:s1+$0xFFFFFFF0] =	vst v42  }
0x99: {  	v42 =	vor.u32 s21, v8;
	v44 =	vld.idx.msk [tilespmem:v44+s4+$0x0], $0xffff;
	[tilespmem:s6+$0xFFFFFFF0] =	vst v39  }
0x9a: {  	v39 =	vor.u32 s21, v9;
	[tilespmem:s10+$0x10] =	vst v46;
	v46 =	vor.u32 s15, v16;
	v43 =	vld.idx.msk [tilespmem:v43+s4+$0x0], $0xffff  }
0x9b: {  	[tilespmem:s11+$0x10] =	vst v36;
	v36 =	vand.u32 v17, v46;
	v40 =	vld.idx.msk [tilespmem:v40+s4+$0x0], $0xffff  }
0x9c: {  	v46 =	vld.idx.msk [tilespmem:v47+s4+$0x0], $0xffff;
	[tilespmem:s23+$0x30] =	vst v37;
	v37 =	vor.u32 s15, v18;
	v47 =	vor.u32 s20, v26  }
0x9d: {  	v41 =	vld.idx.msk [tilespmem:v41+s4+$0x0], $0xffff;
	[tilespmem:s24+$0x30] =	vst v38;
	v38 =	vand.u32 v27, v47  }
0x9e: {  	v42 =	vld.idx.msk [tilespmem:v42+s4+$0x0], $0xffff;
	[tilespmem:s3+$0x50] =	vst v45;
	v45 =	vor.u32 s20, v28  }
0x9f: {  	v47 =	vor.u32 s5, v2;
	v39 =	vld.idx.msk [tilespmem:v39+s4+$0x0], $0xffff;
	[tilespmem:s9+$0x50] =	vst v44  }
0xa0: {  	v44 =	vor.u32 s5, v3;
	v36 =	vld.idx.msk [tilespmem:v36+s4+$0x0], $0xffff;
	[tilespmem:s1+$0x70] =	vst v43;
	s1 =	smov.u32 s3;
	s3 =	smov.u32 s23;
	s23 =	smov.u32 s10  }
0xa1: {  	v43 =	vor.u32 s21, v10;
	s10 =	sadd.s32 $0x100, s10;
	v37 =	vld.idx.msk [tilespmem:v37+s4+$0x0], $0xffff;
	[tilespmem:s6+$0x70] =	vst v40;
	s6 =	smov.u32 s9;
	s9 =	smov.u32 s24  }
0xa2: {  	v40 =	vor.u32 s21, v11;
	s24 =	smov.u32 s11;
	s11 =	sadd.s32 $0x100, s11;
	[tilespmem:s10+$0xFFFFFF80] =	vst v46;
	v38 =	vld.idx.msk [tilespmem:v38+s4+$0x0], $0xffff  }
0xa3: {  	v48 =	vor.u32 s15, v19;
	[tilespmem:s11+$0xFFFFFF80] =	vst v41;
	v49 =	vld.idx.msk [tilespmem:v45+s4+$0x0], $0xffff  }
0xa4: {  	v50 =	vor.u32 s15, v20;
	v47 =	vld.idx.msk [tilespmem:v47+s4+$0x0], $0xffff;
	[tilespmem:s23+$0xFFFFFFA0] =	vst v42  }
0xa5: {  	v52 =	vor.u32 s20, v29;
	v51 =	vld.idx.msk [tilespmem:v44+s4+$0x0], $0xffff;
	[tilespmem:s24+$0xFFFFFFA0] =	vst v39  }
0xa6: {  	v53 =	vor.u32 s20, v30;
	v41 =	vld.idx.msk [tilespmem:v43+s4+$0x0], $0xffff;
	[tilespmem:s3+$0xFFFFFFC0] =	vst v36  }
.Ltmp0:
0xa7: {  	v46 =	vor.u32 s5, v4;
	v42 =	vld.idx.msk [tilespmem:v40+s4+$0x0], $0xffff;
	[tilespmem:s9+$0xFFFFFFC0] =	vst v37;
	(pc) =	sbr.rel @p1 .LBB2_3-.Ltmp0, $4  }
0xa8: {  	v45 =	vor.u32 s5, v5;
	v39 =	vld.idx.msk [tilespmem:v48+s4+$0x0], $0xffff;
	[tilespmem:s1+$0xFFFFFFE0] =	vst v38  }
0xa9: {  	v44 =	vor.u32 s21, v12;
	v36 =	vld.idx.msk [tilespmem:v50+s4+$0x0], $0xffff;
	[tilespmem:s6+$0xFFFFFFE0] =	vst v49  }
0xaa: {  	v43 =	vor.u32 s21, v13;
	v38 =	vor.u32 s15, v21;
	[tilespmem:s10+$0x0] =	vst v47;
	v37 =	vld.idx.msk [tilespmem:v52+s4+$0x0], $0xffff  }
0xab: {  	s13 =	sadd.s32 $0x200, s13;
	v40 =	vand.u32 v22, v38;
	[tilespmem:s11+$0x0] =	vst v51;
	v38 =	vld.idx.msk [tilespmem:v53+s4+$0x0], $0xffff  }
0xac: {  	_ =	sdelay $0x3  }
0xad: {  	v46 =	vld.idx.msk [tilespmem:v46+s4+$0x0], $0xffff  }
0xae: {  	v45 =	vld.idx.msk [tilespmem:v45+s4+$0x0], $0xffff  }
0xaf: {  	v47 =	vor.u32 s5, v6  }
0xb0: {  	v48 =	vor.u32 s5, v7;
	_ =	sdelay $0x1  }
0xb1: {  	[tilespmem:s10+$0xFFFFFF90] =	vst v46  }
0xb2: {  	[tilespmem:s11+$0xFFFFFF90] =	vst v45  }
0xb3: {  	v45 =	vld.idx.msk [tilespmem:v47+s4+$0x0], $0xffff  }
0xb4: {  	v46 =	vld.idx.msk [tilespmem:v48+s4+$0x0], $0xffff  }
0xb5: {  	v60 =	vor.u32 s5, v8  }
0xb6: {  	v61 =	vor.u32 s5, v9;
	_ =	sdelay $0x1  }
0xb7: {  	[tilespmem:s10+$0x10] =	vst v45  }
0xb8: {  	[tilespmem:s11+$0x10] =	vst v46  }
0xb9: {  	v45 =	vld.idx.msk [tilespmem:v60+s4+$0x0], $0xffff  }
0xba: {  	v46 =	vld.idx.msk [tilespmem:v61+s4+$0x0], $0xffff  }
0xbb: {  	v62 =	vor.u32 s5, v10  }
0xbc: {  	v63 =	vor.u32 s5, v11;
	_ =	sdelay $0x1  }
0xbd: {  	[tilespmem:s10+$0xFFFFFFA0] =	vst v45  }
0xbe: {  	[tilespmem:s11+$0xFFFFFFA0] =	vst v46  }
0xbf: {  	v45 =	vld.idx.msk [tilespmem:v62+s4+$0x0], $0xffff  }
0xc0: {  	v46 =	vld.idx.msk [tilespmem:v63+s4+$0x0], $0xffff  }
0xc1: {  	v48 =	vor.u32 s5, v12  }
0xc2: {  	[tilespmem:s23+$0x20] =	vst v41;
	v49 =	vor.u32 s5, v13  }
0xc3: {  	[tilespmem:s24+$0x20] =	vst v42  }
0xc4: {  	v42 =	vld.idx.msk [tilespmem:v44+s4+$0x0], $0xffff;
	[tilespmem:s10+$0x20] =	vst v45  }
0xc5: {  	v43 =	vld.idx.msk [tilespmem:v43+s4+$0x0], $0xffff;
	[tilespmem:s11+$0x20] =	vst v46  }
0xc6: {  	s13 =	sor.u32 $0x80, s21;
	v50 =	vor.u32 s21, v14;
	v45 =	vld.idx.msk [tilespmem:v48+s4+$0x0], $0xffff  }
0xc7: {  	v51 =	vor.u32 s13, v15;
	v41 =	vld.idx.msk [tilespmem:v49+s4+$0x0], $0xffff  }
0xc8: {  	s12 =	sor.u32 $0x80, s5;
	v52 =	vor.u32 s5, v14  }
0xc9: {  	v53 =	vor.u32 s12, v15;
	[tilespmem:s23+$0xFFFFFFB0] =	vst v42  }
0xca: {  	[tilespmem:s24+$0xFFFFFFB0] =	vst v43  }
0xcb: {  	v43 =	vld.idx.msk [tilespmem:v50+s4+$0x0], $0xffff;
	[tilespmem:s10+$0xFFFFFFB0] =	vst v45  }
0xcc: {  	v55 =	vor.u32 s21, v16;
	v54 =	vld.idx.msk [tilespmem:v51+s4+$0x0], $0xffff;
	[tilespmem:s11+$0xFFFFFFB0] =	vst v41  }
0xcd: {  	v56 =	vand.u32 v17, v55;
	v57 =	vld.idx.msk [tilespmem:v52+s4+$0x0], $0xffff  }
0xce: {  	v58 =	vor.u32 s21, v18;
	v59 =	vor.u32 s5, v16;
	v42 =	vld.idx.msk [tilespmem:v53+s4+$0x0], $0xffff  }
0xcf: {  	v47 =	vand.u32 v17, v59  }
0xd0: {  	[tilespmem:s23+$0x30] =	vst v43;
	v60 =	vor.u32 s5, v18  }
0xd1: {  	[tilespmem:s24+$0x30] =	vst v54  }
0xd2: {  	v41 =	vld.idx.msk [tilespmem:v56+s4+$0x0], $0xffff;
	[tilespmem:s10+$0x30] =	vst v57  }
0xd3: {  	v44 =	vld.idx.msk [tilespmem:v58+s4+$0x0], $0xffff;
	[tilespmem:s11+$0x30] =	vst v42  }
0xd4: {  	v61 =	vor.u32 s21, v19;
	v45 =	vld.idx.msk [tilespmem:v47+s4+$0x0], $0xffff  }
0xd5: {  	v62 =	vor.u32 s21, v20;
	v43 =	vld.idx.msk [tilespmem:v60+s4+$0x0], $0xffff  }
0xd6: {  	[tilespmem:s3+$0x40] =	vst v39;
	v63 =	vor.u32 s5, v19  }
0xd7: {  	v48 =	vor.u32 s5, v20;
	[tilespmem:s23+$0xFFFFFFC0] =	vst v41  }
0xd8: {  	[tilespmem:s24+$0xFFFFFFC0] =	vst v44  }
0xd9: {  	v49 =	vor.u32 s15, v23;
	v42 =	vld.idx.msk [tilespmem:v61+s4+$0x0], $0xffff;
	[tilespmem:s10+$0xFFFFFFC0] =	vst v45  }
0xda: {  	v59 =	vor.u32 s20, v33;
	v52 =	vor.u32 s21, v21;
	v46 =	vld.idx.msk [tilespmem:v62+s4+$0x0], $0xffff;
	[tilespmem:s11+$0xFFFFFFC0] =	vst v43  }
0xdb: {  	[tilespmem:s9+$0x40] =	vst v36;
	v53 =	vand.u32 v22, v52;
	v39 =	vld.idx.msk [tilespmem:v63+s4+$0x0], $0xffff  }
0xdc: {  	v55 =	vor.u32 s5, v21;
	[tilespmem:s1+$0x60] =	vst v37;
	v54 =	vor.u32 s21, v23;
	v41 =	vld.idx.msk [tilespmem:v48+s4+$0x0], $0xffff  }
0xdd: {  	v40 =	vld.idx.msk [tilespmem:v40+s4+$0x0], $0xffff;
	[tilespmem:s6+$0x60] =	vst v38;
	v56 =	vand.u32 v22, v55  }
0xde: {  	v50 =	vor.u32 s20, v31;
	v58 =	vor.u32 s5, v23;
	v57 =	vld.idx.msk [tilespmem:v49+s4+$0x0], $0xffff;
	[tilespmem:s23+$0x40] =	vst v42  }
0xdf: {  	v51 =	vand.u32 v32, v50;
	v44 =	vld.idx.msk [tilespmem:v59+s4+$0x0], $0xffff;
	[tilespmem:s24+$0x40] =	vst v46  }
0xe0: {  	v60 =	vor.u32 s15, v24;
	v36 =	vld.idx.msk [tilespmem:v53+s4+$0x0], $0xffff;
	[tilespmem:s10+$0x40] =	vst v39  }
0xe1: {  	v61 =	vor.u32 s15, v25;
	v37 =	vld.idx.msk [tilespmem:v54+s4+$0x0], $0xffff;
	[tilespmem:s11+$0x40] =	vst v41  }
0xe2: {  	v62 =	vor.u32 s21, v24;
	v38 =	vld.idx.msk [tilespmem:v56+s4+$0x0], $0xffff  }
0xe3: {  	[tilespmem:s3+$0xFFFFFFD0] =	vst v40;
	v63 =	vor.u32 s21, v25;
	v42 =	vld.idx.msk [tilespmem:v58+s4+$0x0], $0xffff  }
0xe4: {  	[tilespmem:s9+$0xFFFFFFD0] =	vst v57;
	v45 =	vld.idx.msk [tilespmem:v51+s4+$0x0], $0xffff;
	v48 =	vor.u32 s5, v24  }
0xe5: {  	v49 =	vor.u32 s5, v25;
	v46 =	vld.idx.msk [tilespmem:v60+s4+$0x0], $0xffff;
	[tilespmem:s23+$0xFFFFFFD0] =	vst v36  }
0xe6: {  	v50 =	vor.u32 s15, v26;
	v39 =	vld.idx.msk [tilespmem:v61+s4+$0x0], $0xffff;
	[tilespmem:s24+$0xFFFFFFD0] =	vst v37  }
0xe7: {  	v51 =	vand.u32 v27, v50;
	v41 =	vld.idx.msk [tilespmem:v62+s4+$0x0], $0xffff;
	[tilespmem:s10+$0xFFFFFFD0] =	vst v38  }
0xe8: {  	v52 =	vor.u32 s15, v28;
	v53 =	vor.u32 s21, v26;
	v40 =	vld.idx.msk [tilespmem:v63+s4+$0x0], $0xffff;
	[tilespmem:s11+$0xFFFFFFD0] =	vst v42  }
0xe9: {  	v54 =	vand.u32 v27, v53;
	[tilespmem:s1+$0xFFFFFFF0] =	vst v45;
	v43 =	vld.idx.msk [tilespmem:v48+s4+$0x0], $0xffff  }
0xea: {  	v55 =	vor.u32 s21, v28;
	[tilespmem:s3+$0x50] =	vst v46;
	v56 =	vor.u32 s5, v26;
	v36 =	vld.idx.msk [tilespmem:v49+s4+$0x0], $0xffff  }
0xeb: {  	v57 =	vand.u32 v27, v56;
	[tilespmem:s9+$0x50] =	vst v39  }
0xec: {  	v58 =	vor.u32 s5, v28;
	v37 =	vld.idx.msk [tilespmem:v51+s4+$0x0], $0xffff;
	[tilespmem:s23+$0x50] =	vst v41  }
0xed: {  	v59 =	vor.u32 s20, v34;
	v38 =	vld.idx.msk [tilespmem:v52+s4+$0x0], $0xffff;
	[tilespmem:s24+$0x50] =	vst v40  }
0xee: {  	v60 =	vor.u32 s15, v29;
	v42 =	vld.idx.msk [tilespmem:v54+s4+$0x0], $0xffff;
	[tilespmem:s10+$0x50] =	vst v43  }
0xef: {  	v61 =	vor.u32 s15, v30;
	v45 =	vld.idx.msk [tilespmem:v55+s4+$0x0], $0xffff;
	[tilespmem:s11+$0x50] =	vst v36  }
0xf0: {  	[tilespmem:s6+$0xFFFFFFF0] =	vst v44;
	v62 =	vor.u32 s21, v29;
	v39 =	vld.idx.msk [tilespmem:v57+s4+$0x0], $0xffff  }
0xf1: {  	v63 =	vor.u32 s21, v30;
	[tilespmem:s3+$0xFFFFFFE0] =	vst v37;
	v41 =	vld.idx.msk [tilespmem:v58+s4+$0x0], $0xffff  }
0xf2: {  	v44 =	vld.idx.msk [tilespmem:v59+s4+$0x0], $0xffff;
	v48 =	vor.u32 s5, v29;
	[tilespmem:s9+$0xFFFFFFE0] =	vst v38  }
0xf3: {  	v49 =	vor.u32 s5, v30;
	v40 =	vld.idx.msk [tilespmem:v60+s4+$0x0], $0xffff;
	[tilespmem:s23+$0xFFFFFFE0] =	vst v42  }
0xf4: {  	v50 =	vor.u32 s26, v35;
	v51 =	vor.u32 s15, v31;
	v43 =	vld.idx.msk [tilespmem:v61+s4+$0x0], $0xffff;
	[tilespmem:s24+$0xFFFFFFE0] =	vst v45  }
0xf5: {  	v52 =	vand.u32 v32, v51;
	v36 =	vld.idx.msk [tilespmem:v62+s4+$0x0], $0xffff;
	[tilespmem:s10+$0xFFFFFFE0] =	vst v39  }
0xf6: {  	v53 =	vor.u32 s15, v33;
	v54 =	vor.u32 s21, v31;
	v37 =	vld.idx.msk [tilespmem:v63+s4+$0x0], $0xffff;
	[tilespmem:s11+$0xFFFFFFE0] =	vst v41  }
0xf7: {  	v55 =	vand.u32 v32, v54;
	v38 =	vld.idx.msk [tilespmem:v48+s4+$0x0], $0xffff  }
0xf8: {  	v56 =	vor.u32 s21, v33;
	v57 =	vor.u32 s5, v31;
	[tilespmem:s3+$0x60] =	vst v40;
	v42 =	vld.idx.msk [tilespmem:v49+s4+$0x0], $0xffff  }
0xf9: {  	v46 =	vld.idx.msk [tilespmem:v50+s4+$0x0], $0xffff;
	v58 =	vand.u32 v32, v57;
	[tilespmem:s9+$0x60] =	vst v43  }
0xfa: {  	v59 =	vor.u32 s5, v33;
	v45 =	vld.idx.msk [tilespmem:v52+s4+$0x0], $0xffff;
	[tilespmem:s23+$0x60] =	vst v36  }
0xfb: {  	v39 =	vld.idx.msk [tilespmem:v53+s4+$0x0], $0xffff;
	[tilespmem:s24+$0x60] =	vst v37  }
0xfc: {  	v60 =	vor.u32 s15, v34;
	v41 =	vld.idx.msk [tilespmem:v55+s4+$0x0], $0xffff;
	[tilespmem:s10+$0x60] =	vst v38  }
0xfd: {  	v61 =	vor.u32 s28, v35;
	v40 =	vld.idx.msk [tilespmem:v56+s4+$0x0], $0xffff;
	[tilespmem:s11+$0x60] =	vst v42  }
0xfe: {  	[tilespmem:s1+$0x70] =	vst v44;
	v62 =	vor.u32 s21, v34;
	v43 =	vld.idx.msk [tilespmem:v58+s4+$0x0], $0xffff  }
0xff: {  	v63 =	vor.u32 s13, v35;
	[tilespmem:s3+$0xFFFFFFF0] =	vst v45;
	v36 =	vld.idx.msk [tilespmem:v59+s4+$0x0], $0xffff  }
0x100: {  	v48 =	vor.u32 s5, v34;
	[tilespmem:s9+$0xFFFFFFF0] =	vst v39  }
0x101: {  	v49 =	vor.u32 s12, v35;
	v37 =	vld.idx.msk [tilespmem:v60+s4+$0x0], $0xffff;
	[tilespmem:s23+$0xFFFFFFF0] =	vst v41  }
0x102: {  	v38 =	vld.idx.msk [tilespmem:v61+s4+$0x0], $0xffff;
	[tilespmem:s24+$0xFFFFFFF0] =	vst v40  }
0x103: {  	v40 =	vld.idx.msk [tilespmem:v62+s4+$0x0], $0xffff;
	[tilespmem:s10+$0xFFFFFFF0] =	vst v43  }
0x104: {  	v50 =	vld.idx.msk [tilespmem:v63+s4+$0x0], $0xffff;
	[tilespmem:s11+$0xFFFFFFF0] =	vst v36  }
0x105: {  	[tilespmem:s6+$0x70] =	vst v46;
	v36 =	vld.idx.msk [tilespmem:v48+s4+$0x0], $0xffff  }
0x106: {  	[tilespmem:s3+$0x70] =	vst v37;
	v51 =	vld.idx.msk [tilespmem:v49+s4+$0x0], $0xffff  }
0x107: {  	[tilespmem:s9+$0x70] =	vst v38  }
0x108: {  	[tilespmem:s23+$0x70] =	vst v40  }
0x109: {  	[tilespmem:s24+$0x70] =	vst v50  }
0x10a: {  	[tilespmem:s10+$0x70] =	vst v36  }
0x10b: {  	[tilespmem:s11+$0x70] =	vst v51  }
0x10c: {  	s1 =	rddreg [dreg:$0x9]  }
0x10d: {  	p1 =	seq.s32 s7, $0x3F;
	s22 =	sshll.u32 s7, $0xB;
	s23 =	rddreg [dreg:$0xa]  }
0x10e: {  	s3 =	simm.s32 @!p1 $0x0;
	s1 =	sadd.s32 @!p1 s8, s1;
	s15 =	sadd.s32 s23, s22  }
0x10f: {  	[tilespmem:s3], [sflag:$0x1] =	stream.linear.gather @!p1 [hbm4b:s1+s3], $0x2000, $0x38;
	[tilespmem:$0x10000] =	vst v63  }
0x110: {  	s24 =	simm.s32 $0x8000;
	s1 =	sadd.s32 s0, s15  }
0x111: {  	[hbm4b:s1+s4] =	stream.linear.scatter [tilespmem:s24], [sflag:$0x5], $0x1000, $0x38;
	[tilespmem:$0x10000] =	vst v63  }
0x112: {  	s26 =	simm.s32 $0xC000;
	s5 =	simm.s32 $0x2;
	s25 =	sadd.s32 s2, s15  }
0x113: {  	[hbm4b:s25+s4] =	stream.linear.scatter [tilespmem:s26], [sflag:$0x9], $0x1000, $0x38;
	[tilespmem:$0x10000] =	vst v63  }
0x114: {  	s6 =	simm.s32 $0x0;
	_ =	swait.ge [sflag:s5], $0x2000  }
0x115: {  	s9 =	sand.u32 $0x1800, s6;
	[sflag:s5] =	ssyncset.done $0x0  }
0x116: {  	s3 =	simm.s32 @!p0 $0x6;
	s1 =	sand.u32 $0x300, s6;
	[sflag:s5] =	ssyncadd.s32 $0xFFFFE000  }
0x117: {  	s23 =	sor.u32 s1, s9;
	_ =	swait.ge @!p0 [sflag:s3], $0x1000  }
0x118: {  	v52 =	vor.u32 s23, v0;
	[sflag:s3] =	ssyncset.done @!p0 $0x0  }
0x119: {  	s1 =	simm.s32 @!p0 $0xA;
	v53 =	vor.u32 s23, v1;
	[sflag:s3] =	ssyncadd.s32 @!p0 $0xFFFFF000  }
0x11a: {  	_ =	swait.ge @!p0 [sflag:s1], $0x1000  }
0x11b: {  	[sflag:s1] =	ssyncset.done @!p0 $0x0  }
0x11c: {  	[sflag:s1] =	ssyncadd.s32 @!p0 $0xFFFFF000  }
0x11d: {  	v36 =	vld.idx.msk [tilespmem:v52+s16+$0x0], $0xffff  }
0x11e: {  	v37 =	vld.idx.msk [tilespmem:v53+s16+$0x0], $0xffff  }
0x11f: {  	v54 =	vor.u32 s23, v2  }
0x120: {  	v55 =	vor.u32 s23, v3  }
0x121: {  	s1 =	simm.s32 $0x9080  }
0x122: {  	s6 =	simm.s32 $0xD080;
	[tilespmem:s1+$0xFFFFFF80] =	vst v36  }
0x123: {  	[tilespmem:s6+$0xFFFFFF80] =	vst v37  }
0x124: {  	v36 =	vld.idx.msk [tilespmem:v54+s16+$0x0], $0xffff  }
0x125: {  	v37 =	vld.idx.msk [tilespmem:v55+s16+$0x0], $0xffff  }
0x126: {  	v56 =	vor.u32 s23, v4  }
0x127: {  	v57 =	vor.u32 s23, v5;
	_ =	sdelay $0x1  }
0x128: {  	[tilespmem:s1+$0x0] =	vst v36  }
0x129: {  	[tilespmem:s6+$0x0] =	vst v37  }
0x12a: {  	v36 =	vld.idx.msk [tilespmem:v56+s16+$0x0], $0xffff  }
0x12b: {  	v37 =	vld.idx.msk [tilespmem:v57+s16+$0x0], $0xffff  }
0x12c: {  	v58 =	vor.u32 s23, v6  }
0x12d: {  	s10 =	simm.s32 $0x200;
	s11 =	simm.s32 $0x100;
	v59 =	vor.u32 s23, v7  }
0x12e: {  	s5 =	sand.u32 $0x300, s11;
	s3 =	sand.u32 $0x1800, s10  }
0x12f: {  	s21 =	sor.u32 s5, s3;
	[tilespmem:s1+$0xFFFFFF90] =	vst v36  }
0x130: {  	v60 =	vor.u32 s21, v0;
	[tilespmem:s6+$0xFFFFFF90] =	vst v37  }
0x131: {  	v62 =	vor.u32 s21, v1;
	v36 =	vld.idx.msk [tilespmem:v58+s16+$0x0], $0xffff  }
0x132: {  	v61 =	vld.idx.msk [tilespmem:v59+s16+$0x0], $0xffff  }
0x133: {  	v63 =	vor.u32 s23, v8  }
0x134: {  	v44 =	vor.u32 s23, v9  }
0x135: {  	v45 =	vld.idx.msk [tilespmem:v60+s16+$0x0], $0xffff  }
0x136: {  	v46 =	vld.idx.msk [tilespmem:v62+s16+$0x0], $0xffff;
	[tilespmem:s1+$0x10] =	vst v36  }
0x137: {  	v47 =	vor.u32 s21, v2;
	[tilespmem:s6+$0x10] =	vst v61  }
0x138: {  	v49 =	vor.u32 s21, v3;
	v38 =	vld.idx.msk [tilespmem:v63+s16+$0x0], $0xffff  }
0x139: {  	s3 =	simm.s32 $0x9180;
	v48 =	vld.idx.msk [tilespmem:v44+s16+$0x0], $0xffff  }
0x13a: {  	s20 =	simm.s32 $0xD180;
	v50 =	vor.u32 s23, v10;
	[tilespmem:s3+$0xFFFFFF80] =	vst v45  }
0x13b: {  	v51 =	vor.u32 s23, v11;
	[tilespmem:s20+$0xFFFFFF80] =	vst v46  }
0x13c: {  	v37 =	vld.idx.msk [tilespmem:v47+s16+$0x0], $0xffff  }
0x13d: {  	v52 =	vld.idx.msk [tilespmem:v49+s16+$0x0], $0xffff;
	[tilespmem:s1+$0xFFFFFFA0] =	vst v38  }
0x13e: {  	v54 =	vor.u32 s21, v4;
	[tilespmem:s6+$0xFFFFFFA0] =	vst v48  }
0x13f: {  	v55 =	vor.u32 s21, v5;
	v53 =	vld.idx.msk [tilespmem:v50+s16+$0x0], $0xffff  }
0x140: {  	v36 =	vld.idx.msk [tilespmem:v51+s16+$0x0], $0xffff  }
0x141: {  	v56 =	vor.u32 s23, v12;
	[tilespmem:s3+$0x0] =	vst v37  }
0x142: {  	v57 =	vor.u32 s23, v13;
	[tilespmem:s20+$0x0] =	vst v52  }
0x143: {  	v38 =	vld.idx.msk [tilespmem:v54+s16+$0x0], $0xffff  }
0x144: {  	v58 =	vld.idx.msk [tilespmem:v55+s16+$0x0], $0xffff;
	[tilespmem:s1+$0x20] =	vst v53  }
0x145: {  	v59 =	vor.u32 s21, v6;
	[tilespmem:s6+$0x20] =	vst v36  }
0x146: {  	v60 =	vor.u32 s21, v7;
	v36 =	vld.idx.msk [tilespmem:v56+s16+$0x0], $0xffff  }
0x147: {  	s13 =	simm.s32 $0x200;
	s12 =	simm.s32 $0x400;
	v37 =	vld.idx.msk [tilespmem:v57+s16+$0x0], $0xffff  }
0x148: {  	s9 =	sand.u32 $0x300, s13;
	s30 =	sor.u32 $0x80, s23;
	s5 =	sand.u32 $0x1800, s12;
	v61 =	vor.u32 s23, v14;
	[tilespmem:s3+$0xFFFFFF90] =	vst v38  }
0x149: {  	s24 =	sor.u32 s9, s5;
	v62 =	vor.u32 s30, v15;
	[tilespmem:s20+$0xFFFFFF90] =	vst v58  }
0x14a: {  	v63 =	vor.u32 s24, v0;
	v39 =	vld.idx.msk [tilespmem:v59+s16+$0x0], $0xffff  }
0x14b: {  	v49 =	vor.u32 s24, v1;
	v48 =	vld.idx.msk [tilespmem:v60+s16+$0x0], $0xffff;
	[tilespmem:s1+$0xFFFFFFB0] =	vst v36  }
0x14c: {  	v51 =	vor.u32 s21, v8;
	[tilespmem:s6+$0xFFFFFFB0] =	vst v37  }
0x14d: {  	v52 =	vor.u32 s21, v9;
	v50 =	vld.idx.msk [tilespmem:v61+s16+$0x0], $0xffff  }
0x14e: {  	v53 =	vor.u32 s23, v16;
	v38 =	vld.idx.msk [tilespmem:v62+s16+$0x0], $0xffff  }
0x14f: {  	v44 =	vand.u32 v17, v53;
	[tilespmem:s3+$0x10] =	vst v39;
	v36 =	vld.idx.msk [tilespmem:v63+s16+$0x0], $0xffff  }
0x150: {  	v54 =	vor.u32 s23, v18;
	[tilespmem:s20+$0x10] =	vst v48;
	v37 =	vld.idx.msk [tilespmem:v49+s16+$0x0], $0xffff  }
0x151: {  	v55 =	vor.u32 s24, v2;
	v40 =	vld.idx.msk [tilespmem:v51+s16+$0x0], $0xffff  }
0x152: {  	v57 =	vor.u32 s24, v3;
	v56 =	vld.idx.msk [tilespmem:v52+s16+$0x0], $0xffff;
	[tilespmem:s1+$0x30] =	vst v50  }
0x153: {  	s26 =	simm.s32 $0x9280;
	v59 =	vor.u32 s21, v10;
	[tilespmem:s6+$0x30] =	vst v38  }
0x154: {  	s28 =	simm.s32 $0xD280;
	v60 =	vor.u32 s21, v11;
	[tilespmem:s26+$0xFFFFFF80] =	vst v36;
	v58 =	vld.idx.msk [tilespmem:v44+s16+$0x0], $0xffff  }
0x155: {  	[tilespmem:s28+$0xFFFFFF80] =	vst v37;
	v39 =	vld.idx.msk [tilespmem:v54+s16+$0x0], $0xffff  }
0x156: {  	v61 =	vor.u32 s23, v19;
	[tilespmem:s3+$0xFFFFFFA0] =	vst v40;
	v41 =	vld.idx.msk [tilespmem:v55+s16+$0x0], $0xffff  }
0x157: {  	v62 =	vor.u32 s23, v20;
	[tilespmem:s20+$0xFFFFFFA0] =	vst v56;
	v42 =	vld.idx.msk [tilespmem:v57+s16+$0x0], $0xffff  }
0x158: {  	v63 =	vor.u32 s24, v4;
	v38 =	vld.idx.msk [tilespmem:v59+s16+$0x0], $0xffff  }
0x159: {  	v48 =	vor.u32 s24, v5;
	v36 =	vld.idx.msk [tilespmem:v60+s16+$0x0], $0xffff;
	[tilespmem:s1+$0xFFFFFFC0] =	vst v58  }
0x15a: {  	v49 =	vor.u32 s21, v12;
	[tilespmem:s6+$0xFFFFFFC0] =	vst v39  }
0x15b: {  	v50 =	vor.u32 s21, v13;
	[tilespmem:s26+$0x0] =	vst v41;
	v37 =	vld.idx.msk [tilespmem:v61+s16+$0x0], $0xffff  }
0x15c: {  	v51 =	vor.u32 s23, v21;
	[tilespmem:s28+$0x0] =	vst v42;
	v40 =	vld.idx.msk [tilespmem:v62+s16+$0x0], $0xffff  }
0x15d: {  	v52 =	vand.u32 v22, v51;
	[tilespmem:s3+$0x20] =	vst v38;
	v43 =	vld.idx.msk [tilespmem:v63+s16+$0x0], $0xffff  }
0x15e: {  	v53 =	vor.u32 s23, v23;
	[tilespmem:s20+$0x20] =	vst v36;
	v39 =	vld.idx.msk [tilespmem:v48+s16+$0x0], $0xffff  }
0x15f: {  	v54 =	vor.u32 s24, v6;
	v36 =	vld.idx.msk [tilespmem:v49+s16+$0x0], $0xffff  }
0x160: {  	s14 =	simm.s32 $0x600;
	s13 =	simm.s32 $0x300;
	v55 =	vor.u32 s24, v7;
	v41 =	vld.idx.msk [tilespmem:v50+s16+$0x0], $0xffff;
	[tilespmem:s1+$0x40] =	vst v37  }
0x161: {  	s19 =	sand.u32 $0x300, s13;
	s31 =	sor.u32 $0x80, s21;
	s5 =	sand.u32 $0x1800, s14;
	v56 =	vor.u32 s21, v14;
	[tilespmem:s6+$0x40] =	vst v40  }
0x162: {  	s5 =	sor.u32 s19, s5;
	v57 =	vor.u32 s31, v15;
	[tilespmem:s26+$0xFFFFFF90] =	vst v43;
	v42 =	vld.idx.msk [tilespmem:v52+s16+$0x0], $0xffff  }
0x163: {  	v60 =	vor.u32 s5, v0;
	[tilespmem:s28+$0xFFFFFF90] =	vst v39;
	v38 =	vld.idx.msk [tilespmem:v53+s16+$0x0], $0xffff  }
0x164: {  	v58 =	vor.u32 s23, v24;
	[tilespmem:s3+$0xFFFFFFB0] =	vst v36;
	v37 =	vld.idx.msk [tilespmem:v54+s16+$0x0], $0xffff  }
0x165: {  	v59 =	vor.u32 s23, v25;
	[tilespmem:s20+$0xFFFFFFB0] =	vst v41;
	v40 =	vld.idx.msk [tilespmem:v55+s16+$0x0], $0xffff  }
0x166: {  	v61 =	vor.u32 s5, v1;
	v44 =	vld.idx.msk [tilespmem:v56+s16+$0x0], $0xffff  }
0x167: {  	v48 =	vor.u32 s21, v16;
	v62 =	vor.u32 s24, v8;
	v43 =	vld.idx.msk [tilespmem:v57+s16+$0x0], $0xffff;
	[tilespmem:s1+$0xFFFFFFD0] =	vst v42  }
0x168: {  	v49 =	vld.idx.msk [tilespmem:v60+s16+$0x0], $0xffff;
	v46 =	vand.u32 v17, v48;
	[tilespmem:s6+$0xFFFFFFD0] =	vst v38  }
0x169: {  	v63 =	vor.u32 s24, v9;
	[tilespmem:s26+$0x10] =	vst v37;
	v39 =	vld.idx.msk [tilespmem:v58+s16+$0x0], $0xffff  }
0x16a: {  	v51 =	vor.u32 s23, v26;
	v50 =	vor.u32 s21, v18;
	[tilespmem:s28+$0x10] =	vst v40;
	v36 =	vld.idx.msk [tilespmem:v59+s16+$0x0], $0xffff  }
0x16b: {  	v52 =	vld.idx.msk [tilespmem:v61+s16+$0x0], $0xffff;
	v53 =	vand.u32 v27, v51;
	[tilespmem:s3+$0x30] =	vst v44  }
0x16c: {  	s10 =	simm.s32 $0x9380;
	v54 =	vor.u32 s23, v28;
	[tilespmem:s20+$0x30] =	vst v43;
	v38 =	vld.idx.msk [tilespmem:v62+s16+$0x0], $0xffff  }
0x16d: {  	v55 =	vor.u32 s5, v2;
	[tilespmem:s10+$0xFFFFFF80] =	vst v49;
	v46 =	vld.idx.msk [tilespmem:v46+s16+$0x0], $0xffff  }
0x16e: {  	v56 =	vor.u32 s5, v3;
	v45 =	vld.idx.msk [tilespmem:v63+s16+$0x0], $0xffff;
	[tilespmem:s1+$0x50] =	vst v39  }
0x16f: {  	s11 =	simm.s32 $0xD380;
	v57 =	vor.u32 s24, v10;
	v58 =	vld.idx.msk [tilespmem:v50+s16+$0x0], $0xffff;
	[tilespmem:s6+$0x50] =	vst v36  }
0x170: {  	[tilespmem:s11+$0xFFFFFF80] =	vst v52;
	v59 =	vor.u32 s24, v11;
	v60 =	vld.idx.msk [tilespmem:v53+s16+$0x0], $0xffff  }
0x171: {  	v61 =	vor.u32 s21, v19;
	[tilespmem:s26+$0xFFFFFFA0] =	vst v38;
	v44 =	vld.idx.msk [tilespmem:v54+s16+$0x0], $0xffff  }
0x172: {  	v43 =	vld.idx.msk [tilespmem:v55+s16+$0x0], $0xffff;
	v62 =	vor.u32 s21, v20;
	[tilespmem:s3+$0xFFFFFFC0] =	vst v46  }
0x173: {  	v49 =	vld.idx.msk [tilespmem:v56+s16+$0x0], $0xffff;
	v50 =	vor.u32 s23, v29;
	[tilespmem:s28+$0xFFFFFFA0] =	vst v45  }
0x174: {  	v51 =	vor.u32 s23, v30;
	[tilespmem:s20+$0xFFFFFFC0] =	vst v58;
	v41 =	vld.idx.msk [tilespmem:v57+s16+$0x0], $0xffff  }
0x175: {  	v46 =	vor.u32 s5, v4;
	v42 =	vld.idx.msk [tilespmem:v59+s16+$0x0], $0xffff;
	[tilespmem:s1+$0xFFFFFFE0] =	vst v60  }
0x176: {  	v45 =	vor.u32 s5, v5;
	v39 =	vld.idx.msk [tilespmem:v61+s16+$0x0], $0xffff;
	[tilespmem:s6+$0xFFFFFFE0] =	vst v44  }
0x177: {  	s22 =	sshll.u32 s7, $0x7;
	v36 =	vld.idx.msk [tilespmem:v62+s16+$0x0], $0xffff;
	v44 =	vor.u32 s24, v12;
	s25 =	rddreg [dreg:$0x4]  }
0x178: {  	v63 =	vor.u32 s21, v21;
	[tilespmem:s10+$0x0] =	vst v43;
	v37 =	vld.idx.msk [tilespmem:v50+s16+$0x0], $0xffff;
	v43 =	vor.u32 s24, v13;
	s9 =	sadd.s32 s22, s25  }
0x179: {  	s14 =	simm.s32 $0x800;
	v40 =	vand.u32 v22, v63;
	v38 =	vld.idx.msk [tilespmem:v51+s16+$0x0], $0xffff;
	[tilespmem:s11+$0x0] =	vst v49;
	s12 =	sadd.s32 $0x20, s9  }
.LBB2_5:
0x17a: {  	p2 =	sne.s32 s14, $0x1E00;
	v46 =	vld.idx.msk [tilespmem:v46+s16+$0x0], $0xffff;
	[tilespmem:s26+$0x20] =	vst v41;
	v41 =	vor.u32 s21, v23;
	v47 =	vor.u32 s23, v31  }
0x17b: {  	v45 =	vld.idx.msk [tilespmem:v45+s16+$0x0], $0xffff;
	[tilespmem:s28+$0x20] =	vst v42;
	v42 =	vand.u32 v32, v47  }
0x17c: {  	v44 =	vld.idx.msk [tilespmem:v44+s16+$0x0], $0xffff;
	[tilespmem:s3+$0x40] =	vst v39;
	v39 =	vor.u32 s23, v33  }
0x17d: {  	v47 =	vor.u32 s5, v6;
	v43 =	vld.idx.msk [tilespmem:v43+s16+$0x0], $0xffff;
	[tilespmem:s20+$0x40] =	vst v36  }
0x17e: {  	v36 =	vor.u32 s5, v7;
	v40 =	vld.idx.msk [tilespmem:v40+s16+$0x0], $0xffff;
	[tilespmem:s1+$0x60] =	vst v37  }
0x17f: {  	s19 =	sor.u32 $0x80, s24;
	v37 =	vor.u32 s24, v14;
	v41 =	vld.idx.msk [tilespmem:v41+s16+$0x0], $0xffff;
	[tilespmem:s6+$0x60] =	vst v38  }
0x180: {  	v38 =	vor.u32 s19, v15;
	[tilespmem:s10+$0xFFFFFF90] =	vst v46;
	v42 =	vld.idx.msk [tilespmem:v42+s16+$0x0], $0xffff  }
0x181: {  	[tilespmem:s11+$0xFFFFFF90] =	vst v45;
	v45 =	vor.u32 s21, v24;
	v39 =	vld.idx.msk [tilespmem:v39+s16+$0x0], $0xffff  }
0x182: {  	s13 =	sadd.s32 $0x100, s13;
	v46 =	vld.idx.msk [tilespmem:v47+s16+$0x0], $0xffff;
	[tilespmem:s26+$0xFFFFFFB0] =	vst v44;
	v44 =	vor.u32 s21, v25  }
0x183: {  	s22 =	sand.u32 $0x1800, s14;
	s25 =	sand.u32 $0x300, s13;
	v36 =	vld.idx.msk [tilespmem:v36+s16+$0x0], $0xffff;
	[tilespmem:s28+$0xFFFFFFB0] =	vst v43;
	v43 =	vor.u32 s23, v34;
	s23 =	smov.u32 s21  }
0x184: {  	s22 =	sor.u32 s25, s22;
	v37 =	vld.idx.msk [tilespmem:v37+s16+$0x0], $0xffff;
	[tilespmem:s3+$0xFFFFFFD0] =	vst v40;
	v40 =	vor.u32 s30, v35;
	s30 =	smov.u32 s31;
	s31 =	smov.u32 s19  }
0x185: {  	v47 =	vor.u32 s22, v0;
	s21 =	smov.u32 s24;
	s24 =	smov.u32 s5;
	s5 =	smov.u32 s22;
	v38 =	vld.idx.msk [tilespmem:v38+s16+$0x0], $0xffff;
	[tilespmem:s20+$0xFFFFFFD0] =	vst v41  }
0x186: {  	v41 =	vor.u32 s5, v1;
	v45 =	vld.idx.msk [tilespmem:v45+s16+$0x0], $0xffff;
	[tilespmem:s1+$0xFFFFFFF0] =	vst v42  }
0x187: {  	v42 =	vor.u32 s24, v8;
	v44 =	vld.idx.msk [tilespmem:v44+s16+$0x0], $0xffff;
	[tilespmem:s6+$0xFFFFFFF0] =	vst v39  }
0x188: {  	v39 =	vor.u32 s24, v9;
	[tilespmem:s10+$0x10] =	vst v46;
	v46 =	vor.u32 s21, v16;
	v43 =	vld.idx.msk [tilespmem:v43+s16+$0x0], $0xffff  }
0x189: {  	[tilespmem:s11+$0x10] =	vst v36;
	v36 =	vand.u32 v17, v46;
	v40 =	vld.idx.msk [tilespmem:v40+s16+$0x0], $0xffff  }
0x18a: {  	v46 =	vld.idx.msk [tilespmem:v47+s16+$0x0], $0xffff;
	[tilespmem:s26+$0x30] =	vst v37;
	v37 =	vor.u32 s21, v18;
	v47 =	vor.u32 s23, v26  }
0x18b: {  	v41 =	vld.idx.msk [tilespmem:v41+s16+$0x0], $0xffff;
	[tilespmem:s28+$0x30] =	vst v38;
	v38 =	vand.u32 v27, v47  }
0x18c: {  	v42 =	vld.idx.msk [tilespmem:v42+s16+$0x0], $0xffff;
	[tilespmem:s3+$0x50] =	vst v45;
	v45 =	vor.u32 s23, v28  }
0x18d: {  	v47 =	vor.u32 s5, v2;
	v39 =	vld.idx.msk [tilespmem:v39+s16+$0x0], $0xffff;
	[tilespmem:s20+$0x50] =	vst v44  }
0x18e: {  	v44 =	vor.u32 s5, v3;
	v36 =	vld.idx.msk [tilespmem:v36+s16+$0x0], $0xffff;
	[tilespmem:s1+$0x70] =	vst v43;
	s1 =	smov.u32 s3;
	s3 =	smov.u32 s26;
	s26 =	smov.u32 s10  }
0x18f: {  	v43 =	vor.u32 s24, v10;
	s10 =	sadd.s32 $0x100, s10;
	v37 =	vld.idx.msk [tilespmem:v37+s16+$0x0], $0xffff;
	[tilespmem:s6+$0x70] =	vst v40;
	s6 =	smov.u32 s20;
	s20 =	smov.u32 s28  }
0x190: {  	v40 =	vor.u32 s24, v11;
	s28 =	smov.u32 s11;
	s11 =	sadd.s32 $0x100, s11;
	[tilespmem:s10+$0xFFFFFF80] =	vst v46;
	v38 =	vld.idx.msk [tilespmem:v38+s16+$0x0], $0xffff  }
0x191: {  	v48 =	vor.u32 s21, v19;
	[tilespmem:s11+$0xFFFFFF80] =	vst v41;
	v49 =	vld.idx.msk [tilespmem:v45+s16+$0x0], $0xffff  }
0x192: {  	v50 =	vor.u32 s21, v20;
	v47 =	vld.idx.msk [tilespmem:v47+s16+$0x0], $0xffff;
	[tilespmem:s26+$0xFFFFFFA0] =	vst v42  }
0x193: {  	v52 =	vor.u32 s23, v29;
	v51 =	vld.idx.msk [tilespmem:v44+s16+$0x0], $0xffff;
	[tilespmem:s28+$0xFFFFFFA0] =	vst v39  }
0x194: {  	v53 =	vor.u32 s23, v30;
	v41 =	vld.idx.msk [tilespmem:v43+s16+$0x0], $0xffff;
	[tilespmem:s3+$0xFFFFFFC0] =	vst v36  }
.Ltmp1:
0x195: {  	v46 =	vor.u32 s5, v4;
	v42 =	vld.idx.msk [tilespmem:v40+s16+$0x0], $0xffff;
	[tilespmem:s20+$0xFFFFFFC0] =	vst v37;
	(pc) =	sbr.rel @p2 .LBB2_5-.Ltmp1, $4  }
0x196: {  	v45 =	vor.u32 s5, v5;
	v39 =	vld.idx.msk [tilespmem:v48+s16+$0x0], $0xffff;
	[tilespmem:s1+$0xFFFFFFE0] =	vst v38  }
0x197: {  	v44 =	vor.u32 s24, v12;
	v36 =	vld.idx.msk [tilespmem:v50+s16+$0x0], $0xffff;
	[tilespmem:s6+$0xFFFFFFE0] =	vst v49  }
0x198: {  	v43 =	vor.u32 s24, v13;
	v38 =	vor.u32 s21, v21;
	[tilespmem:s10+$0x0] =	vst v47;
	v37 =	vld.idx.msk [tilespmem:v52+s16+$0x0], $0xffff  }
0x199: {  	s14 =	sadd.s32 $0x200, s14;
	v40 =	vand.u32 v22, v38;
	[tilespmem:s11+$0x0] =	vst v51;
	v38 =	vld.idx.msk [tilespmem:v53+s16+$0x0], $0xffff  }
0x19a: {  	_ =	sdelay $0x3  }
0x19b: {  	v46 =	vld.idx.msk [tilespmem:v46+s16+$0x0], $0xffff  }
0x19c: {  	v45 =	vld.idx.msk [tilespmem:v45+s16+$0x0], $0xffff  }
0x19d: {  	v47 =	vor.u32 s5, v6  }
0x19e: {  	v48 =	vor.u32 s5, v7;
	_ =	sdelay $0x1  }
0x19f: {  	[tilespmem:s10+$0xFFFFFF90] =	vst v46  }
0x1a0: {  	[tilespmem:s11+$0xFFFFFF90] =	vst v45  }
0x1a1: {  	v45 =	vld.idx.msk [tilespmem:v47+s16+$0x0], $0xffff  }
0x1a2: {  	v46 =	vld.idx.msk [tilespmem:v48+s16+$0x0], $0xffff  }
0x1a3: {  	v60 =	vor.u32 s5, v8  }
0x1a4: {  	v61 =	vor.u32 s5, v9;
	_ =	sdelay $0x1  }
0x1a5: {  	[tilespmem:s10+$0x10] =	vst v45  }
0x1a6: {  	[tilespmem:s11+$0x10] =	vst v46  }
0x1a7: {  	v45 =	vld.idx.msk [tilespmem:v60+s16+$0x0], $0xffff  }
0x1a8: {  	v46 =	vld.idx.msk [tilespmem:v61+s16+$0x0], $0xffff  }
0x1a9: {  	v62 =	vor.u32 s5, v10  }
0x1aa: {  	v63 =	vor.u32 s5, v11;
	_ =	sdelay $0x1  }
0x1ab: {  	[tilespmem:s10+$0xFFFFFFA0] =	vst v45  }
0x1ac: {  	[tilespmem:s11+$0xFFFFFFA0] =	vst v46  }
0x1ad: {  	v45 =	vld.idx.msk [tilespmem:v62+s16+$0x0], $0xffff  }
0x1ae: {  	v46 =	vld.idx.msk [tilespmem:v63+s16+$0x0], $0xffff  }
0x1af: {  	v48 =	vor.u32 s5, v12  }
0x1b0: {  	[tilespmem:s26+$0x20] =	vst v41;
	v49 =	vor.u32 s5, v13  }
0x1b1: {  	[tilespmem:s28+$0x20] =	vst v42  }
0x1b2: {  	v42 =	vld.idx.msk [tilespmem:v44+s16+$0x0], $0xffff;
	[tilespmem:s10+$0x20] =	vst v45  }
0x1b3: {  	v43 =	vld.idx.msk [tilespmem:v43+s16+$0x0], $0xffff;
	[tilespmem:s11+$0x20] =	vst v46  }
0x1b4: {  	s14 =	sor.u32 $0x80, s24;
	v50 =	vor.u32 s24, v14;
	v45 =	vld.idx.msk [tilespmem:v48+s16+$0x0], $0xffff  }
0x1b5: {  	v51 =	vor.u32 s14, v15;
	v41 =	vld.idx.msk [tilespmem:v49+s16+$0x0], $0xffff  }
0x1b6: {  	s13 =	sor.u32 $0x80, s5;
	v52 =	vor.u32 s5, v14  }
0x1b7: {  	v53 =	vor.u32 s13, v15;
	[tilespmem:s26+$0xFFFFFFB0] =	vst v42  }
0x1b8: {  	[tilespmem:s28+$0xFFFFFFB0] =	vst v43  }
0x1b9: {  	v43 =	vld.idx.msk [tilespmem:v50+s16+$0x0], $0xffff;
	[tilespmem:s10+$0xFFFFFFB0] =	vst v45  }
0x1ba: {  	v55 =	vor.u32 s24, v16;
	v54 =	vld.idx.msk [tilespmem:v51+s16+$0x0], $0xffff;
	[tilespmem:s11+$0xFFFFFFB0] =	vst v41  }
0x1bb: {  	v56 =	vand.u32 v17, v55;
	v57 =	vld.idx.msk [tilespmem:v52+s16+$0x0], $0xffff  }
0x1bc: {  	v58 =	vor.u32 s24, v18;
	v59 =	vor.u32 s5, v16;
	v42 =	vld.idx.msk [tilespmem:v53+s16+$0x0], $0xffff  }
0x1bd: {  	v47 =	vand.u32 v17, v59  }
0x1be: {  	[tilespmem:s26+$0x30] =	vst v43;
	v60 =	vor.u32 s5, v18  }
0x1bf: {  	[tilespmem:s28+$0x30] =	vst v54  }
0x1c0: {  	v41 =	vld.idx.msk [tilespmem:v56+s16+$0x0], $0xffff;
	[tilespmem:s10+$0x30] =	vst v57  }
0x1c1: {  	v44 =	vld.idx.msk [tilespmem:v58+s16+$0x0], $0xffff;
	[tilespmem:s11+$0x30] =	vst v42  }
0x1c2: {  	v61 =	vor.u32 s24, v19;
	v45 =	vld.idx.msk [tilespmem:v47+s16+$0x0], $0xffff  }
0x1c3: {  	v62 =	vor.u32 s24, v20;
	v43 =	vld.idx.msk [tilespmem:v60+s16+$0x0], $0xffff  }
0x1c4: {  	[tilespmem:s3+$0x40] =	vst v39;
	v63 =	vor.u32 s5, v19  }
0x1c5: {  	v48 =	vor.u32 s5, v20;
	[tilespmem:s26+$0xFFFFFFC0] =	vst v41  }
0x1c6: {  	[tilespmem:s28+$0xFFFFFFC0] =	vst v44  }
0x1c7: {  	v49 =	vor.u32 s21, v23;
	v42 =	vld.idx.msk [tilespmem:v61+s16+$0x0], $0xffff;
	[tilespmem:s10+$0xFFFFFFC0] =	vst v45  }
0x1c8: {  	v59 =	vor.u32 s23, v33;
	v52 =	vor.u32 s24, v21;
	v46 =	vld.idx.msk [tilespmem:v62+s16+$0x0], $0xffff;
	[tilespmem:s11+$0xFFFFFFC0] =	vst v43  }
0x1c9: {  	[tilespmem:s20+$0x40] =	vst v36;
	v53 =	vand.u32 v22, v52;
	v39 =	vld.idx.msk [tilespmem:v63+s16+$0x0], $0xffff  }
0x1ca: {  	v55 =	vor.u32 s5, v21;
	[tilespmem:s1+$0x60] =	vst v37;
	v54 =	vor.u32 s24, v23;
	v41 =	vld.idx.msk [tilespmem:v48+s16+$0x0], $0xffff  }
0x1cb: {  	v40 =	vld.idx.msk [tilespmem:v40+s16+$0x0], $0xffff;
	[tilespmem:s6+$0x60] =	vst v38;
	v56 =	vand.u32 v22, v55  }
0x1cc: {  	v50 =	vor.u32 s23, v31;
	v58 =	vor.u32 s5, v23;
	v57 =	vld.idx.msk [tilespmem:v49+s16+$0x0], $0xffff;
	[tilespmem:s26+$0x40] =	vst v42  }
0x1cd: {  	v51 =	vand.u32 v32, v50;
	v44 =	vld.idx.msk [tilespmem:v59+s16+$0x0], $0xffff;
	[tilespmem:s28+$0x40] =	vst v46  }
0x1ce: {  	v60 =	vor.u32 s21, v24;
	v36 =	vld.idx.msk [tilespmem:v53+s16+$0x0], $0xffff;
	[tilespmem:s10+$0x40] =	vst v39  }
0x1cf: {  	v61 =	vor.u32 s21, v25;
	v37 =	vld.idx.msk [tilespmem:v54+s16+$0x0], $0xffff;
	[tilespmem:s11+$0x40] =	vst v41  }
0x1d0: {  	v62 =	vor.u32 s24, v24;
	v38 =	vld.idx.msk [tilespmem:v56+s16+$0x0], $0xffff  }
0x1d1: {  	[tilespmem:s3+$0xFFFFFFD0] =	vst v40;
	v63 =	vor.u32 s24, v25;
	v42 =	vld.idx.msk [tilespmem:v58+s16+$0x0], $0xffff  }
0x1d2: {  	[tilespmem:s20+$0xFFFFFFD0] =	vst v57;
	v45 =	vld.idx.msk [tilespmem:v51+s16+$0x0], $0xffff;
	v48 =	vor.u32 s5, v24  }
0x1d3: {  	v49 =	vor.u32 s5, v25;
	v46 =	vld.idx.msk [tilespmem:v60+s16+$0x0], $0xffff;
	[tilespmem:s26+$0xFFFFFFD0] =	vst v36  }
0x1d4: {  	v50 =	vor.u32 s21, v26;
	v39 =	vld.idx.msk [tilespmem:v61+s16+$0x0], $0xffff;
	[tilespmem:s28+$0xFFFFFFD0] =	vst v37  }
0x1d5: {  	v51 =	vand.u32 v27, v50;
	v41 =	vld.idx.msk [tilespmem:v62+s16+$0x0], $0xffff;
	[tilespmem:s10+$0xFFFFFFD0] =	vst v38  }
0x1d6: {  	v52 =	vor.u32 s21, v28;
	v53 =	vor.u32 s24, v26;
	v40 =	vld.idx.msk [tilespmem:v63+s16+$0x0], $0xffff;
	[tilespmem:s11+$0xFFFFFFD0] =	vst v42  }
0x1d7: {  	v54 =	vand.u32 v27, v53;
	[tilespmem:s1+$0xFFFFFFF0] =	vst v45;
	v43 =	vld.idx.msk [tilespmem:v48+s16+$0x0], $0xffff  }
0x1d8: {  	v55 =	vor.u32 s24, v28;
	[tilespmem:s3+$0x50] =	vst v46;
	v56 =	vor.u32 s5, v26;
	v36 =	vld.idx.msk [tilespmem:v49+s16+$0x0], $0xffff  }
0x1d9: {  	v57 =	vand.u32 v27, v56;
	[tilespmem:s20+$0x50] =	vst v39  }
0x1da: {  	v58 =	vor.u32 s5, v28;
	v37 =	vld.idx.msk [tilespmem:v51+s16+$0x0], $0xffff;
	[tilespmem:s26+$0x50] =	vst v41  }
0x1db: {  	v59 =	vor.u32 s23, v34;
	v38 =	vld.idx.msk [tilespmem:v52+s16+$0x0], $0xffff;
	[tilespmem:s28+$0x50] =	vst v40  }
0x1dc: {  	v60 =	vor.u32 s21, v29;
	v42 =	vld.idx.msk [tilespmem:v54+s16+$0x0], $0xffff;
	[tilespmem:s10+$0x50] =	vst v43  }
0x1dd: {  	v61 =	vor.u32 s21, v30;
	v45 =	vld.idx.msk [tilespmem:v55+s16+$0x0], $0xffff;
	[tilespmem:s11+$0x50] =	vst v36  }
0x1de: {  	[tilespmem:s6+$0xFFFFFFF0] =	vst v44;
	v62 =	vor.u32 s24, v29;
	v39 =	vld.idx.msk [tilespmem:v57+s16+$0x0], $0xffff  }
0x1df: {  	v63 =	vor.u32 s24, v30;
	[tilespmem:s3+$0xFFFFFFE0] =	vst v37;
	v41 =	vld.idx.msk [tilespmem:v58+s16+$0x0], $0xffff  }
0x1e0: {  	v44 =	vld.idx.msk [tilespmem:v59+s16+$0x0], $0xffff;
	v48 =	vor.u32 s5, v29;
	[tilespmem:s20+$0xFFFFFFE0] =	vst v38  }
0x1e1: {  	v49 =	vor.u32 s5, v30;
	v40 =	vld.idx.msk [tilespmem:v60+s16+$0x0], $0xffff;
	[tilespmem:s26+$0xFFFFFFE0] =	vst v42  }
0x1e2: {  	v50 =	vor.u32 s30, v35;
	v51 =	vor.u32 s21, v31;
	v43 =	vld.idx.msk [tilespmem:v61+s16+$0x0], $0xffff;
	[tilespmem:s28+$0xFFFFFFE0] =	vst v45  }
0x1e3: {  	v52 =	vand.u32 v32, v51;
	v36 =	vld.idx.msk [tilespmem:v62+s16+$0x0], $0xffff;
	[tilespmem:s10+$0xFFFFFFE0] =	vst v39  }
0x1e4: {  	v53 =	vor.u32 s21, v33;
	v54 =	vor.u32 s24, v31;
	v37 =	vld.idx.msk [tilespmem:v63+s16+$0x0], $0xffff;
	[tilespmem:s11+$0xFFFFFFE0] =	vst v41  }
0x1e5: {  	v55 =	vand.u32 v32, v54;
	v38 =	vld.idx.msk [tilespmem:v48+s16+$0x0], $0xffff  }
0x1e6: {  	v56 =	vor.u32 s24, v33;
	v57 =	vor.u32 s5, v31;
	[tilespmem:s3+$0x60] =	vst v40;
	v42 =	vld.idx.msk [tilespmem:v49+s16+$0x0], $0xffff  }
0x1e7: {  	v46 =	vld.idx.msk [tilespmem:v50+s16+$0x0], $0xffff;
	v58 =	vand.u32 v32, v57;
	[tilespmem:s20+$0x60] =	vst v43  }
0x1e8: {  	v59 =	vor.u32 s5, v33;
	v45 =	vld.idx.msk [tilespmem:v52+s16+$0x0], $0xffff;
	[tilespmem:s26+$0x60] =	vst v36  }
0x1e9: {  	v39 =	vld.idx.msk [tilespmem:v53+s16+$0x0], $0xffff;
	[tilespmem:s28+$0x60] =	vst v37  }
0x1ea: {  	v60 =	vor.u32 s21, v34;
	v41 =	vld.idx.msk [tilespmem:v55+s16+$0x0], $0xffff;
	[tilespmem:s10+$0x60] =	vst v38  }
0x1eb: {  	v61 =	vor.u32 s31, v35;
	v40 =	vld.idx.msk [tilespmem:v56+s16+$0x0], $0xffff;
	[tilespmem:s11+$0x60] =	vst v42  }
0x1ec: {  	[tilespmem:s1+$0x70] =	vst v44;
	v62 =	vor.u32 s24, v34;
	v43 =	vld.idx.msk [tilespmem:v58+s16+$0x0], $0xffff  }
0x1ed: {  	v63 =	vor.u32 s14, v35;
	[tilespmem:s3+$0xFFFFFFF0] =	vst v45;
	v36 =	vld.idx.msk [tilespmem:v59+s16+$0x0], $0xffff  }
0x1ee: {  	v48 =	vor.u32 s5, v34;
	[tilespmem:s20+$0xFFFFFFF0] =	vst v39  }
0x1ef: {  	v49 =	vor.u32 s13, v35;
	v37 =	vld.idx.msk [tilespmem:v60+s16+$0x0], $0xffff;
	[tilespmem:s26+$0xFFFFFFF0] =	vst v41  }
0x1f0: {  	v38 =	vld.idx.msk [tilespmem:v61+s16+$0x0], $0xffff;
	[tilespmem:s28+$0xFFFFFFF0] =	vst v40  }
0x1f1: {  	v40 =	vld.idx.msk [tilespmem:v62+s16+$0x0], $0xffff;
	[tilespmem:s10+$0xFFFFFFF0] =	vst v43  }
0x1f2: {  	v50 =	vld.idx.msk [tilespmem:v63+s16+$0x0], $0xffff;
	[tilespmem:s11+$0xFFFFFFF0] =	vst v36  }
0x1f3: {  	[tilespmem:s6+$0x70] =	vst v46;
	v36 =	vld.idx.msk [tilespmem:v48+s16+$0x0], $0xffff  }
0x1f4: {  	[tilespmem:s3+$0x70] =	vst v37;
	v51 =	vld.idx.msk [tilespmem:v49+s16+$0x0], $0xffff  }
0x1f5: {  	[tilespmem:s20+$0x70] =	vst v38  }
0x1f6: {  	[tilespmem:s26+$0x70] =	vst v40  }
0x1f7: {  	[tilespmem:s28+$0x70] =	vst v50  }
0x1f8: {  	[tilespmem:s10+$0x70] =	vst v36  }
0x1f9: {  	[tilespmem:s11+$0x70] =	vst v51  }
0x1fa: {  	s24 =	sshll.u32 s12, $0x4;
	s1 =	rddreg [dreg:$0xb]  }
0x1fb: {  	s5 =	simm.s32 @!p1 $0x2000;
	s3 =	simm.s32 @!p1 $0x0;
	s1 =	sadd.s32 @!p1 s8, s1  }
0x1fc: {  	[tilespmem:s5], [sflag:$0x2] =	stream.linear.gather @!p1 [hbm4b:s1+s3], $0x2000, $0x38;
	[tilespmem:$0x10000] =	vst v63  }
0x1fd: {  	s1 =	sand.u32 $0x1FFFFA00, s24  }
0x1fe: {  	s26 =	simm.s32 $0x9000;
	s25 =	sadd.s32 s0, s1  }
0x1ff: {  	[hbm4b:s25+s4] =	stream.linear.scatter [tilespmem:s26], [sflag:$0x6], $0x1000, $0x38;
	[tilespmem:$0x10000] =	vst v63  }
0x200: {  	s6 =	simm.s32 $0x3;
	s5 =	simm.s32 $0xD000;
	s1 =	sadd.s32 s2, s1  }
0x201: {  	[hbm4b:s1+s4] =	stream.linear.scatter [tilespmem:s5], [sflag:$0xA], $0x1000, $0x38;
	[tilespmem:$0x10000] =	vst v63  }
0x202: {  	s10 =	simm.s32 $0x0;
	_ =	swait.ge [sflag:s6], $0x2000  }
0x203: {  	s11 =	sand.u32 $0x1800, s10;
	[sflag:s6] =	ssyncset.done $0x0  }
0x204: {  	s3 =	simm.s32 @!p0 $0x7;
	s1 =	sand.u32 $0x300, s10;
	[sflag:s6] =	ssyncadd.s32 $0xFFFFE000  }
0x205: {  	s23 =	sor.u32 s1, s11;
	_ =	swait.ge @!p0 [sflag:s3], $0x1000  }
0x206: {  	v52 =	vor.u32 s23, v0;
	[sflag:s3] =	ssyncset.done @!p0 $0x0  }
0x207: {  	s1 =	simm.s32 @!p0 $0xB;
	v53 =	vor.u32 s23, v1;
	[sflag:s3] =	ssyncadd.s32 @!p0 $0xFFFFF000  }
0x208: {  	_ =	swait.ge @!p0 [sflag:s1], $0x1000  }
0x209: {  	[sflag:s1] =	ssyncset.done @!p0 $0x0  }
0x20a: {  	[sflag:s1] =	ssyncadd.s32 @!p0 $0xFFFFF000  }
0x20b: {  	v36 =	vld.idx.msk [tilespmem:v52+s17+$0x0], $0xffff  }
0x20c: {  	v37 =	vld.idx.msk [tilespmem:v53+s17+$0x0], $0xffff  }
0x20d: {  	v54 =	vor.u32 s23, v2  }
0x20e: {  	v55 =	vor.u32 s23, v3  }
0x20f: {  	s1 =	simm.s32 $0xA080  }
0x210: {  	s6 =	simm.s32 $0xE080;
	[tilespmem:s1+$0xFFFFFF80] =	vst v36  }
0x211: {  	[tilespmem:s6+$0xFFFFFF80] =	vst v37  }
0x212: {  	v36 =	vld.idx.msk [tilespmem:v54+s17+$0x0], $0xffff  }
0x213: {  	v37 =	vld.idx.msk [tilespmem:v55+s17+$0x0], $0xffff  }
0x214: {  	v56 =	vor.u32 s23, v4  }
0x215: {  	v57 =	vor.u32 s23, v5;
	_ =	sdelay $0x1  }
0x216: {  	[tilespmem:s1+$0x0] =	vst v36  }
0x217: {  	[tilespmem:s6+$0x0] =	vst v37  }
0x218: {  	v36 =	vld.idx.msk [tilespmem:v56+s17+$0x0], $0xffff  }
0x219: {  	v37 =	vld.idx.msk [tilespmem:v57+s17+$0x0], $0xffff  }
0x21a: {  	s12 =	simm.s32 $0x200;
	s13 =	simm.s32 $0x100;
	v58 =	vor.u32 s23, v6  }
0x21b: {  	s5 =	sand.u32 $0x300, s13;
	v59 =	vor.u32 s23, v7;
	s3 =	sand.u32 $0x1800, s12  }
0x21c: {  	s21 =	sor.u32 s5, s3  }
0x21d: {  	v60 =	vor.u32 s21, v0;
	[tilespmem:s1+$0xFFFFFF90] =	vst v36  }
0x21e: {  	v62 =	vor.u32 s21, v1;
	[tilespmem:s6+$0xFFFFFF90] =	vst v37  }
0x21f: {  	v36 =	vld.idx.msk [tilespmem:v58+s17+$0x0], $0xffff  }
0x220: {  	v61 =	vld.idx.msk [tilespmem:v59+s17+$0x0], $0xffff  }
0x221: {  	v63 =	vor.u32 s23, v8  }
0x222: {  	v44 =	vor.u32 s23, v9;
	v45 =	vld.idx.msk [tilespmem:v60+s17+$0x0], $0xffff  }
0x223: {  	v46 =	vld.idx.msk [tilespmem:v62+s17+$0x0], $0xffff  }
0x224: {  	v47 =	vor.u32 s21, v2;
	[tilespmem:s1+$0x10] =	vst v36  }
0x225: {  	v49 =	vor.u32 s21, v3;
	[tilespmem:s6+$0x10] =	vst v61  }
0x226: {  	s3 =	simm.s32 $0xA180;
	v38 =	vld.idx.msk [tilespmem:v63+s17+$0x0], $0xffff  }
0x227: {  	s20 =	simm.s32 $0xE180;
	[tilespmem:s3+$0xFFFFFF80] =	vst v45;
	v48 =	vld.idx.msk [tilespmem:v44+s17+$0x0], $0xffff  }
0x228: {  	v50 =	vor.u32 s23, v10;
	[tilespmem:s20+$0xFFFFFF80] =	vst v46  }
0x229: {  	v51 =	vor.u32 s23, v11;
	v37 =	vld.idx.msk [tilespmem:v47+s17+$0x0], $0xffff  }
0x22a: {  	v52 =	vld.idx.msk [tilespmem:v49+s17+$0x0], $0xffff  }
0x22b: {  	v54 =	vor.u32 s21, v4;
	[tilespmem:s1+$0xFFFFFFA0] =	vst v38  }
0x22c: {  	v55 =	vor.u32 s21, v5;
	[tilespmem:s6+$0xFFFFFFA0] =	vst v48  }
0x22d: {  	v53 =	vld.idx.msk [tilespmem:v50+s17+$0x0], $0xffff  }
0x22e: {  	[tilespmem:s3+$0x0] =	vst v37;
	v36 =	vld.idx.msk [tilespmem:v51+s17+$0x0], $0xffff  }
0x22f: {  	v56 =	vor.u32 s23, v12;
	[tilespmem:s20+$0x0] =	vst v52  }
0x230: {  	v57 =	vor.u32 s23, v13;
	v38 =	vld.idx.msk [tilespmem:v54+s17+$0x0], $0xffff  }
0x231: {  	s19 =	simm.s32 $0x200;
	s14 =	simm.s32 $0x400;
	v58 =	vld.idx.msk [tilespmem:v55+s17+$0x0], $0xffff  }
0x232: {  	s10 =	sand.u32 $0x300, s19;
	s5 =	sand.u32 $0x1800, s14;
	v59 =	vor.u32 s21, v6;
	[tilespmem:s1+$0x20] =	vst v53  }
0x233: {  	s24 =	sor.u32 s10, s5;
	v60 =	vor.u32 s21, v7;
	[tilespmem:s6+$0x20] =	vst v36  }
0x234: {  	v63 =	vor.u32 s24, v0;
	v36 =	vld.idx.msk [tilespmem:v56+s17+$0x0], $0xffff  }
0x235: {  	v49 =	vor.u32 s24, v1;
	[tilespmem:s3+$0xFFFFFF90] =	vst v38;
	v37 =	vld.idx.msk [tilespmem:v57+s17+$0x0], $0xffff  }
0x236: {  	s30 =	sor.u32 $0x80, s23;
	v61 =	vor.u32 s23, v14;
	[tilespmem:s20+$0xFFFFFF90] =	vst v58  }
0x237: {  	v62 =	vor.u32 s30, v15;
	v39 =	vld.idx.msk [tilespmem:v59+s17+$0x0], $0xffff  }
0x238: {  	v48 =	vld.idx.msk [tilespmem:v60+s17+$0x0], $0xffff  }
0x239: {  	v51 =	vor.u32 s21, v8;
	[tilespmem:s1+$0xFFFFFFB0] =	vst v36;
	v36 =	vld.idx.msk [tilespmem:v63+s17+$0x0], $0xffff  }
0x23a: {  	v52 =	vor.u32 s21, v9;
	[tilespmem:s6+$0xFFFFFFB0] =	vst v37;
	v37 =	vld.idx.msk [tilespmem:v49+s17+$0x0], $0xffff  }
0x23b: {  	v55 =	vor.u32 s24, v2;
	v50 =	vld.idx.msk [tilespmem:v61+s17+$0x0], $0xffff  }
0x23c: {  	v53 =	vor.u32 s23, v16;
	v57 =	vor.u32 s24, v3;
	[tilespmem:s3+$0x10] =	vst v39;
	v38 =	vld.idx.msk [tilespmem:v62+s17+$0x0], $0xffff  }
0x23d: {  	s26 =	simm.s32 $0xA280;
	v44 =	vand.u32 v17, v53;
	[tilespmem:s20+$0x10] =	vst v48  }
0x23e: {  	s28 =	simm.s32 $0xE280;
	v54 =	vor.u32 s23, v18;
	v40 =	vld.idx.msk [tilespmem:v51+s17+$0x0], $0xffff;
	[tilespmem:s26+$0xFFFFFF80] =	vst v36  }
0x23f: {  	v56 =	vld.idx.msk [tilespmem:v52+s17+$0x0], $0xffff;
	[tilespmem:s28+$0xFFFFFF80] =	vst v37  }
0x240: {  	v59 =	vor.u32 s21, v10;
	[tilespmem:s1+$0x30] =	vst v50;
	v41 =	vld.idx.msk [tilespmem:v55+s17+$0x0], $0xffff  }
0x241: {  	v60 =	vor.u32 s21, v11;
	v42 =	vld.idx.msk [tilespmem:v57+s17+$0x0], $0xffff;
	[tilespmem:s6+$0x30] =	vst v38  }
0x242: {  	v63 =	vor.u32 s24, v4;
	v58 =	vld.idx.msk [tilespmem:v44+s17+$0x0], $0xffff  }
0x243: {  	v48 =	vor.u32 s24, v5;
	[tilespmem:s3+$0xFFFFFFA0] =	vst v40;
	v39 =	vld.idx.msk [tilespmem:v54+s17+$0x0], $0xffff  }
0x244: {  	v61 =	vor.u32 s23, v19;
	[tilespmem:s20+$0xFFFFFFA0] =	vst v56  }
0x245: {  	v62 =	vor.u32 s23, v20;
	v38 =	vld.idx.msk [tilespmem:v59+s17+$0x0], $0xffff;
	[tilespmem:s26+$0x0] =	vst v41  }
0x246: {  	s22 =	simm.s32 $0x600;
	s12 =	simm.s32 $0x300;
	v36 =	vld.idx.msk [tilespmem:v60+s17+$0x0], $0xffff;
	[tilespmem:s28+$0x0] =	vst v42  }
0x247: {  	s25 =	sand.u32 $0x300, s12;
	s5 =	sand.u32 $0x1800, s22;
	v49 =	vor.u32 s21, v12;
	[tilespmem:s1+$0xFFFFFFC0] =	vst v58;
	v43 =	vld.idx.msk [tilespmem:v63+s17+$0x0], $0xffff  }
0x248: {  	s5 =	sor.u32 s25, s5;
	v50 =	vor.u32 s21, v13;
	[tilespmem:s6+$0xFFFFFFC0] =	vst v39;
	v39 =	vld.idx.msk [tilespmem:v48+s17+$0x0], $0xffff  }
0x249: {  	v60 =	vor.u32 s5, v0;
	v37 =	vld.idx.msk [tilespmem:v61+s17+$0x0], $0xffff  }
0x24a: {  	v51 =	vor.u32 s23, v21;
	v54 =	vor.u32 s24, v6;
	[tilespmem:s3+$0x20] =	vst v38;
	v40 =	vld.idx.msk [tilespmem:v62+s17+$0x0], $0xffff  }
0x24b: {  	v52 =	vand.u32 v22, v51;
	[tilespmem:s20+$0x20] =	vst v36  }
0x24c: {  	v53 =	vor.u32 s23, v23;
	v36 =	vld.idx.msk [tilespmem:v49+s17+$0x0], $0xffff;
	[tilespmem:s26+$0xFFFFFF90] =	vst v43  }
0x24d: {  	v55 =	vor.u32 s24, v7;
	v41 =	vld.idx.msk [tilespmem:v50+s17+$0x0], $0xffff;
	[tilespmem:s28+$0xFFFFFF90] =	vst v39  }
0x24e: {  	v56 =	vor.u32 s21, v14;
	v49 =	vld.idx.msk [tilespmem:v60+s17+$0x0], $0xffff;
	[tilespmem:s1+$0x40] =	vst v37  }
0x24f: {  	s31 =	sor.u32 $0x80, s21;
	v61 =	vor.u32 s5, v1;
	v37 =	vld.idx.msk [tilespmem:v54+s17+$0x0], $0xffff;
	[tilespmem:s6+$0x40] =	vst v40  }
0x250: {  	v57 =	vor.u32 s31, v15;
	v42 =	vld.idx.msk [tilespmem:v52+s17+$0x0], $0xffff  }
0x251: {  	[tilespmem:s3+$0xFFFFFFB0] =	vst v36;
	v38 =	vld.idx.msk [tilespmem:v53+s17+$0x0], $0xffff  }
0x252: {  	v58 =	vor.u32 s23, v24;
	[tilespmem:s20+$0xFFFFFFB0] =	vst v41;
	v40 =	vld.idx.msk [tilespmem:v55+s17+$0x0], $0xffff  }
0x253: {  	s10 =	simm.s32 $0xA380;
	v59 =	vor.u32 s23, v25;
	v44 =	vld.idx.msk [tilespmem:v56+s17+$0x0], $0xffff  }
0x254: {  	v63 =	vor.u32 s24, v9;
	v52 =	vld.idx.msk [tilespmem:v61+s17+$0x0], $0xffff;
	[tilespmem:s10+$0xFFFFFF80] =	vst v49  }
0x255: {  	v48 =	vor.u32 s21, v16;
	v62 =	vor.u32 s24, v8;
	v43 =	vld.idx.msk [tilespmem:v57+s17+$0x0], $0xffff;
	[tilespmem:s1+$0xFFFFFFD0] =	vst v42  }
0x256: {  	v46 =	vand.u32 v17, v48;
	[tilespmem:s6+$0xFFFFFFD0] =	vst v38  }
0x257: {  	v55 =	vor.u32 s5, v2;
	[tilespmem:s26+$0x10] =	vst v37;
	v39 =	vld.idx.msk [tilespmem:v58+s17+$0x0], $0xffff  }
0x258: {  	v51 =	vor.u32 s23, v26;
	v50 =	vor.u32 s21, v18;
	[tilespmem:s28+$0x10] =	vst v40;
	v36 =	vld.idx.msk [tilespmem:v59+s17+$0x0], $0xffff  }
0x259: {  	v53 =	vand.u32 v27, v51;
	[tilespmem:s3+$0x30] =	vst v44;
	v45 =	vld.idx.msk [tilespmem:v63+s17+$0x0], $0xffff  }
0x25a: {  	s11 =	simm.s32 $0xE380;
	v54 =	vor.u32 s23, v28;
	[tilespmem:s20+$0x30] =	vst v43;
	v38 =	vld.idx.msk [tilespmem:v62+s17+$0x0], $0xffff  }
0x25b: {  	v56 =	vor.u32 s5, v3;
	[tilespmem:s11+$0xFFFFFF80] =	vst v52;
	v46 =	vld.idx.msk [tilespmem:v46+s17+$0x0], $0xffff  }
0x25c: {  	v57 =	vor.u32 s24, v10;
	v43 =	vld.idx.msk [tilespmem:v55+s17+$0x0], $0xffff;
	[tilespmem:s1+$0x50] =	vst v39  }
0x25d: {  	v58 =	vld.idx.msk [tilespmem:v50+s17+$0x0], $0xffff;
	v59 =	vor.u32 s24, v11;
	[tilespmem:s6+$0x50] =	vst v36  }
0x25e: {  	v61 =	vor.u32 s21, v19;
	v60 =	vld.idx.msk [tilespmem:v53+s17+$0x0], $0xffff  }
0x25f: {  	v62 =	vor.u32 s21, v20;
	[tilespmem:s26+$0xFFFFFFA0] =	vst v38;
	v44 =	vld.idx.msk [tilespmem:v54+s17+$0x0], $0xffff  }
0x260: {  	v49 =	vor.u32 s23, v29;
	v39 =	vld.idx.msk [tilespmem:v56+s17+$0x0], $0xffff;
	[tilespmem:s28+$0xFFFFFFA0] =	vst v45  }
0x261: {  	v50 =	vor.u32 s23, v30;
	[tilespmem:s3+$0xFFFFFFC0] =	vst v46;
	v41 =	vld.idx.msk [tilespmem:v57+s17+$0x0], $0xffff  }
0x262: {  	v46 =	vor.u32 s5, v4;
	[tilespmem:s20+$0xFFFFFFC0] =	vst v58;
	v42 =	vld.idx.msk [tilespmem:v59+s17+$0x0], $0xffff  }
0x263: {  	v45 =	vor.u32 s5, v5;
	v40 =	vld.idx.msk [tilespmem:v61+s17+$0x0], $0xffff;
	[tilespmem:s1+$0xFFFFFFE0] =	vst v60  }
0x264: {  	v36 =	vld.idx.msk [tilespmem:v62+s17+$0x0], $0xffff;
	[tilespmem:s6+$0xFFFFFFE0] =	vst v44;
	v44 =	vor.u32 s24, v12  }
0x265: {  	v63 =	vor.u32 s21, v21;
	[tilespmem:s10+$0x0] =	vst v43;
	v43 =	vor.u32 s24, v13;
	v37 =	vld.idx.msk [tilespmem:v49+s17+$0x0], $0xffff  }
0x266: {  	s13 =	simm.s32 $0x800;
	[tilespmem:s11+$0x0] =	vst v39;
	v39 =	vand.u32 v22, v63;
	v38 =	vld.idx.msk [tilespmem:v50+s17+$0x0], $0xffff  }
.LBB2_7:
0x267: {  	p2 =	sne.s32 s13, $0x1E00;
	v46 =	vld.idx.msk [tilespmem:v46+s17+$0x0], $0xffff;
	[tilespmem:s26+$0x20] =	vst v41;
	v41 =	vor.u32 s21, v23;
	v47 =	vor.u32 s23, v31  }
0x268: {  	v45 =	vld.idx.msk [tilespmem:v45+s17+$0x0], $0xffff;
	[tilespmem:s28+$0x20] =	vst v42;
	v42 =	vand.u32 v32, v47  }
0x269: {  	v44 =	vld.idx.msk [tilespmem:v44+s17+$0x0], $0xffff;
	[tilespmem:s3+$0x40] =	vst v40;
	v40 =	vor.u32 s23, v33  }
0x26a: {  	v47 =	vor.u32 s5, v6;
	v43 =	vld.idx.msk [tilespmem:v43+s17+$0x0], $0xffff;
	[tilespmem:s20+$0x40] =	vst v36  }
0x26b: {  	v36 =	vor.u32 s5, v7;
	v39 =	vld.idx.msk [tilespmem:v39+s17+$0x0], $0xffff;
	[tilespmem:s1+$0x60] =	vst v37  }
0x26c: {  	s14 =	sor.u32 $0x80, s24;
	v37 =	vor.u32 s24, v14;
	v41 =	vld.idx.msk [tilespmem:v41+s17+$0x0], $0xffff;
	[tilespmem:s6+$0x60] =	vst v38  }
0x26d: {  	v38 =	vor.u32 s14, v15;
	[tilespmem:s10+$0xFFFFFF90] =	vst v46;
	v42 =	vld.idx.msk [tilespmem:v42+s17+$0x0], $0xffff  }
0x26e: {  	[tilespmem:s11+$0xFFFFFF90] =	vst v45;
	v45 =	vor.u32 s21, v24;
	v40 =	vld.idx.msk [tilespmem:v40+s17+$0x0], $0xffff  }
0x26f: {  	s12 =	sadd.s32 $0x100, s12;
	v46 =	vld.idx.msk [tilespmem:v47+s17+$0x0], $0xffff;
	[tilespmem:s26+$0xFFFFFFB0] =	vst v44;
	v44 =	vor.u32 s21, v25  }
0x270: {  	s19 =	sand.u32 $0x1800, s13;
	s22 =	sand.u32 $0x300, s12;
	v36 =	vld.idx.msk [tilespmem:v36+s17+$0x0], $0xffff;
	[tilespmem:s28+$0xFFFFFFB0] =	vst v43;
	v43 =	vor.u32 s23, v34;
	s23 =	smov.u32 s21  }
0x271: {  	s19 =	sor.u32 s22, s19;
	v37 =	vld.idx.msk [tilespmem:v37+s17+$0x0], $0xffff;
	[tilespmem:s3+$0xFFFFFFD0] =	vst v39;
	v39 =	vor.u32 s30, v35;
	s30 =	smov.u32 s31;
	s31 =	smov.u32 s14  }
0x272: {  	v47 =	vor.u32 s19, v0;
	s21 =	smov.u32 s24;
	s24 =	smov.u32 s5;
	s5 =	smov.u32 s19;
	v38 =	vld.idx.msk [tilespmem:v38+s17+$0x0], $0xffff;
	[tilespmem:s20+$0xFFFFFFD0] =	vst v41  }
0x273: {  	v41 =	vor.u32 s5, v1;
	v45 =	vld.idx.msk [tilespmem:v45+s17+$0x0], $0xffff;
	[tilespmem:s1+$0xFFFFFFF0] =	vst v42  }
0x274: {  	v42 =	vor.u32 s24, v8;
	v44 =	vld.idx.msk [tilespmem:v44+s17+$0x0], $0xffff;
	[tilespmem:s6+$0xFFFFFFF0] =	vst v40  }
0x275: {  	v40 =	vor.u32 s24, v9;
	[tilespmem:s10+$0x10] =	vst v46;
	v46 =	vor.u32 s21, v16;
	v43 =	vld.idx.msk [tilespmem:v43+s17+$0x0], $0xffff  }
0x276: {  	[tilespmem:s11+$0x10] =	vst v36;
	v36 =	vand.u32 v17, v46;
	v39 =	vld.idx.msk [tilespmem:v39+s17+$0x0], $0xffff  }
0x277: {  	v46 =	vld.idx.msk [tilespmem:v47+s17+$0x0], $0xffff;
	[tilespmem:s26+$0x30] =	vst v37;
	v37 =	vor.u32 s21, v18;
	v47 =	vor.u32 s23, v26  }
0x278: {  	v41 =	vld.idx.msk [tilespmem:v41+s17+$0x0], $0xffff;
	[tilespmem:s28+$0x30] =	vst v38;
	v38 =	vand.u32 v27, v47  }
0x279: {  	v42 =	vld.idx.msk [tilespmem:v42+s17+$0x0], $0xffff;
	[tilespmem:s3+$0x50] =	vst v45;
	v45 =	vor.u32 s23, v28  }
0x27a: {  	v47 =	vor.u32 s5, v2;
	v40 =	vld.idx.msk [tilespmem:v40+s17+$0x0], $0xffff;
	[tilespmem:s20+$0x50] =	vst v44  }
0x27b: {  	v44 =	vor.u32 s5, v3;
	v36 =	vld.idx.msk [tilespmem:v36+s17+$0x0], $0xffff;
	[tilespmem:s1+$0x70] =	vst v43;
	s1 =	smov.u32 s3;
	s3 =	smov.u32 s26;
	s26 =	smov.u32 s10  }
0x27c: {  	v43 =	vor.u32 s24, v10;
	s10 =	sadd.s32 $0x100, s10;
	v37 =	vld.idx.msk [tilespmem:v37+s17+$0x0], $0xffff;
	[tilespmem:s6+$0x70] =	vst v39;
	s6 =	smov.u32 s20;
	s20 =	smov.u32 s28  }
0x27d: {  	v39 =	vor.u32 s24, v11;
	s28 =	smov.u32 s11;
	s11 =	sadd.s32 $0x100, s11;
	[tilespmem:s10+$0xFFFFFF80] =	vst v46;
	v38 =	vld.idx.msk [tilespmem:v38+s17+$0x0], $0xffff  }
0x27e: {  	v48 =	vor.u32 s21, v19;
	[tilespmem:s11+$0xFFFFFF80] =	vst v41;
	v49 =	vld.idx.msk [tilespmem:v45+s17+$0x0], $0xffff  }
0x27f: {  	v50 =	vor.u32 s21, v20;
	v47 =	vld.idx.msk [tilespmem:v47+s17+$0x0], $0xffff;
	[tilespmem:s26+$0xFFFFFFA0] =	vst v42  }
0x280: {  	v52 =	vor.u32 s23, v29;
	v51 =	vld.idx.msk [tilespmem:v44+s17+$0x0], $0xffff;
	[tilespmem:s28+$0xFFFFFFA0] =	vst v40  }
0x281: {  	v53 =	vor.u32 s23, v30;
	v41 =	vld.idx.msk [tilespmem:v43+s17+$0x0], $0xffff;
	[tilespmem:s3+$0xFFFFFFC0] =	vst v36  }
.Ltmp2:
0x282: {  	v46 =	vor.u32 s5, v4;
	v42 =	vld.idx.msk [tilespmem:v39+s17+$0x0], $0xffff;
	[tilespmem:s20+$0xFFFFFFC0] =	vst v37;
	(pc) =	sbr.rel @p2 .LBB2_7-.Ltmp2, $4  }
0x283: {  	v45 =	vor.u32 s5, v5;
	v40 =	vld.idx.msk [tilespmem:v48+s17+$0x0], $0xffff;
	[tilespmem:s1+$0xFFFFFFE0] =	vst v38  }
0x284: {  	v44 =	vor.u32 s24, v12;
	v36 =	vld.idx.msk [tilespmem:v50+s17+$0x0], $0xffff;
	[tilespmem:s6+$0xFFFFFFE0] =	vst v49  }
0x285: {  	v43 =	vor.u32 s24, v13;
	v38 =	vor.u32 s21, v21;
	[tilespmem:s10+$0x0] =	vst v47;
	v37 =	vld.idx.msk [tilespmem:v52+s17+$0x0], $0xffff  }
0x286: {  	s13 =	sadd.s32 $0x200, s13;
	v39 =	vand.u32 v22, v38;
	[tilespmem:s11+$0x0] =	vst v51;
	v38 =	vld.idx.msk [tilespmem:v53+s17+$0x0], $0xffff  }
0x287: {  	_ =	sdelay $0x3  }
0x288: {  	v46 =	vld.idx.msk [tilespmem:v46+s17+$0x0], $0xffff  }
0x289: {  	v45 =	vld.idx.msk [tilespmem:v45+s17+$0x0], $0xffff  }
0x28a: {  	v47 =	vor.u32 s5, v6  }
0x28b: {  	v48 =	vor.u32 s5, v7;
	_ =	sdelay $0x1  }
0x28c: {  	[tilespmem:s10+$0xFFFFFF90] =	vst v46  }
0x28d: {  	[tilespmem:s11+$0xFFFFFF90] =	vst v45  }
0x28e: {  	v45 =	vld.idx.msk [tilespmem:v47+s17+$0x0], $0xffff  }
0x28f: {  	v46 =	vld.idx.msk [tilespmem:v48+s17+$0x0], $0xffff  }
0x290: {  	v60 =	vor.u32 s5, v8  }
0x291: {  	v61 =	vor.u32 s5, v9;
	_ =	sdelay $0x1  }
0x292: {  	[tilespmem:s10+$0x10] =	vst v45  }
0x293: {  	[tilespmem:s11+$0x10] =	vst v46  }
0x294: {  	v45 =	vld.idx.msk [tilespmem:v60+s17+$0x0], $0xffff  }
0x295: {  	v46 =	vld.idx.msk [tilespmem:v61+s17+$0x0], $0xffff  }
0x296: {  	v62 =	vor.u32 s5, v10  }
0x297: {  	v63 =	vor.u32 s5, v11;
	_ =	sdelay $0x1  }
0x298: {  	[tilespmem:s10+$0xFFFFFFA0] =	vst v45  }
0x299: {  	[tilespmem:s11+$0xFFFFFFA0] =	vst v46  }
0x29a: {  	v45 =	vld.idx.msk [tilespmem:v62+s17+$0x0], $0xffff  }
0x29b: {  	v46 =	vld.idx.msk [tilespmem:v63+s17+$0x0], $0xffff  }
0x29c: {  	v48 =	vor.u32 s5, v12  }
0x29d: {  	[tilespmem:s26+$0x20] =	vst v41;
	v49 =	vor.u32 s5, v13  }
0x29e: {  	[tilespmem:s28+$0x20] =	vst v42  }
0x29f: {  	v42 =	vld.idx.msk [tilespmem:v44+s17+$0x0], $0xffff;
	[tilespmem:s10+$0x20] =	vst v45  }
0x2a0: {  	v43 =	vld.idx.msk [tilespmem:v43+s17+$0x0], $0xffff;
	[tilespmem:s11+$0x20] =	vst v46  }
0x2a1: {  	s13 =	sor.u32 $0x80, s24;
	v50 =	vor.u32 s24, v14;
	v45 =	vld.idx.msk [tilespmem:v48+s17+$0x0], $0xffff  }
0x2a2: {  	v51 =	vor.u32 s13, v15;
	v41 =	vld.idx.msk [tilespmem:v49+s17+$0x0], $0xffff  }
0x2a3: {  	s12 =	sor.u32 $0x80, s5;
	v52 =	vor.u32 s5, v14  }
0x2a4: {  	v53 =	vor.u32 s12, v15;
	[tilespmem:s26+$0xFFFFFFB0] =	vst v42  }
0x2a5: {  	[tilespmem:s28+$0xFFFFFFB0] =	vst v43  }
0x2a6: {  	v43 =	vld.idx.msk [tilespmem:v50+s17+$0x0], $0xffff;
	[tilespmem:s10+$0xFFFFFFB0] =	vst v45  }
0x2a7: {  	v55 =	vor.u32 s24, v16;
	v54 =	vld.idx.msk [tilespmem:v51+s17+$0x0], $0xffff;
	[tilespmem:s11+$0xFFFFFFB0] =	vst v41  }
0x2a8: {  	v56 =	vand.u32 v17, v55;
	v57 =	vld.idx.msk [tilespmem:v52+s17+$0x0], $0xffff  }
0x2a9: {  	v58 =	vor.u32 s24, v18;
	v59 =	vor.u32 s5, v16;
	v42 =	vld.idx.msk [tilespmem:v53+s17+$0x0], $0xffff  }
0x2aa: {  	v47 =	vand.u32 v17, v59  }
0x2ab: {  	[tilespmem:s26+$0x30] =	vst v43;
	v60 =	vor.u32 s5, v18  }
0x2ac: {  	[tilespmem:s28+$0x30] =	vst v54  }
0x2ad: {  	v41 =	vld.idx.msk [tilespmem:v56+s17+$0x0], $0xffff;
	[tilespmem:s10+$0x30] =	vst v57  }
0x2ae: {  	v44 =	vld.idx.msk [tilespmem:v58+s17+$0x0], $0xffff;
	[tilespmem:s11+$0x30] =	vst v42  }
0x2af: {  	v61 =	vor.u32 s24, v19;
	v45 =	vld.idx.msk [tilespmem:v47+s17+$0x0], $0xffff  }
0x2b0: {  	v62 =	vor.u32 s24, v20;
	v43 =	vld.idx.msk [tilespmem:v60+s17+$0x0], $0xffff  }
0x2b1: {  	[tilespmem:s3+$0x40] =	vst v40;
	v63 =	vor.u32 s5, v19  }
0x2b2: {  	v48 =	vor.u32 s5, v20;
	[tilespmem:s26+$0xFFFFFFC0] =	vst v41  }
0x2b3: {  	[tilespmem:s28+$0xFFFFFFC0] =	vst v44  }
0x2b4: {  	v49 =	vor.u32 s21, v23;
	v42 =	vld.idx.msk [tilespmem:v61+s17+$0x0], $0xffff;
	[tilespmem:s10+$0xFFFFFFC0] =	vst v45  }
0x2b5: {  	v59 =	vor.u32 s23, v33;
	v52 =	vor.u32 s24, v21;
	v46 =	vld.idx.msk [tilespmem:v62+s17+$0x0], $0xffff;
	[tilespmem:s11+$0xFFFFFFC0] =	vst v43  }
0x2b6: {  	[tilespmem:s20+$0x40] =	vst v36;
	v53 =	vand.u32 v22, v52;
	v40 =	vld.idx.msk [tilespmem:v63+s17+$0x0], $0xffff  }
0x2b7: {  	v55 =	vor.u32 s5, v21;
	[tilespmem:s1+$0x60] =	vst v37;
	v54 =	vor.u32 s24, v23;
	v41 =	vld.idx.msk [tilespmem:v48+s17+$0x0], $0xffff  }
0x2b8: {  	v39 =	vld.idx.msk [tilespmem:v39+s17+$0x0], $0xffff;
	[tilespmem:s6+$0x60] =	vst v38;
	v56 =	vand.u32 v22, v55  }
0x2b9: {  	v50 =	vor.u32 s23, v31;
	v58 =	vor.u32 s5, v23;
	v57 =	vld.idx.msk [tilespmem:v49+s17+$0x0], $0xffff;
	[tilespmem:s26+$0x40] =	vst v42  }
0x2ba: {  	v51 =	vand.u32 v32, v50;
	v44 =	vld.idx.msk [tilespmem:v59+s17+$0x0], $0xffff;
	[tilespmem:s28+$0x40] =	vst v46  }
0x2bb: {  	v60 =	vor.u32 s21, v24;
	v36 =	vld.idx.msk [tilespmem:v53+s17+$0x0], $0xffff;
	[tilespmem:s10+$0x40] =	vst v40  }
0x2bc: {  	v61 =	vor.u32 s21, v25;
	v37 =	vld.idx.msk [tilespmem:v54+s17+$0x0], $0xffff;
	[tilespmem:s11+$0x40] =	vst v41  }
0x2bd: {  	v62 =	vor.u32 s24, v24;
	v38 =	vld.idx.msk [tilespmem:v56+s17+$0x0], $0xffff  }
0x2be: {  	[tilespmem:s3+$0xFFFFFFD0] =	vst v39;
	v63 =	vor.u32 s24, v25;
	v42 =	vld.idx.msk [tilespmem:v58+s17+$0x0], $0xffff  }
0x2bf: {  	[tilespmem:s20+$0xFFFFFFD0] =	vst v57;
	v45 =	vld.idx.msk [tilespmem:v51+s17+$0x0], $0xffff;
	v48 =	vor.u32 s5, v24  }
0x2c0: {  	v49 =	vor.u32 s5, v25;
	v46 =	vld.idx.msk [tilespmem:v60+s17+$0x0], $0xffff;
	[tilespmem:s26+$0xFFFFFFD0] =	vst v36  }
0x2c1: {  	v50 =	vor.u32 s21, v26;
	v40 =	vld.idx.msk [tilespmem:v61+s17+$0x0], $0xffff;
	[tilespmem:s28+$0xFFFFFFD0] =	vst v37  }
0x2c2: {  	v51 =	vand.u32 v27, v50;
	v41 =	vld.idx.msk [tilespmem:v62+s17+$0x0], $0xffff;
	[tilespmem:s10+$0xFFFFFFD0] =	vst v38  }
0x2c3: {  	v52 =	vor.u32 s21, v28;
	v53 =	vor.u32 s24, v26;
	v39 =	vld.idx.msk [tilespmem:v63+s17+$0x0], $0xffff;
	[tilespmem:s11+$0xFFFFFFD0] =	vst v42  }
0x2c4: {  	v54 =	vand.u32 v27, v53;
	[tilespmem:s1+$0xFFFFFFF0] =	vst v45;
	v43 =	vld.idx.msk [tilespmem:v48+s17+$0x0], $0xffff  }
0x2c5: {  	v55 =	vor.u32 s24, v28;
	[tilespmem:s3+$0x50] =	vst v46;
	v56 =	vor.u32 s5, v26;
	v36 =	vld.idx.msk [tilespmem:v49+s17+$0x0], $0xffff  }
0x2c6: {  	v57 =	vand.u32 v27, v56;
	[tilespmem:s20+$0x50] =	vst v40  }
0x2c7: {  	v58 =	vor.u32 s5, v28;
	v37 =	vld.idx.msk [tilespmem:v51+s17+$0x0], $0xffff;
	[tilespmem:s26+$0x50] =	vst v41  }
0x2c8: {  	v59 =	vor.u32 s23, v34;
	v38 =	vld.idx.msk [tilespmem:v52+s17+$0x0], $0xffff;
	[tilespmem:s28+$0x50] =	vst v39  }
0x2c9: {  	v60 =	vor.u32 s21, v29;
	v42 =	vld.idx.msk [tilespmem:v54+s17+$0x0], $0xffff;
	[tilespmem:s10+$0x50] =	vst v43  }
0x2ca: {  	v61 =	vor.u32 s21, v30;
	v45 =	vld.idx.msk [tilespmem:v55+s17+$0x0], $0xffff;
	[tilespmem:s11+$0x50] =	vst v36  }
0x2cb: {  	[tilespmem:s6+$0xFFFFFFF0] =	vst v44;
	v62 =	vor.u32 s24, v29;
	v40 =	vld.idx.msk [tilespmem:v57+s17+$0x0], $0xffff  }
0x2cc: {  	v63 =	vor.u32 s24, v30;
	[tilespmem:s3+$0xFFFFFFE0] =	vst v37;
	v41 =	vld.idx.msk [tilespmem:v58+s17+$0x0], $0xffff  }
0x2cd: {  	v44 =	vld.idx.msk [tilespmem:v59+s17+$0x0], $0xffff;
	v48 =	vor.u32 s5, v29;
	[tilespmem:s20+$0xFFFFFFE0] =	vst v38  }
0x2ce: {  	v49 =	vor.u32 s5, v30;
	v39 =	vld.idx.msk [tilespmem:v60+s17+$0x0], $0xffff;
	[tilespmem:s26+$0xFFFFFFE0] =	vst v42  }
0x2cf: {  	v50 =	vor.u32 s30, v35;
	v51 =	vor.u32 s21, v31;
	v43 =	vld.idx.msk [tilespmem:v61+s17+$0x0], $0xffff;
	[tilespmem:s28+$0xFFFFFFE0] =	vst v45  }
0x2d0: {  	v52 =	vand.u32 v32, v51;
	v36 =	vld.idx.msk [tilespmem:v62+s17+$0x0], $0xffff;
	[tilespmem:s10+$0xFFFFFFE0] =	vst v40  }
0x2d1: {  	v53 =	vor.u32 s21, v33;
	v54 =	vor.u32 s24, v31;
	v37 =	vld.idx.msk [tilespmem:v63+s17+$0x0], $0xffff;
	[tilespmem:s11+$0xFFFFFFE0] =	vst v41  }
0x2d2: {  	v55 =	vand.u32 v32, v54;
	v38 =	vld.idx.msk [tilespmem:v48+s17+$0x0], $0xffff  }
0x2d3: {  	v56 =	vor.u32 s24, v33;
	v57 =	vor.u32 s5, v31;
	[tilespmem:s3+$0x60] =	vst v39;
	v42 =	vld.idx.msk [tilespmem:v49+s17+$0x0], $0xffff  }
0x2d4: {  	v46 =	vld.idx.msk [tilespmem:v50+s17+$0x0], $0xffff;
	v58 =	vand.u32 v32, v57;
	[tilespmem:s20+$0x60] =	vst v43  }
0x2d5: {  	v59 =	vor.u32 s5, v33;
	v45 =	vld.idx.msk [tilespmem:v52+s17+$0x0], $0xffff;
	[tilespmem:s26+$0x60] =	vst v36  }
0x2d6: {  	v40 =	vld.idx.msk [tilespmem:v53+s17+$0x0], $0xffff;
	[tilespmem:s28+$0x60] =	vst v37  }
0x2d7: {  	v60 =	vor.u32 s21, v34;
	v41 =	vld.idx.msk [tilespmem:v55+s17+$0x0], $0xffff;
	[tilespmem:s10+$0x60] =	vst v38  }
0x2d8: {  	v61 =	vor.u32 s31, v35;
	v39 =	vld.idx.msk [tilespmem:v56+s17+$0x0], $0xffff;
	[tilespmem:s11+$0x60] =	vst v42  }
0x2d9: {  	[tilespmem:s1+$0x70] =	vst v44;
	v62 =	vor.u32 s24, v34;
	v43 =	vld.idx.msk [tilespmem:v58+s17+$0x0], $0xffff  }
0x2da: {  	v63 =	vor.u32 s13, v35;
	[tilespmem:s3+$0xFFFFFFF0] =	vst v45;
	v36 =	vld.idx.msk [tilespmem:v59+s17+$0x0], $0xffff  }
0x2db: {  	v48 =	vor.u32 s5, v34;
	[tilespmem:s20+$0xFFFFFFF0] =	vst v40  }
0x2dc: {  	v49 =	vor.u32 s12, v35;
	v37 =	vld.idx.msk [tilespmem:v60+s17+$0x0], $0xffff;
	[tilespmem:s26+$0xFFFFFFF0] =	vst v41  }
0x2dd: {  	v38 =	vld.idx.msk [tilespmem:v61+s17+$0x0], $0xffff;
	[tilespmem:s28+$0xFFFFFFF0] =	vst v39  }
0x2de: {  	v39 =	vld.idx.msk [tilespmem:v62+s17+$0x0], $0xffff;
	[tilespmem:s10+$0xFFFFFFF0] =	vst v43  }
0x2df: {  	v50 =	vld.idx.msk [tilespmem:v63+s17+$0x0], $0xffff;
	[tilespmem:s11+$0xFFFFFFF0] =	vst v36  }
0x2e0: {  	[tilespmem:s6+$0x70] =	vst v46;
	v36 =	vld.idx.msk [tilespmem:v48+s17+$0x0], $0xffff  }
0x2e1: {  	[tilespmem:s3+$0x70] =	vst v37;
	v51 =	vld.idx.msk [tilespmem:v49+s17+$0x0], $0xffff  }
0x2e2: {  	[tilespmem:s20+$0x70] =	vst v38  }
0x2e3: {  	[tilespmem:s26+$0x70] =	vst v39  }
0x2e4: {  	[tilespmem:s28+$0x70] =	vst v50  }
0x2e5: {  	[tilespmem:s10+$0x70] =	vst v36  }
0x2e6: {  	[tilespmem:s11+$0x70] =	vst v51  }
0x2e7: {  	s5 =	simm.s32 @!p1 $0x4000;
	s1 =	rddreg [dreg:$0xc]  }
0x2e8: {  	s3 =	simm.s32 @!p1 $0x0;
	s11 =	sor.u32 $0x400, s15;
	s1 =	sadd.s32 @!p1 s8, s1  }
0x2e9: {  	[tilespmem:s5], [sflag:$0x3] =	stream.linear.gather @!p1 [hbm4b:s1+s3], $0x2000, $0x38;
	[tilespmem:$0x10000] =	vst v63  }
0x2ea: {  	s13 =	simm.s32 $0xA000;
	s12 =	sadd.s32 s0, s11  }
0x2eb: {  	[hbm4b:s12+s4] =	stream.linear.scatter [tilespmem:s13], [sflag:$0x7], $0x1000, $0x38;
	[tilespmem:$0x10000] =	vst v63  }
0x2ec: {  	s14 =	simm.s32 $0xE000;
	s1 =	sadd.s32 s2, s11  }
0x2ed: {  	[hbm4b:s1+s4] =	stream.linear.scatter [tilespmem:s14], [sflag:$0xB], $0x1000, $0x38;
	[tilespmem:$0x10000] =	vst v63  }
0x2ee: {  	s15 =	simm.s32 $0x0;
	_ =	swait.ge [sflag:s29], $0x2000  }
0x2ef: {  	s19 =	sand.u32 $0x1800, s15;
	[sflag:s29] =	ssyncset.done $0x0  }
0x2f0: {  	s3 =	simm.s32 @!p0 $0x8;
	s1 =	sand.u32 $0x300, s15;
	[sflag:s29] =	ssyncadd.s32 $0xFFFFE000  }
0x2f1: {  	s21 =	sor.u32 s1, s19;
	_ =	swait.ge @!p0 [sflag:s3], $0x1000  }
0x2f2: {  	v52 =	vor.u32 s21, v0;
	[sflag:s3] =	ssyncset.done @!p0 $0x0  }
0x2f3: {  	s1 =	simm.s32 @!p0 $0xC;
	v53 =	vor.u32 s21, v1;
	[sflag:s3] =	ssyncadd.s32 @!p0 $0xFFFFF000  }
0x2f4: {  	_ =	swait.ge @!p0 [sflag:s1], $0x1000  }
0x2f5: {  	[sflag:s1] =	ssyncset.done @!p0 $0x0  }
0x2f6: {  	[sflag:s1] =	ssyncadd.s32 @!p0 $0xFFFFF000  }
0x2f7: {  	v36 =	vld.idx.msk [tilespmem:v52+s18+$0x0], $0xffff  }
0x2f8: {  	v37 =	vld.idx.msk [tilespmem:v53+s18+$0x0], $0xffff  }
0x2f9: {  	v54 =	vor.u32 s21, v2  }
0x2fa: {  	v55 =	vor.u32 s21, v3  }
0x2fb: {  	s1 =	simm.s32 $0xB080  }
0x2fc: {  	s6 =	simm.s32 $0xF080;
	[tilespmem:s1+$0xFFFFFF80] =	vst v36  }
0x2fd: {  	[tilespmem:s6+$0xFFFFFF80] =	vst v37  }
0x2fe: {  	v36 =	vld.idx.msk [tilespmem:v54+s18+$0x0], $0xffff  }
0x2ff: {  	v37 =	vld.idx.msk [tilespmem:v55+s18+$0x0], $0xffff  }
0x300: {  	v56 =	vor.u32 s21, v4  }
0x301: {  	v57 =	vor.u32 s21, v5;
	_ =	sdelay $0x1  }
0x302: {  	[tilespmem:s1+$0x0] =	vst v36  }
0x303: {  	[tilespmem:s6+$0x0] =	vst v37  }
0x304: {  	v36 =	vld.idx.msk [tilespmem:v56+s18+$0x0], $0xffff  }
0x305: {  	v37 =	vld.idx.msk [tilespmem:v57+s18+$0x0], $0xffff  }
0x306: {  	s22 =	simm.s32 $0x100;
	s20 =	simm.s32 $0x200;
	v58 =	vor.u32 s21, v6  }
0x307: {  	s5 =	sand.u32 $0x300, s22;
	v59 =	vor.u32 s21, v7;
	s3 =	sand.u32 $0x1800, s20  }
0x308: {  	s20 =	sor.u32 s5, s3  }
0x309: {  	v60 =	vor.u32 s20, v0;
	[tilespmem:s1+$0xFFFFFF90] =	vst v36  }
0x30a: {  	v62 =	vor.u32 s20, v1;
	[tilespmem:s6+$0xFFFFFF90] =	vst v37  }
0x30b: {  	v36 =	vld.idx.msk [tilespmem:v58+s18+$0x0], $0xffff  }
0x30c: {  	v61 =	vld.idx.msk [tilespmem:v59+s18+$0x0], $0xffff  }
0x30d: {  	v63 =	vor.u32 s21, v8  }
0x30e: {  	v44 =	vor.u32 s21, v9;
	v45 =	vld.idx.msk [tilespmem:v60+s18+$0x0], $0xffff  }
0x30f: {  	v46 =	vld.idx.msk [tilespmem:v62+s18+$0x0], $0xffff  }
0x310: {  	v47 =	vor.u32 s20, v2;
	[tilespmem:s1+$0x10] =	vst v36  }
0x311: {  	v49 =	vor.u32 s20, v3;
	[tilespmem:s6+$0x10] =	vst v61  }
0x312: {  	s3 =	simm.s32 $0xB180;
	v38 =	vld.idx.msk [tilespmem:v63+s18+$0x0], $0xffff  }
0x313: {  	s15 =	simm.s32 $0xF180;
	[tilespmem:s3+$0xFFFFFF80] =	vst v45;
	v48 =	vld.idx.msk [tilespmem:v44+s18+$0x0], $0xffff  }
0x314: {  	v50 =	vor.u32 s21, v10;
	[tilespmem:s15+$0xFFFFFF80] =	vst v46  }
0x315: {  	v51 =	vor.u32 s21, v11;
	v37 =	vld.idx.msk [tilespmem:v47+s18+$0x0], $0xffff  }
0x316: {  	v52 =	vld.idx.msk [tilespmem:v49+s18+$0x0], $0xffff  }
0x317: {  	v54 =	vor.u32 s20, v4;
	[tilespmem:s1+$0xFFFFFFA0] =	vst v38  }
0x318: {  	v55 =	vor.u32 s20, v5;
	[tilespmem:s6+$0xFFFFFFA0] =	vst v48  }
0x319: {  	v53 =	vld.idx.msk [tilespmem:v50+s18+$0x0], $0xffff  }
0x31a: {  	[tilespmem:s3+$0x0] =	vst v37;
	v36 =	vld.idx.msk [tilespmem:v51+s18+$0x0], $0xffff  }
0x31b: {  	v56 =	vor.u32 s21, v12;
	[tilespmem:s15+$0x0] =	vst v52  }
0x31c: {  	v57 =	vor.u32 s21, v13;
	v38 =	vld.idx.msk [tilespmem:v54+s18+$0x0], $0xffff  }
0x31d: {  	s23 =	simm.s32 $0x400;
	s24 =	simm.s32 $0x200;
	v58 =	vld.idx.msk [tilespmem:v55+s18+$0x0], $0xffff  }
0x31e: {  	s10 =	sand.u32 $0x300, s24;
	s5 =	sand.u32 $0x1800, s23;
	v59 =	vor.u32 s20, v6;
	[tilespmem:s1+$0x20] =	vst v53  }
0x31f: {  	s23 =	sor.u32 s10, s5;
	v60 =	vor.u32 s20, v7;
	[tilespmem:s6+$0x20] =	vst v36  }
0x320: {  	v63 =	vor.u32 s23, v0;
	v36 =	vld.idx.msk [tilespmem:v56+s18+$0x0], $0xffff  }
0x321: {  	v49 =	vor.u32 s23, v1;
	[tilespmem:s3+$0xFFFFFF90] =	vst v38;
	v37 =	vld.idx.msk [tilespmem:v57+s18+$0x0], $0xffff  }
0x322: {  	s28 =	sor.u32 $0x80, s21;
	v61 =	vor.u32 s21, v14;
	[tilespmem:s15+$0xFFFFFF90] =	vst v58  }
0x323: {  	v62 =	vor.u32 s28, v15;
	v39 =	vld.idx.msk [tilespmem:v59+s18+$0x0], $0xffff  }
0x324: {  	v48 =	vld.idx.msk [tilespmem:v60+s18+$0x0], $0xffff  }
0x325: {  	v51 =	vor.u32 s20, v8;
	[tilespmem:s1+$0xFFFFFFB0] =	vst v36;
	v36 =	vld.idx.msk [tilespmem:v63+s18+$0x0], $0xffff  }
0x326: {  	v52 =	vor.u32 s20, v9;
	[tilespmem:s6+$0xFFFFFFB0] =	vst v37;
	v37 =	vld.idx.msk [tilespmem:v49+s18+$0x0], $0xffff  }
0x327: {  	v55 =	vor.u32 s23, v2;
	v50 =	vld.idx.msk [tilespmem:v61+s18+$0x0], $0xffff  }
0x328: {  	v53 =	vor.u32 s21, v16;
	v57 =	vor.u32 s23, v3;
	[tilespmem:s3+$0x10] =	vst v39;
	v38 =	vld.idx.msk [tilespmem:v62+s18+$0x0], $0xffff  }
0x329: {  	s24 =	simm.s32 $0xB280;
	v44 =	vand.u32 v17, v53;
	[tilespmem:s15+$0x10] =	vst v48  }
0x32a: {  	s26 =	simm.s32 $0xF280;
	v54 =	vor.u32 s21, v18;
	v40 =	vld.idx.msk [tilespmem:v51+s18+$0x0], $0xffff;
	[tilespmem:s24+$0xFFFFFF80] =	vst v36  }
0x32b: {  	v56 =	vld.idx.msk [tilespmem:v52+s18+$0x0], $0xffff;
	[tilespmem:s26+$0xFFFFFF80] =	vst v37  }
0x32c: {  	v59 =	vor.u32 s20, v10;
	[tilespmem:s1+$0x30] =	vst v50;
	v41 =	vld.idx.msk [tilespmem:v55+s18+$0x0], $0xffff  }
0x32d: {  	v60 =	vor.u32 s20, v11;
	v42 =	vld.idx.msk [tilespmem:v57+s18+$0x0], $0xffff;
	[tilespmem:s6+$0x30] =	vst v38  }
0x32e: {  	v63 =	vor.u32 s23, v4;
	v58 =	vld.idx.msk [tilespmem:v44+s18+$0x0], $0xffff  }
0x32f: {  	v48 =	vor.u32 s23, v5;
	[tilespmem:s3+$0xFFFFFFA0] =	vst v40;
	v39 =	vld.idx.msk [tilespmem:v54+s18+$0x0], $0xffff  }
0x330: {  	v61 =	vor.u32 s21, v19;
	[tilespmem:s15+$0xFFFFFFA0] =	vst v56  }
0x331: {  	v62 =	vor.u32 s21, v20;
	v38 =	vld.idx.msk [tilespmem:v59+s18+$0x0], $0xffff;
	[tilespmem:s24+$0x0] =	vst v41  }
0x332: {  	s25 =	simm.s32 $0x600;
	s12 =	simm.s32 $0x300;
	v36 =	vld.idx.msk [tilespmem:v60+s18+$0x0], $0xffff;
	[tilespmem:s26+$0x0] =	vst v42  }
0x333: {  	s31 =	sand.u32 $0x300, s12;
	s5 =	sand.u32 $0x1800, s25;
	v49 =	vor.u32 s20, v12;
	[tilespmem:s1+$0xFFFFFFC0] =	vst v58;
	v43 =	vld.idx.msk [tilespmem:v63+s18+$0x0], $0xffff  }
0x334: {  	s5 =	sor.u32 s31, s5;
	v50 =	vor.u32 s20, v13;
	[tilespmem:s6+$0xFFFFFFC0] =	vst v39;
	v39 =	vld.idx.msk [tilespmem:v48+s18+$0x0], $0xffff  }
0x335: {  	v60 =	vor.u32 s5, v0;
	v37 =	vld.idx.msk [tilespmem:v61+s18+$0x0], $0xffff  }
0x336: {  	v51 =	vor.u32 s21, v21;
	v54 =	vor.u32 s23, v6;
	[tilespmem:s3+$0x20] =	vst v38;
	v40 =	vld.idx.msk [tilespmem:v62+s18+$0x0], $0xffff  }
0x337: {  	v52 =	vand.u32 v22, v51;
	[tilespmem:s15+$0x20] =	vst v36  }
0x338: {  	v53 =	vor.u32 s21, v23;
	v36 =	vld.idx.msk [tilespmem:v49+s18+$0x0], $0xffff;
	[tilespmem:s24+$0xFFFFFF90] =	vst v43  }
0x339: {  	v55 =	vor.u32 s23, v7;
	v41 =	vld.idx.msk [tilespmem:v50+s18+$0x0], $0xffff;
	[tilespmem:s26+$0xFFFFFF90] =	vst v39  }
0x33a: {  	v56 =	vor.u32 s20, v14;
	v49 =	vld.idx.msk [tilespmem:v60+s18+$0x0], $0xffff;
	[tilespmem:s1+$0x40] =	vst v37  }
0x33b: {  	s30 =	sor.u32 $0x80, s20;
	v61 =	vor.u32 s5, v1;
	v37 =	vld.idx.msk [tilespmem:v54+s18+$0x0], $0xffff;
	[tilespmem:s6+$0x40] =	vst v40  }
0x33c: {  	v57 =	vor.u32 s30, v15;
	v42 =	vld.idx.msk [tilespmem:v52+s18+$0x0], $0xffff  }
0x33d: {  	[tilespmem:s3+$0xFFFFFFB0] =	vst v36;
	v38 =	vld.idx.msk [tilespmem:v53+s18+$0x0], $0xffff  }
0x33e: {  	v58 =	vor.u32 s21, v24;
	[tilespmem:s15+$0xFFFFFFB0] =	vst v41;
	v40 =	vld.idx.msk [tilespmem:v55+s18+$0x0], $0xffff  }
0x33f: {  	s10 =	simm.s32 $0xB380;
	v59 =	vor.u32 s21, v25;
	v44 =	vld.idx.msk [tilespmem:v56+s18+$0x0], $0xffff  }
0x340: {  	v63 =	vor.u32 s23, v9;
	v52 =	vld.idx.msk [tilespmem:v61+s18+$0x0], $0xffff;
	[tilespmem:s10+$0xFFFFFF80] =	vst v49  }
0x341: {  	v48 =	vor.u32 s20, v16;
	v62 =	vor.u32 s23, v8;
	v43 =	vld.idx.msk [tilespmem:v57+s18+$0x0], $0xffff;
	[tilespmem:s1+$0xFFFFFFD0] =	vst v42  }
0x342: {  	v46 =	vand.u32 v17, v48;
	[tilespmem:s6+$0xFFFFFFD0] =	vst v38  }
0x343: {  	v55 =	vor.u32 s5, v2;
	[tilespmem:s24+$0x10] =	vst v37;
	v39 =	vld.idx.msk [tilespmem:v58+s18+$0x0], $0xffff  }
0x344: {  	v51 =	vor.u32 s21, v26;
	v50 =	vor.u32 s20, v18;
	[tilespmem:s26+$0x10] =	vst v40;
	v36 =	vld.idx.msk [tilespmem:v59+s18+$0x0], $0xffff  }
0x345: {  	v53 =	vand.u32 v27, v51;
	[tilespmem:s3+$0x30] =	vst v44;
	v45 =	vld.idx.msk [tilespmem:v63+s18+$0x0], $0xffff  }
0x346: {  	s11 =	simm.s32 $0xF380;
	v54 =	vor.u32 s21, v28;
	[tilespmem:s15+$0x30] =	vst v43;
	v38 =	vld.idx.msk [tilespmem:v62+s18+$0x0], $0xffff  }
0x347: {  	v56 =	vor.u32 s5, v3;
	[tilespmem:s11+$0xFFFFFF80] =	vst v52;
	v46 =	vld.idx.msk [tilespmem:v46+s18+$0x0], $0xffff  }
0x348: {  	v57 =	vor.u32 s23, v10;
	v43 =	vld.idx.msk [tilespmem:v55+s18+$0x0], $0xffff;
	[tilespmem:s1+$0x50] =	vst v39  }
0x349: {  	v58 =	vld.idx.msk [tilespmem:v50+s18+$0x0], $0xffff;
	v59 =	vor.u32 s23, v11;
	[tilespmem:s6+$0x50] =	vst v36  }
0x34a: {  	v61 =	vor.u32 s20, v19;
	v60 =	vld.idx.msk [tilespmem:v53+s18+$0x0], $0xffff  }
0x34b: {  	v62 =	vor.u32 s20, v20;
	[tilespmem:s24+$0xFFFFFFA0] =	vst v38;
	v44 =	vld.idx.msk [tilespmem:v54+s18+$0x0], $0xffff  }
0x34c: {  	v49 =	vld.idx.msk [tilespmem:v56+s18+$0x0], $0xffff;
	v50 =	vor.u32 s21, v29;
	[tilespmem:s26+$0xFFFFFFA0] =	vst v45  }
0x34d: {  	v51 =	vor.u32 s21, v30;
	[tilespmem:s3+$0xFFFFFFC0] =	vst v46;
	v41 =	vld.idx.msk [tilespmem:v57+s18+$0x0], $0xffff  }
0x34e: {  	v46 =	vor.u32 s5, v4;
	[tilespmem:s15+$0xFFFFFFC0] =	vst v58;
	v42 =	vld.idx.msk [tilespmem:v59+s18+$0x0], $0xffff  }
0x34f: {  	v45 =	vor.u32 s5, v5;
	v39 =	vld.idx.msk [tilespmem:v61+s18+$0x0], $0xffff;
	[tilespmem:s1+$0xFFFFFFE0] =	vst v60  }
0x350: {  	v36 =	vld.idx.msk [tilespmem:v62+s18+$0x0], $0xffff;
	[tilespmem:s6+$0xFFFFFFE0] =	vst v44;
	v44 =	vor.u32 s23, v12  }
0x351: {  	v63 =	vor.u32 s20, v21;
	[tilespmem:s10+$0x0] =	vst v43;
	v43 =	vor.u32 s23, v13;
	v37 =	vld.idx.msk [tilespmem:v50+s18+$0x0], $0xffff  }
0x352: {  	s9 =	sadd.s32 $0x60, s9;
	s13 =	simm.s32 $0x800;
	v40 =	vand.u32 v22, v63;
	[tilespmem:s11+$0x0] =	vst v49;
	v38 =	vld.idx.msk [tilespmem:v51+s18+$0x0], $0xffff  }
.LBB2_9:
0x353: {  	p0 =	sne.s32 s13, $0x1E00;
	v46 =	vld.idx.msk [tilespmem:v46+s18+$0x0], $0xffff;
	[tilespmem:s24+$0x20] =	vst v41;
	v41 =	vor.u32 s20, v23;
	v47 =	vor.u32 s21, v31  }
0x354: {  	v45 =	vld.idx.msk [tilespmem:v45+s18+$0x0], $0xffff;
	[tilespmem:s26+$0x20] =	vst v42;
	v42 =	vand.u32 v32, v47  }
0x355: {  	v44 =	vld.idx.msk [tilespmem:v44+s18+$0x0], $0xffff;
	[tilespmem:s3+$0x40] =	vst v39;
	v39 =	vor.u32 s21, v33  }
0x356: {  	v47 =	vor.u32 s5, v6;
	v43 =	vld.idx.msk [tilespmem:v43+s18+$0x0], $0xffff;
	[tilespmem:s15+$0x40] =	vst v36  }
0x357: {  	v36 =	vor.u32 s5, v7;
	v40 =	vld.idx.msk [tilespmem:v40+s18+$0x0], $0xffff;
	[tilespmem:s1+$0x60] =	vst v37  }
0x358: {  	s14 =	sor.u32 $0x80, s23;
	v37 =	vor.u32 s23, v14;
	v41 =	vld.idx.msk [tilespmem:v41+s18+$0x0], $0xffff;
	[tilespmem:s6+$0x60] =	vst v38  }
0x359: {  	v38 =	vor.u32 s14, v15;
	[tilespmem:s10+$0xFFFFFF90] =	vst v46;
	v42 =	vld.idx.msk [tilespmem:v42+s18+$0x0], $0xffff  }
0x35a: {  	[tilespmem:s11+$0xFFFFFF90] =	vst v45;
	v45 =	vor.u32 s20, v24;
	v39 =	vld.idx.msk [tilespmem:v39+s18+$0x0], $0xffff  }
0x35b: {  	s12 =	sadd.s32 $0x100, s12;
	v46 =	vld.idx.msk [tilespmem:v47+s18+$0x0], $0xffff;
	[tilespmem:s24+$0xFFFFFFB0] =	vst v44;
	v44 =	vor.u32 s20, v25  }
0x35c: {  	s19 =	sand.u32 $0x1800, s13;
	s22 =	sand.u32 $0x300, s12;
	v36 =	vld.idx.msk [tilespmem:v36+s18+$0x0], $0xffff;
	[tilespmem:s26+$0xFFFFFFB0] =	vst v43;
	v43 =	vor.u32 s21, v34;
	s21 =	smov.u32 s20  }
0x35d: {  	s19 =	sor.u32 s22, s19;
	v37 =	vld.idx.msk [tilespmem:v37+s18+$0x0], $0xffff;
	[tilespmem:s3+$0xFFFFFFD0] =	vst v40;
	v40 =	vor.u32 s28, v35;
	s28 =	smov.u32 s30;
	s30 =	smov.u32 s14  }
0x35e: {  	v47 =	vor.u32 s19, v0;
	s20 =	smov.u32 s23;
	s23 =	smov.u32 s5;
	s5 =	smov.u32 s19;
	v38 =	vld.idx.msk [tilespmem:v38+s18+$0x0], $0xffff;
	[tilespmem:s15+$0xFFFFFFD0] =	vst v41  }
0x35f: {  	v41 =	vor.u32 s5, v1;
	v45 =	vld.idx.msk [tilespmem:v45+s18+$0x0], $0xffff;
	[tilespmem:s1+$0xFFFFFFF0] =	vst v42  }
0x360: {  	v42 =	vor.u32 s23, v8;
	v44 =	vld.idx.msk [tilespmem:v44+s18+$0x0], $0xffff;
	[tilespmem:s6+$0xFFFFFFF0] =	vst v39  }
0x361: {  	v39 =	vor.u32 s23, v9;
	[tilespmem:s10+$0x10] =	vst v46;
	v46 =	vor.u32 s20, v16;
	v43 =	vld.idx.msk [tilespmem:v43+s18+$0x0], $0xffff  }
0x362: {  	[tilespmem:s11+$0x10] =	vst v36;
	v36 =	vand.u32 v17, v46;
	v40 =	vld.idx.msk [tilespmem:v40+s18+$0x0], $0xffff  }
0x363: {  	v46 =	vld.idx.msk [tilespmem:v47+s18+$0x0], $0xffff;
	[tilespmem:s24+$0x30] =	vst v37;
	v37 =	vor.u32 s20, v18;
	v47 =	vor.u32 s21, v26  }
0x364: {  	v41 =	vld.idx.msk [tilespmem:v41+s18+$0x0], $0xffff;
	[tilespmem:s26+$0x30] =	vst v38;
	v38 =	vand.u32 v27, v47  }
0x365: {  	v42 =	vld.idx.msk [tilespmem:v42+s18+$0x0], $0xffff;
	[tilespmem:s3+$0x50] =	vst v45;
	v45 =	vor.u32 s21, v28  }
0x366: {  	v47 =	vor.u32 s5, v2;
	v39 =	vld.idx.msk [tilespmem:v39+s18+$0x0], $0xffff;
	[tilespmem:s15+$0x50] =	vst v44  }
0x367: {  	v44 =	vor.u32 s5, v3;
	v36 =	vld.idx.msk [tilespmem:v36+s18+$0x0], $0xffff;
	[tilespmem:s1+$0x70] =	vst v43;
	s1 =	smov.u32 s3;
	s3 =	smov.u32 s24;
	s24 =	smov.u32 s10  }
0x368: {  	v43 =	vor.u32 s23, v10;
	s10 =	sadd.s32 $0x100, s10;
	v37 =	vld.idx.msk [tilespmem:v37+s18+$0x0], $0xffff;
	[tilespmem:s6+$0x70] =	vst v40;
	s6 =	smov.u32 s15;
	s15 =	smov.u32 s26  }
0x369: {  	v40 =	vor.u32 s23, v11;
	s26 =	smov.u32 s11;
	s11 =	sadd.s32 $0x100, s11;
	[tilespmem:s10+$0xFFFFFF80] =	vst v46;
	v38 =	vld.idx.msk [tilespmem:v38+s18+$0x0], $0xffff  }
0x36a: {  	v48 =	vor.u32 s20, v19;
	[tilespmem:s11+$0xFFFFFF80] =	vst v41;
	v49 =	vld.idx.msk [tilespmem:v45+s18+$0x0], $0xffff  }
0x36b: {  	v50 =	vor.u32 s20, v20;
	v47 =	vld.idx.msk [tilespmem:v47+s18+$0x0], $0xffff;
	[tilespmem:s24+$0xFFFFFFA0] =	vst v42  }
0x36c: {  	v52 =	vor.u32 s21, v29;
	v51 =	vld.idx.msk [tilespmem:v44+s18+$0x0], $0xffff;
	[tilespmem:s26+$0xFFFFFFA0] =	vst v39  }
0x36d: {  	v53 =	vor.u32 s21, v30;
	v41 =	vld.idx.msk [tilespmem:v43+s18+$0x0], $0xffff;
	[tilespmem:s3+$0xFFFFFFC0] =	vst v36  }
.Ltmp3:
0x36e: {  	v46 =	vor.u32 s5, v4;
	v42 =	vld.idx.msk [tilespmem:v40+s18+$0x0], $0xffff;
	[tilespmem:s15+$0xFFFFFFC0] =	vst v37;
	(pc) =	sbr.rel @p0 .LBB2_9-.Ltmp3, $4  }
0x36f: {  	v45 =	vor.u32 s5, v5;
	v39 =	vld.idx.msk [tilespmem:v48+s18+$0x0], $0xffff;
	[tilespmem:s1+$0xFFFFFFE0] =	vst v38  }
0x370: {  	v44 =	vor.u32 s23, v12;
	v36 =	vld.idx.msk [tilespmem:v50+s18+$0x0], $0xffff;
	[tilespmem:s6+$0xFFFFFFE0] =	vst v49  }
0x371: {  	v43 =	vor.u32 s23, v13;
	v38 =	vor.u32 s20, v21;
	[tilespmem:s10+$0x0] =	vst v47;
	v37 =	vld.idx.msk [tilespmem:v52+s18+$0x0], $0xffff  }
0x372: {  	s13 =	sadd.s32 $0x200, s13;
	v40 =	vand.u32 v22, v38;
	[tilespmem:s11+$0x0] =	vst v51;
	v38 =	vld.idx.msk [tilespmem:v53+s18+$0x0], $0xffff  }
0x373: {  	_ =	sdelay $0x3  }
0x374: {  	v46 =	vld.idx.msk [tilespmem:v46+s18+$0x0], $0xffff  }
0x375: {  	v45 =	vld.idx.msk [tilespmem:v45+s18+$0x0], $0xffff  }
0x376: {  	v47 =	vor.u32 s5, v6  }
0x377: {  	v48 =	vor.u32 s5, v7;
	_ =	sdelay $0x1  }
0x378: {  	[tilespmem:s10+$0xFFFFFF90] =	vst v46  }
0x379: {  	[tilespmem:s11+$0xFFFFFF90] =	vst v45  }
0x37a: {  	v45 =	vld.idx.msk [tilespmem:v47+s18+$0x0], $0xffff  }
0x37b: {  	v46 =	vld.idx.msk [tilespmem:v48+s18+$0x0], $0xffff  }
0x37c: {  	v56 =	vor.u32 s5, v8  }
0x37d: {  	v57 =	vor.u32 s5, v9;
	_ =	sdelay $0x1  }
0x37e: {  	[tilespmem:s10+$0x10] =	vst v45  }
0x37f: {  	[tilespmem:s11+$0x10] =	vst v46  }
0x380: {  	v45 =	vld.idx.msk [tilespmem:v56+s18+$0x0], $0xffff  }
0x381: {  	v46 =	vld.idx.msk [tilespmem:v57+s18+$0x0], $0xffff  }
0x382: {  	v58 =	vor.u32 s5, v10  }
0x383: {  	v59 =	vor.u32 s5, v11;
	_ =	sdelay $0x1  }
0x384: {  	[tilespmem:s10+$0xFFFFFFA0] =	vst v45  }
0x385: {  	[tilespmem:s11+$0xFFFFFFA0] =	vst v46  }
0x386: {  	v45 =	vld.idx.msk [tilespmem:v58+s18+$0x0], $0xffff  }
0x387: {  	v46 =	vld.idx.msk [tilespmem:v59+s18+$0x0], $0xffff  }
0x388: {  	v60 =	vor.u32 s5, v12  }
0x389: {  	[tilespmem:s24+$0x20] =	vst v41;
	v61 =	vor.u32 s5, v13  }
0x38a: {  	[tilespmem:s26+$0x20] =	vst v42  }
0x38b: {  	v42 =	vld.idx.msk [tilespmem:v44+s18+$0x0], $0xffff;
	[tilespmem:s10+$0x20] =	vst v45  }
0x38c: {  	v43 =	vld.idx.msk [tilespmem:v43+s18+$0x0], $0xffff;
	[tilespmem:s11+$0x20] =	vst v46  }
0x38d: {  	s13 =	sor.u32 $0x80, s23;
	v62 =	vor.u32 s23, v14;
	v45 =	vld.idx.msk [tilespmem:v60+s18+$0x0], $0xffff  }
0x38e: {  	v63 =	vor.u32 s13, v15;
	v41 =	vld.idx.msk [tilespmem:v61+s18+$0x0], $0xffff  }
0x38f: {  	s12 =	sor.u32 $0x80, s5;
	v48 =	vor.u32 s5, v14  }
0x390: {  	v49 =	vor.u32 s12, v15;
	[tilespmem:s24+$0xFFFFFFB0] =	vst v42  }
0x391: {  	[tilespmem:s26+$0xFFFFFFB0] =	vst v43  }
0x392: {  	v43 =	vld.idx.msk [tilespmem:v62+s18+$0x0], $0xffff;
	[tilespmem:s10+$0xFFFFFFB0] =	vst v45  }
0x393: {  	v51 =	vor.u32 s23, v16;
	v50 =	vld.idx.msk [tilespmem:v63+s18+$0x0], $0xffff;
	[tilespmem:s11+$0xFFFFFFB0] =	vst v41  }
0x394: {  	v52 =	vand.u32 v17, v51;
	v53 =	vld.idx.msk [tilespmem:v48+s18+$0x0], $0xffff  }
0x395: {  	v54 =	vor.u32 s23, v18;
	v55 =	vor.u32 s5, v16;
	v42 =	vld.idx.msk [tilespmem:v49+s18+$0x0], $0xffff  }
0x396: {  	v47 =	vand.u32 v17, v55  }
0x397: {  	[tilespmem:s24+$0x30] =	vst v43;
	v56 =	vor.u32 s5, v18  }
0x398: {  	[tilespmem:s26+$0x30] =	vst v50  }
0x399: {  	v41 =	vld.idx.msk [tilespmem:v52+s18+$0x0], $0xffff;
	[tilespmem:s10+$0x30] =	vst v53  }
0x39a: {  	v44 =	vld.idx.msk [tilespmem:v54+s18+$0x0], $0xffff;
	[tilespmem:s11+$0x30] =	vst v42  }
0x39b: {  	v57 =	vor.u32 s23, v19;
	v45 =	vld.idx.msk [tilespmem:v47+s18+$0x0], $0xffff  }
0x39c: {  	v58 =	vor.u32 s23, v20;
	v43 =	vld.idx.msk [tilespmem:v56+s18+$0x0], $0xffff  }
0x39d: {  	[tilespmem:s3+$0x40] =	vst v39;
	v59 =	vor.u32 s5, v19  }
0x39e: {  	v60 =	vor.u32 s5, v20;
	[tilespmem:s24+$0xFFFFFFC0] =	vst v41  }
0x39f: {  	[tilespmem:s26+$0xFFFFFFC0] =	vst v44  }
0x3a0: {  	v61 =	vor.u32 s20, v23;
	v42 =	vld.idx.msk [tilespmem:v57+s18+$0x0], $0xffff;
	[tilespmem:s10+$0xFFFFFFC0] =	vst v45  }
0x3a1: {  	v55 =	vor.u32 s21, v33;
	v48 =	vor.u32 s23, v21;
	v46 =	vld.idx.msk [tilespmem:v58+s18+$0x0], $0xffff;
	[tilespmem:s11+$0xFFFFFFC0] =	vst v43  }
0x3a2: {  	[tilespmem:s15+$0x40] =	vst v36;
	v49 =	vand.u32 v22, v48;
	v39 =	vld.idx.msk [tilespmem:v59+s18+$0x0], $0xffff  }
0x3a3: {  	v51 =	vor.u32 s5, v21;
	[tilespmem:s1+$0x60] =	vst v37;
	v50 =	vor.u32 s23, v23;
	v41 =	vld.idx.msk [tilespmem:v60+s18+$0x0], $0xffff  }
0x3a4: {  	v40 =	vld.idx.msk [tilespmem:v40+s18+$0x0], $0xffff;
	[tilespmem:s6+$0x60] =	vst v38;
	v52 =	vand.u32 v22, v51  }
0x3a5: {  	v62 =	vor.u32 s21, v31;
	v54 =	vor.u32 s5, v23;
	v53 =	vld.idx.msk [tilespmem:v61+s18+$0x0], $0xffff;
	[tilespmem:s24+$0x40] =	vst v42  }
0x3a6: {  	v63 =	vand.u32 v32, v62;
	v44 =	vld.idx.msk [tilespmem:v55+s18+$0x0], $0xffff;
	[tilespmem:s26+$0x40] =	vst v46  }
0x3a7: {  	v56 =	vor.u32 s20, v24;
	v36 =	vld.idx.msk [tilespmem:v49+s18+$0x0], $0xffff;
	[tilespmem:s10+$0x40] =	vst v39  }
0x3a8: {  	v57 =	vor.u32 s20, v25;
	v37 =	vld.idx.msk [tilespmem:v50+s18+$0x0], $0xffff;
	[tilespmem:s11+$0x40] =	vst v41  }
0x3a9: {  	v58 =	vor.u32 s23, v24;
	v38 =	vld.idx.msk [tilespmem:v52+s18+$0x0], $0xffff  }
0x3aa: {  	[tilespmem:s3+$0xFFFFFFD0] =	vst v40;
	v59 =	vor.u32 s23, v25;
	v42 =	vld.idx.msk [tilespmem:v54+s18+$0x0], $0xffff  }
0x3ab: {  	[tilespmem:s15+$0xFFFFFFD0] =	vst v53;
	v45 =	vld.idx.msk [tilespmem:v63+s18+$0x0], $0xffff;
	v60 =	vor.u32 s5, v24  }
0x3ac: {  	v61 =	vor.u32 s5, v25;
	v46 =	vld.idx.msk [tilespmem:v56+s18+$0x0], $0xffff;
	[tilespmem:s24+$0xFFFFFFD0] =	vst v36  }
0x3ad: {  	v62 =	vor.u32 s20, v26;
	v39 =	vld.idx.msk [tilespmem:v57+s18+$0x0], $0xffff;
	[tilespmem:s26+$0xFFFFFFD0] =	vst v37  }
0x3ae: {  	v63 =	vand.u32 v27, v62;
	v41 =	vld.idx.msk [tilespmem:v58+s18+$0x0], $0xffff;
	[tilespmem:s10+$0xFFFFFFD0] =	vst v38  }
0x3af: {  	v48 =	vor.u32 s20, v28;
	v49 =	vor.u32 s23, v26;
	v40 =	vld.idx.msk [tilespmem:v59+s18+$0x0], $0xffff;
	[tilespmem:s11+$0xFFFFFFD0] =	vst v42  }
0x3b0: {  	v50 =	vand.u32 v27, v49;
	[tilespmem:s1+$0xFFFFFFF0] =	vst v45;
	v43 =	vld.idx.msk [tilespmem:v60+s18+$0x0], $0xffff  }
0x3b1: {  	v51 =	vor.u32 s23, v28;
	[tilespmem:s3+$0x50] =	vst v46;
	v52 =	vor.u32 s5, v26;
	v36 =	vld.idx.msk [tilespmem:v61+s18+$0x0], $0xffff  }
0x3b2: {  	v53 =	vand.u32 v27, v52;
	[tilespmem:s15+$0x50] =	vst v39  }
0x3b3: {  	v54 =	vor.u32 s5, v28;
	v37 =	vld.idx.msk [tilespmem:v63+s18+$0x0], $0xffff;
	[tilespmem:s24+$0x50] =	vst v41  }
0x3b4: {  	v55 =	vor.u32 s21, v34;
	v38 =	vld.idx.msk [tilespmem:v48+s18+$0x0], $0xffff;
	[tilespmem:s26+$0x50] =	vst v40  }
0x3b5: {  	v56 =	vor.u32 s20, v29;
	v42 =	vld.idx.msk [tilespmem:v50+s18+$0x0], $0xffff;
	[tilespmem:s10+$0x50] =	vst v43  }
0x3b6: {  	v57 =	vor.u32 s20, v30;
	v45 =	vld.idx.msk [tilespmem:v51+s18+$0x0], $0xffff;
	[tilespmem:s11+$0x50] =	vst v36  }
0x3b7: {  	[tilespmem:s6+$0xFFFFFFF0] =	vst v44;
	v58 =	vor.u32 s23, v29;
	v39 =	vld.idx.msk [tilespmem:v53+s18+$0x0], $0xffff  }
0x3b8: {  	v59 =	vor.u32 s23, v30;
	[tilespmem:s3+$0xFFFFFFE0] =	vst v37;
	v41 =	vld.idx.msk [tilespmem:v54+s18+$0x0], $0xffff  }
0x3b9: {  	v44 =	vld.idx.msk [tilespmem:v55+s18+$0x0], $0xffff;
	v60 =	vor.u32 s5, v29;
	[tilespmem:s15+$0xFFFFFFE0] =	vst v38  }
0x3ba: {  	v61 =	vor.u32 s5, v30;
	v40 =	vld.idx.msk [tilespmem:v56+s18+$0x0], $0xffff;
	[tilespmem:s24+$0xFFFFFFE0] =	vst v42  }
0x3bb: {  	v62 =	vor.u32 s28, v35;
	v63 =	vor.u32 s20, v31;
	v43 =	vld.idx.msk [tilespmem:v57+s18+$0x0], $0xffff;
	[tilespmem:s26+$0xFFFFFFE0] =	vst v45  }
0x3bc: {  	v48 =	vand.u32 v32, v63;
	v36 =	vld.idx.msk [tilespmem:v58+s18+$0x0], $0xffff;
	[tilespmem:s10+$0xFFFFFFE0] =	vst v39  }
0x3bd: {  	v49 =	vor.u32 s20, v33;
	v50 =	vor.u32 s23, v31;
	v37 =	vld.idx.msk [tilespmem:v59+s18+$0x0], $0xffff;
	[tilespmem:s11+$0xFFFFFFE0] =	vst v41  }
0x3be: {  	v51 =	vand.u32 v32, v50;
	v38 =	vld.idx.msk [tilespmem:v60+s18+$0x0], $0xffff  }
0x3bf: {  	v52 =	vor.u32 s23, v33;
	v53 =	vor.u32 s5, v31;
	[tilespmem:s3+$0x60] =	vst v40;
	v42 =	vld.idx.msk [tilespmem:v61+s18+$0x0], $0xffff  }
0x3c0: {  	v46 =	vld.idx.msk [tilespmem:v62+s18+$0x0], $0xffff;
	v54 =	vand.u32 v32, v53;
	[tilespmem:s15+$0x60] =	vst v43  }
0x3c1: {  	v55 =	vor.u32 s5, v33;
	v45 =	vld.idx.msk [tilespmem:v48+s18+$0x0], $0xffff;
	[tilespmem:s24+$0x60] =	vst v36  }
0x3c2: {  	v39 =	vld.idx.msk [tilespmem:v49+s18+$0x0], $0xffff;
	[tilespmem:s26+$0x60] =	vst v37  }
0x3c3: {  	v56 =	vor.u32 s20, v34;
	v41 =	vld.idx.msk [tilespmem:v51+s18+$0x0], $0xffff;
	[tilespmem:s10+$0x60] =	vst v38  }
0x3c4: {  	v57 =	vor.u32 s30, v35;
	v40 =	vld.idx.msk [tilespmem:v52+s18+$0x0], $0xffff;
	[tilespmem:s11+$0x60] =	vst v42  }
0x3c5: {  	[tilespmem:s1+$0x70] =	vst v44;
	v58 =	vor.u32 s23, v34;
	v43 =	vld.idx.msk [tilespmem:v54+s18+$0x0], $0xffff  }
0x3c6: {  	v59 =	vor.u32 s13, v35;
	[tilespmem:s3+$0xFFFFFFF0] =	vst v45;
	v36 =	vld.idx.msk [tilespmem:v55+s18+$0x0], $0xffff  }
0x3c7: {  	v60 =	vor.u32 s5, v34;
	[tilespmem:s15+$0xFFFFFFF0] =	vst v39  }
0x3c8: {  	v61 =	vor.u32 s12, v35;
	v37 =	vld.idx.msk [tilespmem:v56+s18+$0x0], $0xffff;
	[tilespmem:s24+$0xFFFFFFF0] =	vst v41  }
0x3c9: {  	v38 =	vld.idx.msk [tilespmem:v57+s18+$0x0], $0xffff;
	[tilespmem:s26+$0xFFFFFFF0] =	vst v40  }
0x3ca: {  	v40 =	vld.idx.msk [tilespmem:v58+s18+$0x0], $0xffff;
	[tilespmem:s10+$0xFFFFFFF0] =	vst v43  }
0x3cb: {  	v62 =	vld.idx.msk [tilespmem:v59+s18+$0x0], $0xffff;
	[tilespmem:s11+$0xFFFFFFF0] =	vst v36  }
0x3cc: {  	[tilespmem:s6+$0x70] =	vst v46;
	v36 =	vld.idx.msk [tilespmem:v60+s18+$0x0], $0xffff  }
0x3cd: {  	[tilespmem:s3+$0x70] =	vst v37;
	v63 =	vld.idx.msk [tilespmem:v61+s18+$0x0], $0xffff  }
0x3ce: {  	[tilespmem:s15+$0x70] =	vst v38  }
0x3cf: {  	[tilespmem:s24+$0x70] =	vst v40  }
0x3d0: {  	[tilespmem:s26+$0x70] =	vst v62  }
0x3d1: {  	[tilespmem:s10+$0x70] =	vst v36  }
0x3d2: {  	s7 =	sadd.s32 $0x1, s7;
	[tilespmem:s11+$0x70] =	vst v63  }
0x3d3: {  	p0 =	sne.s32 s7, $0x40;
	s5 =	simm.s32 @!p1 $0x6000;
	s1 =	rddreg [dreg:$0xd]  }
0x3d4: {  	s3 =	simm.s32 @!p1 $0x0;
	s26 =	sshll.u32 s9, $0x4;
	s1 =	sadd.s32 @!p1 s8, s1  }
0x3d5: {  	[tilespmem:s5], [sflag:$0x4] =	stream.linear.gather @!p1 [hbm4b:s1+s3], $0x2000, $0x38;
	[tilespmem:$0x10000] =	vst v63  }
.Ltmp4:
0x3d6: {  	s1 =	sand.u32 $0x1FFFFE00, s26;
	(pc) =	sbr.rel @p0 .LBB2_2-.Ltmp4, $4  }
0x3d7: {  	s30 =	simm.s32 $0xB000;
	s28 =	sadd.s32 s0, s1  }
0x3d8: {  	[hbm4b:s28+s4] =	stream.linear.scatter [tilespmem:s30], [sflag:$0x8], $0x1000, $0x38;
	[tilespmem:$0x10000] =	vst v63  }
0x3d9: {  	s31 =	simm.s32 $0xF000;
	s1 =	sadd.s32 s2, s1  }
0x3da: {  	[hbm4b:s1+s4] =	stream.linear.scatter [tilespmem:s31], [sflag:$0xC], $0x1000, $0x38;
	[tilespmem:$0x10000] =	vst v63  }
0x3db: {  	s1 =	simm.s32 $0x5  }
0x3dc: {  	_ =	swait.ge [sflag:s1], $0x1000  }
0x3dd: {  	[sflag:s1] =	ssyncset.done $0x0  }
0x3de: {  	s23 =	simm.s32 $0x9;
	[sflag:s1] =	ssyncadd.s32 $0xFFFFF000  }
0x3df: {  	_ =	swait.ge [sflag:s23], $0x1000  }
0x3e0: {  	[sflag:s23] =	ssyncset.done $0x0  }
0x3e1: {  	s24 =	simm.s32 $0x6;
	[sflag:s23] =	ssyncadd.s32 $0xFFFFF000  }
0x3e2: {  	_ =	swait.ge [sflag:s24], $0x1000  }
0x3e3: {  	[sflag:s24] =	ssyncset.done $0x0  }
0x3e4: {  	s25 =	simm.s32 $0xA;
	[sflag:s24] =	ssyncadd.s32 $0xFFFFF000  }
0x3e5: {  	_ =	swait.ge [sflag:s25], $0x1000  }
0x3e6: {  	[sflag:s25] =	ssyncset.done $0x0  }
0x3e7: {  	s26 =	simm.s32 $0x7;
	[sflag:s25] =	ssyncadd.s32 $0xFFFFF000  }
0x3e8: {  	_ =	swait.ge [sflag:s26], $0x1000  }
0x3e9: {  	[sflag:s26] =	ssyncset.done $0x0  }
0x3ea: {  	s28 =	simm.s32 $0xB;
	[sflag:s26] =	ssyncadd.s32 $0xFFFFF000  }
0x3eb: {  	_ =	swait.ge [sflag:s28], $0x1000  }
0x3ec: {  	[sflag:s28] =	ssyncset.done $0x0  }
0x3ed: {  	s30 =	simm.s32 $0x8;
	[sflag:s28] =	ssyncadd.s32 $0xFFFFF000  }
0x3ee: {  	_ =	swait.ge [sflag:s30], $0x1000  }
0x3ef: {  	[sflag:s30] =	ssyncset.done $0x0  }
0x3f0: {  	s3 =	simm.s32 $0xC;
	[sflag:s30] =	ssyncadd.s32 $0xFFFFF000  }
0x3f1: {  	_ =	swait.ge [sflag:s3], $0x1000  }
0x3f2: {  	s5 =	rddreg [dreg:$0xf]  }
0x3f3: {  	s31 =	rddreg [dreg:$0xe];
	s5 =	sadd.s32 $0x1, s5  }
0x3f4: {  	p0 =	sne.s32 s5, s31  }
.Ltmp5:
0x3f5: {  	_ = 	snop;
	(pc) =	sbr.rel @p0 .LBB2_1-.Ltmp5, $3  }
0x3f6: {  	_ =	sdelay $0x1  }
0x3f7: {  	[sflag:s3] =	ssyncset.done $0x0  }
0x3f8: {  	[sflag:s3] =	ssyncadd.s32 $0xFFFFF000  }
0x3f9: {  	_ =	sfence.sel $0x180000  }
0x3fa: {  	[bflag:$0x0] =	sbarrier.arrive $0xFFFF  }
0x3fb: {  	_ =	strace $0x90000047  }
0x3fc: {  	s0 =	stileid.u32;
	[bflag:$0x2] =	sbarrier.arrive $0xFFFF  }
0x3fd: {  	p0 =	sne.s32 s0, $0x0;
	s0 =	rddreg [dreg:$0x3]  }
0x3fe: {  	s0 =	sadd.s32 @!p0 $0x100000, s0  }
0x3ff: {  	[sflag:s0] =	ssyncadd.tile.s32 @!p0 $0x1;
	_ =	shalt  }
.Lfunc_end2:
_tile_overlayer_lowered:
.L_overlay_start_2:
0x400: {  	(tag) =	ssettag $0x2  }
0x401: {  	s0 =	rddreg [dreg:$0x0];
	s2 =	stileid.u32  }
0x402: {  	s1 =	rddreg [dreg:$0x1];
	p0 =	sne.s32 s2, $0x0  }
0x403: {  	s3 =	rddreg [dreg:$0x2];
	[bflag:$0x3] =	sbarrier.arrive $0xFFFF;
	s2 =	simm.s32 @!p0 $0x1C0D  }
0x404: {  	[timem:s3], [sflag:s2] =	dma.local @!p0 [hbm:s0], s1  }
0x405: {  	s0 =	simm.s32 @!p0 $0xD  }
0x406: {  	_ =	swait.ge @!p0 [sflag:s0], s1  }
0x407: {  	s1 =	ssub.s32 @!p0 $0x0, s1;
	[sflag:s0] =	ssyncset.done @!p0 $0x0  }
0x408: {  	[sflag:s0] =	ssyncadd.s32 @!p0 s1  }
0x409: {  	[bflag:$0x3] =	sbarrier.arrive $0xFFFF  }
0x40a: {  	_ =	shalt  }

</sc_bundles>
